<compile_context>
chip_gen: v7x
topology: tpu7x:2x2x1
jax: 0.10.2.dev20260603
libtpu: 0.0.44.dev20260713+nightly
codegen_flags: <defaults>
</compile_context>

<pallas_src>
import functools

import jax
import jax.numpy as jnp
from jax import lax
from jax.experimental import pallas as pl
from jax.experimental.pallas import tpu as pltpu
from jax.experimental.pallas import tpu_sc as plsc

N = 10000
D = 128
E = 320000
NC = 2
NS = 16
NW = NC * NS
CH = 128
CPT = 80
EPT = CH * CPT
E_PAD = NW * EPT
N_PAD = 10240
RPT = N_PAD // NS
ZR = 128


def _sc_spmm(x, src, dst, val):
    mesh = plsc.VectorSubcoreMesh(core_axis_name="c", subcore_axis_name="s")

    @functools.partial(
        pl.kernel,
        out_type=jax.ShapeDtypeStruct((NC, N_PAD, D), jnp.float32),
        mesh=mesh,
        scratch_types=[
            pltpu.VMEM((CH,), jnp.int32),
            pltpu.VMEM((CH,), jnp.int32),
            pltpu.VMEM((CH,), jnp.float32),
            pltpu.VMEM((CH, D), jnp.float32),
            pltpu.VMEM((ZR, D), jnp.float32),
            pltpu.VMEM_SHARED((N_PAD, D), jnp.float32),
            pltpu.SemaphoreType.DMA,
        ],
    )
    def k(x_hbm, src_hbm, dst_hbm, val_hbm, out_hbm,
          src_v, dst_v, val_v, rows_v, zbuf, acc, sem):
        c = lax.axis_index("c")
        s = lax.axis_index("s")
        wid = c * NS + s

        zero = jnp.zeros((16,), jnp.float32)

        def zrow(r, _):
            for g in range(D // 16):
                zbuf[r, pl.ds(g * 16, 16)] = zero
            return 0

        lax.fori_loop(0, ZR, zrow, 0)

        row0 = s * RPT
        for kk in range(RPT // ZR):
            pltpu.sync_copy(zbuf, acc.at[pl.ds(row0 + kk * ZR, ZR)])
        plsc.subcore_barrier()

        ebase = wid * EPT

        dnums = lax.GatherDimensionNumbers(
            offset_dims=(), collapsed_slice_dims=(0,), start_index_map=(0,))
        jidx = [jnp.full((16, 1), j, jnp.int32) for j in range(16)]

        def scale_group(gi, _):
            eb = pl.multiple_of(gi * 16, 16)
            vv = val_v[pl.ds(eb, 16)]
            for j in range(16):
                vj = lax.gather(
                    vv, jidx[j], dnums, (1,),
                    mode=lax.GatherScatterMode.PROMISE_IN_BOUNDS)
                for g in range(D // 16):
                    sl = pl.ds(g * 16, 16)
                    rows_v[eb + j, sl] = rows_v[eb + j, sl] * vj
            return 0

        def chunk(ci, _):
            base = pl.multiple_of(ebase + ci * CH, CH)
            pltpu.sync_copy(src_hbm.at[pl.ds(base, CH)], src_v)
            pltpu.sync_copy(dst_hbm.at[pl.ds(base, CH)], dst_v)
            pltpu.sync_copy(val_hbm.at[pl.ds(base, CH)], val_v)
            pltpu.async_copy(x_hbm.at[src_v], rows_v, sem).wait()
            lax.fori_loop(0, CH // 16, scale_group, 0)
            pltpu.sync_copy(rows_v, acc.at[dst_v], add=True)
            return 0

        lax.fori_loop(0, CPT, chunk, 0)
        plsc.subcore_barrier()

        for kk in range(RPT // ZR):
            r = row0 + kk * ZR
            pltpu.sync_copy(acc.at[pl.ds(r, ZR)], zbuf)
            pltpu.sync_copy(zbuf, out_hbm.at[c, pl.ds(r, ZR)])

    return k(x, src, dst, val)


_BLK = 1000


def _tc_body(p_ref, w_ref, b_ref, o_ref):
    ssum = p_ref[0] + p_ref[1]
    o_ref[...] = (
        jnp.dot(ssum, w_ref[...], preferred_element_type=jnp.float32)
        + b_ref[...]
    )


def _tc_combine(partials, weight, bias):
    return pl.pallas_call(
        _tc_body,
        grid=(N // _BLK,),
        in_specs=[
            pl.BlockSpec((NC, _BLK, D), lambda i: (0, i, 0)),
            pl.BlockSpec((D, D), lambda i: (0, 0)),
            pl.BlockSpec((1, D), lambda i: (0, 0)),
        ],
        out_specs=pl.BlockSpec((_BLK, D), lambda i: (i, 0)),
        out_shape=jax.ShapeDtypeStruct((N, D), jnp.float32),
    )(partials, weight, bias.reshape(1, D))


@jax.jit
def kernel(input_feature, edge_index, adj_values, weight, bias):
    pad = E_PAD - E
    src = jnp.concatenate([edge_index[0], jnp.zeros((pad,), jnp.int32)])
    dst = jnp.concatenate([edge_index[1], jnp.zeros((pad,), jnp.int32)])
    val = jnp.concatenate([adj_values, jnp.zeros((pad,), jnp.float32)])
    partials = _sc_spmm(input_feature, src, dst, val)
    return _tc_combine(partials, weight, bias)

# --- scband reference (transcript-rebuilt; emitter-appended) ---
"""Pipeline reference for scband-graph-convolution-45552423141532 (READ-ONLY COPY).

The authoritative reference and input builder live on the scoring server;
editing this copy changes nothing except your own understanding.
"""

import jax, jax.numpy as jnp
import numpy as np

N_NODES = 10000
N_EDGES = 320000
D_IN = 128
D_OUT = 128


def setup_inputs(seed: int = 0) -> dict:
    key = jax.random.key(seed)
    k1, k2, k3, k4 = jax.random.split(key, 4)
    input_feature = jax.random.normal(k1, (N_NODES, D_IN), dtype=jnp.float32)
    edge_index = jax.random.randint(k2, (2, N_EDGES), 0, N_NODES, dtype=jnp.int32)
    adj_values = jax.random.uniform(k3, (N_EDGES,), dtype=jnp.float32)
    # xavier_uniform init for weight, zeros for bias (per reset_parameters)
    limit = float(np.sqrt(6.0 / (D_IN + D_OUT)))
    weight = jax.random.uniform(k4, (D_IN, D_OUT), minval=-limit, maxval=limit, dtype=jnp.float32)
    bias = jnp.zeros((D_OUT,), dtype=jnp.float32)
    return {
        'input_feature': input_feature,
        'edge_index': edge_index,
        'adj_values': adj_values,
        'weight': weight,
        'bias': bias,
    }


def reference(input_feature, edge_index, adj_values, weight, bias):
    # support = X @ W  (torch.sparse.mm with dense X is a dense matmul here)
    support = input_feature @ weight
    # output = A @ support, where A is sparse COO with indices=edge_index, values=adj_values
    src = edge_index[0]
    dst = edge_index[1]
    gathered = jnp.take(support, src, axis=0) * adj_values[:, None]
    output = jax.ops.segment_sum(gathered, dst, num_segments=N_NODES)
    # use_bias=True
    output = output + bias
    return output

if __name__ == "__main__":
    import jax
    _d = setup_inputs()
    print(jax.jit(kernel)(*tuple(_d.values())))

</pallas_src>

<mosaic_0001>
#map = affine_map<(d0, d1) -> (0, 0)>
#map1 = affine_map<(d0, d1) -> (0)>
#map2 = affine_map<(d0, d1) -> (0, 0, 0)>
module attributes {stable_mosaic.version = 14 : i64} {
  func.func @k(%arg0: i32, %arg1: i32, %arg2: memref<10000x128xf32, #tpu.memory_space<hbm>>, %arg3: memref<327680xi32, #tpu.memory_space<hbm>>, %arg4: memref<327680xi32, #tpu.memory_space<hbm>>, %arg5: memref<327680xf32, #tpu.memory_space<hbm>>, %arg6: memref<2x10240x128xf32, #tpu.memory_space<hbm>>, %arg7: memref<128xi32, #tpu.memory_space<vmem>>, %arg8: memref<128xi32, #tpu.memory_space<vmem>>, %arg9: memref<128xf32, #tpu.memory_space<vmem>>, %arg10: memref<128x128xf32, #tpu.memory_space<vmem>>, %arg11: memref<128x128xf32, #tpu.memory_space<vmem>>, %arg12: memref<10240x128xf32, #tpu.memory_space<vmem_shared>>, %arg13: memref<!tpu.dma_semaphore, #tpu.memory_space<semaphore_mem>>) attributes {dimension_semantics = [#tpu.dimension_semantics<core_parallel>, #tpu.dimension_semantics<subcore_parallel>], iteration_bounds = array<i64: 2, 16>, scalar_prefetch = 0 : i64, scratch_operands = 7 : i64, tpu.core_type = #tpu.core_type<sc_vector_subcore>, window_params = [{transform_indices = #map}, {transform_indices = #map1}, {transform_indices = #map1}, {transform_indices = #map1}, {transform_indices = #map2}]} {
    %mul3A = arith.constant 16 : i32
    %mul3A_0 = arith.muli %arg0, %mul3A : i32
    %add3A = arith.addi %mul3A_0, %arg1 : i32
    %broadcast_in_dim3A = arith.constant 0.000000e+00 : f32
    %broadcast_in_dim3A_1 = vector.broadcast %broadcast_in_dim3A : f32 to vector<16xf32>
    %scan3A = arith.constant 0 : i32
    %scan3A_2 = arith.constant 0 : i32
    %scan3A_3 = arith.constant 128 : i32
    %scan3A_4 = arith.addi %scan3A_2, %scan3A_3 : i32
    %scan3A_5 = arith.constant 1 : i32
    %scan3A_6 = scf.for %scan3A_72 = %scan3A_2 to %scan3A_4 step %scan3A_5 iter_args(%scan3A_73 = %scan3A) -> (i32)  : i32 {
      %swap3A = arith.index_cast %scan3A_72 : i32 to index
      %swap3A_74 = arith.constant 0 : index
      %swap3A_75 = tpu.vector_load %arg11[%swap3A, %swap3A_74] {strides = array<i32>} : memref<128x128xf32, #tpu.memory_space<vmem>>, vector<1x16xf32>,
      %swap3A_76 = vector.shape_cast %swap3A_75 : vector<1x16xf32> to vector<16xf32>
      %swap3A_77 = vector.shape_cast %broadcast_in_dim3A_1 : vector<16xf32> to vector<1x16xf32>
      tpu.vector_store %arg11[%swap3A, %swap3A_74], %swap3A_77 {strides = array<i32>} : memref<128x128xf32, #tpu.memory_space<vmem>>, vector<1x16xf32>,
      %swap3A_78 = arith.index_cast %scan3A_72 : i32 to index
      %swap3A_79 = arith.constant 16 : index
      %swap3A_80 = tpu.vector_load %arg11[%swap3A_78, %swap3A_79] {strides = array<i32>} : memref<128x128xf32, #tpu.memory_space<vmem>>, vector<1x16xf32>,
      %swap3A_81 = vector.shape_cast %swap3A_80 : vector<1x16xf32> to vector<16xf32>
      %swap3A_82 = vector.shape_cast %broadcast_in_dim3A_1 : vector<16xf32> to vector<1x16xf32>
      tpu.vector_store %arg11[%swap3A_78, %swap3A_79], %swap3A_82 {strides = array<i32>} : memref<128x128xf32, #tpu.memory_space<vmem>>, vector<1x16xf32>,
      %swap3A_83 = arith.index_cast %scan3A_72 : i32 to index
      %swap3A_84 = arith.constant 32 : index
      %swap3A_85 = tpu.vector_load %arg11[%swap3A_83, %swap3A_84] {strides = array<i32>} : memref<128x128xf32, #tpu.memory_space<vmem>>, vector<1x16xf32>,
      %swap3A_86 = vector.shape_cast %swap3A_85 : vector<1x16xf32> to vector<16xf32>
      %swap3A_87 = vector.shape_cast %broadcast_in_dim3A_1 : vector<16xf32> to vector<1x16xf32>
      tpu.vector_store %arg11[%swap3A_83, %swap3A_84], %swap3A_87 {strides = array<i32>} : memref<128x128xf32, #tpu.memory_space<vmem>>, vector<1x16xf32>,
      %swap3A_88 = arith.index_cast %scan3A_72 : i32 to index
      %swap3A_89 = arith.constant 48 : index
      %swap3A_90 = tpu.vector_load %arg11[%swap3A_88, %swap3A_89] {strides = array<i32>} : memref<128x128xf32, #tpu.memory_space<vmem>>, vector<1x16xf32>,
      %swap3A_91 = vector.shape_cast %swap3A_90 : vector<1x16xf32> to vector<16xf32>
      %swap3A_92 = vector.shape_cast %broadcast_in_dim3A_1 : vector<16xf32> to vector<1x16xf32>
      tpu.vector_store %arg11[%swap3A_88, %swap3A_89], %swap3A_92 {strides = array<i32>} : memref<128x128xf32, #tpu.memory_space<vmem>>, vector<1x16xf32>,
      %swap3A_93 = arith.index_cast %scan3A_72 : i32 to index
      %swap3A_94 = arith.constant 64 : index
      %swap3A_95 = tpu.vector_load %arg11[%swap3A_93, %swap3A_94] {strides = array<i32>} : memref<128x128xf32, #tpu.memory_space<vmem>>, vector<1x16xf32>,
      %swap3A_96 = vector.shape_cast %swap3A_95 : vector<1x16xf32> to vector<16xf32>
      %swap3A_97 = vector.shape_cast %broadcast_in_dim3A_1 : vector<16xf32> to vector<1x16xf32>
      tpu.vector_store %arg11[%swap3A_93, %swap3A_94], %swap3A_97 {strides = array<i32>} : memref<128x128xf32, #tpu.memory_space<vmem>>, vector<1x16xf32>,
      %swap3A_98 = arith.index_cast %scan3A_72 : i32 to index
      %swap3A_99 = arith.constant 80 : index
      %swap3A_100 = tpu.vector_load %arg11[%swap3A_98, %swap3A_99] {strides = array<i32>} : memref<128x128xf32, #tpu.memory_space<vmem>>, vector<1x16xf32>,
      %swap3A_101 = vector.shape_cast %swap3A_100 : vector<1x16xf32> to vector<16xf32>
      %swap3A_102 = vector.shape_cast %broadcast_in_dim3A_1 : vector<16xf32> to vector<1x16xf32>
      tpu.vector_store %arg11[%swap3A_98, %swap3A_99], %swap3A_102 {strides = array<i32>} : memref<128x128xf32, #tpu.memory_space<vmem>>, vector<1x16xf32>,
      %swap3A_103 = arith.index_cast %scan3A_72 : i32 to index
      %swap3A_104 = arith.constant 96 : index
      %swap3A_105 = tpu.vector_load %arg11[%swap3A_103, %swap3A_104] {strides = array<i32>} : memref<128x128xf32, #tpu.memory_space<vmem>>, vector<1x16xf32>,
      %swap3A_106 = vector.shape_cast %swap3A_105 : vector<1x16xf32> to vector<16xf32>
      %swap3A_107 = vector.shape_cast %broadcast_in_dim3A_1 : vector<16xf32> to vector<1x16xf32>
      tpu.vector_store %arg11[%swap3A_103, %swap3A_104], %swap3A_107 {strides = array<i32>} : memref<128x128xf32, #tpu.memory_space<vmem>>, vector<1x16xf32>,
      %swap3A_108 = arith.index_cast %scan3A_72 : i32 to index
      %swap3A_109 = arith.constant 112 : index
      %swap3A_110 = tpu.vector_load %arg11[%swap3A_108, %swap3A_109] {strides = array<i32>} : memref<128x128xf32, #tpu.memory_space<vmem>>, vector<1x16xf32>,
      %swap3A_111 = vector.shape_cast %swap3A_110 : vector<1x16xf32> to vector<16xf32>
      %swap3A_112 = vector.shape_cast %broadcast_in_dim3A_1 : vector<16xf32> to vector<1x16xf32>
      tpu.vector_store %arg11[%swap3A_108, %swap3A_109], %swap3A_112 {strides = array<i32>} : memref<128x128xf32, #tpu.memory_space<vmem>>, vector<1x16xf32>,
      %scan3A_113 = arith.constant 0 : i32
      scf.yield %scan3A_113 : i32
    }
    %scan3A_7 = arith.constant 128 : i32
    %mul3A_8 = arith.constant 640 : i32
    %mul3A_9 = arith.muli %arg1, %mul3A_8 : i32
    %add3A_10 = arith.constant 0 : i32
    %add3A_11 = arith.addi %mul3A_9, %add3A_10 : i32
    "tpu.region"() ({
      %run_scoped3A = tpu.sem_alloc : memref<!tpu.dma_semaphore, #tpu.memory_space<semaphore_mem>>
      %dma_start3A = arith.constant 0 : i32
      %dma_start3A_72 = tpu.memref_slice %arg12[%add3A_11, %dma_start3A] : memref<10240x128xf32, #tpu.memory_space<vmem_shared>> -> memref<128x128xf32, #tpu.memory_space<vmem_shared>>
      %dma_start3A_73 = arith.constant 0 : i32
      %dma_start3A_74 = tpu.memref_slice %arg12[%add3A_11, %dma_start3A_73] : memref<10240x128xf32, #tpu.memory_space<vmem_shared>> -> memref<128x128xf32, #tpu.memory_space<vmem_shared>>
      tpu.enqueue_dma source(%arg11 : memref<128x128xf32, #tpu.memory_space<vmem>>) target(%dma_start3A_74 : memref<128x128xf32, #tpu.memory_space<vmem_shared>>) target_semaphore(%run_scoped3A : memref<!tpu.dma_semaphore, #tpu.memory_space<semaphore_mem>>)
      %dma_wait3A = arith.constant 0 : i32
      %dma_wait3A_75 = tpu.memref_slice %arg12[%add3A_11, %dma_wait3A] : memref<10240x128xf32, #tpu.memory_space<vmem_shared>> -> memref<128x128xf32, #tpu.memory_space<vmem_shared>>
      %dma_wait3A_76 = arith.constant 0 : i32
      %dma_wait3A_77 = tpu.memref_slice %arg12[%add3A_11, %dma_wait3A_76] : memref<10240x128xf32, #tpu.memory_space<vmem_shared>> -> memref<128x128xf32, #tpu.memory_space<vmem_shared>>
      tpu.wait_dma2 semaphore(%run_scoped3A : memref<!tpu.dma_semaphore, #tpu.memory_space<semaphore_mem>>) src(%arg11 : memref<128x128xf32, #tpu.memory_space<vmem>>) dst(%dma_wait3A_77 : memref<128x128xf32, #tpu.memory_space<vmem_shared>>)
      tpu.yield
    }) : () -> ()
    %add3A_12 = arith.constant 128 : i32
    %add3A_13 = arith.addi %mul3A_9, %add3A_12 : i32
    "tpu.region"() ({
      %run_scoped3A = tpu.sem_alloc : memref<!tpu.dma_semaphore, #tpu.memory_space<semaphore_mem>>
      %dma_start3A = arith.constant 0 : i32
      %dma_start3A_72 = tpu.memref_slice %arg12[%add3A_13, %dma_start3A] : memref<10240x128xf32, #tpu.memory_space<vmem_shared>> -> memref<128x128xf32, #tpu.memory_space<vmem_shared>>
      %dma_start3A_73 = arith.constant 0 : i32
      %dma_start3A_74 = tpu.memref_slice %arg12[%add3A_13, %dma_start3A_73] : memref<10240x128xf32, #tpu.memory_space<vmem_shared>> -> memref<128x128xf32, #tpu.memory_space<vmem_shared>>
      tpu.enqueue_dma source(%arg11 : memref<128x128xf32, #tpu.memory_space<vmem>>) target(%dma_start3A_74 : memref<128x128xf32, #tpu.memory_space<vmem_shared>>) target_semaphore(%run_scoped3A : memref<!tpu.dma_semaphore, #tpu.memory_space<semaphore_mem>>)
      %dma_wait3A = arith.constant 0 : i32
      %dma_wait3A_75 = tpu.memref_slice %arg12[%add3A_13, %dma_wait3A] : memref<10240x128xf32, #tpu.memory_space<vmem_shared>> -> memref<128x128xf32, #tpu.memory_space<vmem_shared>>
      %dma_wait3A_76 = arith.constant 0 : i32
      %dma_wait3A_77 = tpu.memref_slice %arg12[%add3A_13, %dma_wait3A_76] : memref<10240x128xf32, #tpu.memory_space<vmem_shared>> -> memref<128x128xf32, #tpu.memory_space<vmem_shared>>
      tpu.wait_dma2 semaphore(%run_scoped3A : memref<!tpu.dma_semaphore, #tpu.memory_space<semaphore_mem>>) src(%arg11 : memref<128x128xf32, #tpu.memory_space<vmem>>) dst(%dma_wait3A_77 : memref<128x128xf32, #tpu.memory_space<vmem_shared>>)
      tpu.yield
    }) : () -> ()
    %add3A_14 = arith.constant 256 : i32
    %add3A_15 = arith.addi %mul3A_9, %add3A_14 : i32
    "tpu.region"() ({
      %run_scoped3A = tpu.sem_alloc : memref<!tpu.dma_semaphore, #tpu.memory_space<semaphore_mem>>
      %dma_start3A = arith.constant 0 : i32
      %dma_start3A_72 = tpu.memref_slice %arg12[%add3A_15, %dma_start3A] : memref<10240x128xf32, #tpu.memory_space<vmem_shared>> -> memref<128x128xf32, #tpu.memory_space<vmem_shared>>
      %dma_start3A_73 = arith.constant 0 : i32
      %dma_start3A_74 = tpu.memref_slice %arg12[%add3A_15, %dma_start3A_73] : memref<10240x128xf32, #tpu.memory_space<vmem_shared>> -> memref<128x128xf32, #tpu.memory_space<vmem_shared>>
      tpu.enqueue_dma source(%arg11 : memref<128x128xf32, #tpu.memory_space<vmem>>) target(%dma_start3A_74 : memref<128x128xf32, #tpu.memory_space<vmem_shared>>) target_semaphore(%run_scoped3A : memref<!tpu.dma_semaphore, #tpu.memory_space<semaphore_mem>>)
      %dma_wait3A = arith.constant 0 : i32
      %dma_wait3A_75 = tpu.memref_slice %arg12[%add3A_15, %dma_wait3A] : memref<10240x128xf32, #tpu.memory_space<vmem_shared>> -> memref<128x128xf32, #tpu.memory_space<vmem_shared>>
      %dma_wait3A_76 = arith.constant 0 : i32
      %dma_wait3A_77 = tpu.memref_slice %arg12[%add3A_15, %dma_wait3A_76] : memref<10240x128xf32, #tpu.memory_space<vmem_shared>> -> memref<128x128xf32, #tpu.memory_space<vmem_shared>>
      tpu.wait_dma2 semaphore(%run_scoped3A : memref<!tpu.dma_semaphore, #tpu.memory_space<semaphore_mem>>) src(%arg11 : memref<128x128xf32, #tpu.memory_space<vmem>>) dst(%dma_wait3A_77 : memref<128x128xf32, #tpu.memory_space<vmem_shared>>)
      tpu.yield
    }) : () -> ()
    %add3A_16 = arith.constant 384 : i32
    %add3A_17 = arith.addi %mul3A_9, %add3A_16 : i32
    "tpu.region"() ({
      %run_scoped3A = tpu.sem_alloc : memref<!tpu.dma_semaphore, #tpu.memory_space<semaphore_mem>>
      %dma_start3A = arith.constant 0 : i32
      %dma_start3A_72 = tpu.memref_slice %arg12[%add3A_17, %dma_start3A] : memref<10240x128xf32, #tpu.memory_space<vmem_shared>> -> memref<128x128xf32, #tpu.memory_space<vmem_shared>>
      %dma_start3A_73 = arith.constant 0 : i32
      %dma_start3A_74 = tpu.memref_slice %arg12[%add3A_17, %dma_start3A_73] : memref<10240x128xf32, #tpu.memory_space<vmem_shared>> -> memref<128x128xf32, #tpu.memory_space<vmem_shared>>
      tpu.enqueue_dma source(%arg11 : memref<128x128xf32, #tpu.memory_space<vmem>>) target(%dma_start3A_74 : memref<128x128xf32, #tpu.memory_space<vmem_shared>>) target_semaphore(%run_scoped3A : memref<!tpu.dma_semaphore, #tpu.memory_space<semaphore_mem>>)
      %dma_wait3A = arith.constant 0 : i32
      %dma_wait3A_75 = tpu.memref_slice %arg12[%add3A_17, %dma_wait3A] : memref<10240x128xf32, #tpu.memory_space<vmem_shared>> -> memref<128x128xf32, #tpu.memory_space<vmem_shared>>
      %dma_wait3A_76 = arith.constant 0 : i32
      %dma_wait3A_77 = tpu.memref_slice %arg12[%add3A_17, %dma_wait3A_76] : memref<10240x128xf32, #tpu.memory_space<vmem_shared>> -> memref<128x128xf32, #tpu.memory_space<vmem_shared>>
      tpu.wait_dma2 semaphore(%run_scoped3A : memref<!tpu.dma_semaphore, #tpu.memory_space<semaphore_mem>>) src(%arg11 : memref<128x128xf32, #tpu.memory_space<vmem>>) dst(%dma_wait3A_77 : memref<128x128xf32, #tpu.memory_space<vmem_shared>>)
      tpu.yield
    }) : () -> ()
    %add3A_18 = arith.constant 512 : i32
    %add3A_19 = arith.addi %mul3A_9, %add3A_18 : i32
    "tpu.region"() ({
      %run_scoped3A = tpu.sem_alloc : memref<!tpu.dma_semaphore, #tpu.memory_space<semaphore_mem>>
      %dma_start3A = arith.constant 0 : i32
      %dma_start3A_72 = tpu.memref_slice %arg12[%add3A_19, %dma_start3A] : memref<10240x128xf32, #tpu.memory_space<vmem_shared>> -> memref<128x128xf32, #tpu.memory_space<vmem_shared>>
      %dma_start3A_73 = arith.constant 0 : i32
      %dma_start3A_74 = tpu.memref_slice %arg12[%add3A_19, %dma_start3A_73] : memref<10240x128xf32, #tpu.memory_space<vmem_shared>> -> memref<128x128xf32, #tpu.memory_space<vmem_shared>>
      tpu.enqueue_dma source(%arg11 : memref<128x128xf32, #tpu.memory_space<vmem>>) target(%dma_start3A_74 : memref<128x128xf32, #tpu.memory_space<vmem_shared>>) target_semaphore(%run_scoped3A : memref<!tpu.dma_semaphore, #tpu.memory_space<semaphore_mem>>)
      %dma_wait3A = arith.constant 0 : i32
      %dma_wait3A_75 = tpu.memref_slice %arg12[%add3A_19, %dma_wait3A] : memref<10240x128xf32, #tpu.memory_space<vmem_shared>> -> memref<128x128xf32, #tpu.memory_space<vmem_shared>>
      %dma_wait3A_76 = arith.constant 0 : i32
      %dma_wait3A_77 = tpu.memref_slice %arg12[%add3A_19, %dma_wait3A_76] : memref<10240x128xf32, #tpu.memory_space<vmem_shared>> -> memref<128x128xf32, #tpu.memory_space<vmem_shared>>
      tpu.wait_dma2 semaphore(%run_scoped3A : memref<!tpu.dma_semaphore, #tpu.memory_space<semaphore_mem>>) src(%arg11 : memref<128x128xf32, #tpu.memory_space<vmem>>) dst(%dma_wait3A_77 : memref<128x128xf32, #tpu.memory_space<vmem_shared>>)
      tpu.yield
    }) : () -> ()
    %barrier3A = arith.constant 0 : index
    tpu.barrier barrier_id(%barrier3A)
    %mul3A_20 = arith.constant 10240 : i32
    %mul3A_21 = arith.muli %add3A, %mul3A_20 : i32
    %broadcast_in_dim3A_22 = arith.constant 0 : i32
    %broadcast_in_dim3A_23 = vector.broadcast %broadcast_in_dim3A_22 : i32 to vector<16x1xi32>
    %broadcast_in_dim3A_24 = arith.constant 1 : i32
    %broadcast_in_dim3A_25 = vector.broadcast %broadcast_in_dim3A_24 : i32 to vector<16x1xi32>
    %broadcast_in_dim3A_26 = arith.constant 2 : i32
    %broadcast_in_dim3A_27 = vector.broadcast %broadcast_in_dim3A_26 : i32 to vector<16x1xi32>
    %broadcast_in_dim3A_28 = arith.constant 3 : i32
    %broadcast_in_dim3A_29 = vector.broadcast %broadcast_in_dim3A_28 : i32 to vector<16x1xi32>
    %broadcast_in_dim3A_30 = arith.constant 4 : i32
    %broadcast_in_dim3A_31 = vector.broadcast %broadcast_in_dim3A_30 : i32 to vector<16x1xi32>
    %broadcast_in_dim3A_32 = arith.constant 5 : i32
    %broadcast_in_dim3A_33 = vector.broadcast %broadcast_in_dim3A_32 : i32 to vector<16x1xi32>
    %broadcast_in_dim3A_34 = arith.constant 6 : i32
    %broadcast_in_dim3A_35 = vector.broadcast %broadcast_in_dim3A_34 : i32 to vector<16x1xi32>
    %broadcast_in_dim3A_36 = arith.constant 7 : i32
    %broadcast_in_dim3A_37 = vector.broadcast %broadcast_in_dim3A_36 : i32 to vector<16x1xi32>
    %broadcast_in_dim3A_38 = arith.constant 8 : i32
    %broadcast_in_dim3A_39 = vector.broadcast %broadcast_in_dim3A_38 : i32 to vector<16x1xi32>
    %broadcast_in_dim3A_40 = arith.constant 9 : i32
    %broadcast_in_dim3A_41 = vector.broadcast %broadcast_in_dim3A_40 : i32 to vector<16x1xi32>
    %broadcast_in_dim3A_42 = arith.constant 10 : i32
    %broadcast_in_dim3A_43 = vector.broadcast %broadcast_in_dim3A_42 : i32 to vector<16x1xi32>
    %broadcast_in_dim3A_44 = arith.constant 11 : i32
    %broadcast_in_dim3A_45 = vector.broadcast %broadcast_in_dim3A_44 : i32 to vector<16x1xi32>
    %broadcast_in_dim3A_46 = arith.constant 12 : i32
    %broadcast_in_dim3A_47 = vector.broadcast %broadcast_in_dim3A_46 : i32 to vector<16x1xi32>
    %broadcast_in_dim3A_48 = arith.constant 13 : i32
    %broadcast_in_dim3A_49 = vector.broadcast %broadcast_in_dim3A_48 : i32 to vector<16x1xi32>
    %broadcast_in_dim3A_50 = arith.constant 14 : i32
    %broadcast_in_dim3A_51 = vector.broadcast %broadcast_in_dim3A_50 : i32 to vector<16x1xi32>
    %broadcast_in_dim3A_52 = arith.constant 15 : i32
    %broadcast_in_dim3A_53 = vector.broadcast %broadcast_in_dim3A_52 : i32 to vector<16x1xi32>
    %scan3A_54 = arith.constant 0 : i32
    %scan3A_55 = arith.constant 0 : i32
    %scan3A_56 = arith.constant 80 : i32
    %scan3A_57 = arith.addi %scan3A_55, %scan3A_56 : i32
    %scan3A_58 = arith.constant 1 : i32
    %scan3A_59 = scf.for %scan3A_72 = %scan3A_55 to %scan3A_57 step %scan3A_58 iter_args(%scan3A_73 = %scan3A_54) -> (i32)  : i32 {
      %mul3A_74 = arith.constant 128 : i32
      %mul3A_75 = arith.muli %scan3A_72, %mul3A_74 : i32
      %add3A_76 = arith.addi %mul3A_21, %mul3A_75 : i32
      %multiple_of3A = tpu.assume_multiple %add3A_76, 128 : i32
      "tpu.region"() ({
        %run_scoped3A = tpu.sem_alloc : memref<!tpu.dma_semaphore, #tpu.memory_space<semaphore_mem>>
        %dma_start3A_89 = tpu.memref_slice %arg3[%multiple_of3A] : memref<327680xi32, #tpu.memory_space<hbm>> -> memref<128xi32, #tpu.memory_space<hbm>>
        %dma_start3A_90 = tpu.memref_slice %arg3[%multiple_of3A] : memref<327680xi32, #tpu.memory_space<hbm>> -> memref<128xi32, #tpu.memory_space<hbm>>
        tpu.enqueue_dma source(%dma_start3A_90 : memref<128xi32, #tpu.memory_space<hbm>>) target(%arg7 : memref<128xi32, #tpu.memory_space<vmem>>) target_semaphore(%run_scoped3A : memref<!tpu.dma_semaphore, #tpu.memory_space<semaphore_mem>>)
        %dma_wait3A_91 = tpu.memref_slice %arg3[%multiple_of3A] : memref<327680xi32, #tpu.memory_space<hbm>> -> memref<128xi32, #tpu.memory_space<hbm>>
        %dma_wait3A_92 = tpu.memref_slice %arg3[%multiple_of3A] : memref<327680xi32, #tpu.memory_space<hbm>> -> memref<128xi32, #tpu.memory_space<hbm>>
        tpu.wait_dma2 semaphore(%run_scoped3A : memref<!tpu.dma_semaphore, #tpu.memory_space<semaphore_mem>>) src(%dma_wait3A_92 : memref<128xi32, #tpu.memory_space<hbm>>) dst(%arg7 : memref<128xi32, #tpu.memory_space<vmem>>)
        tpu.yield
      }) : () -> ()
      "tpu.region"() ({
        %run_scoped3A = tpu.sem_alloc : memref<!tpu.dma_semaphore, #tpu.memory_space<semaphore_mem>>
        %dma_start3A_89 = tpu.memref_slice %arg4[%multiple_of3A] : memref<327680xi32, #tpu.memory_space<hbm>> -> memref<128xi32, #tpu.memory_space<hbm>>
        %dma_start3A_90 = tpu.memref_slice %arg4[%multiple_of3A] : memref<327680xi32, #tpu.memory_space<hbm>> -> memref<128xi32, #tpu.memory_space<hbm>>
        tpu.enqueue_dma source(%dma_start3A_90 : memref<128xi32, #tpu.memory_space<hbm>>) target(%arg8 : memref<128xi32, #tpu.memory_space<vmem>>) target_semaphore(%run_scoped3A : memref<!tpu.dma_semaphore, #tpu.memory_space<semaphore_mem>>)
        %dma_wait3A_91 = tpu.memref_slice %arg4[%multiple_of3A] : memref<327680xi32, #tpu.memory_space<hbm>> -> memref<128xi32, #tpu.memory_space<hbm>>
        %dma_wait3A_92 = tpu.memref_slice %arg4[%multiple_of3A] : memref<327680xi32, #tpu.memory_space<hbm>> -> memref<128xi32, #tpu.memory_space<hbm>>
        tpu.wait_dma2 semaphore(%run_scoped3A : memref<!tpu.dma_semaphore, #tpu.memory_space<semaphore_mem>>) src(%dma_wait3A_92 : memref<128xi32, #tpu.memory_space<hbm>>) dst(%arg8 : memref<128xi32, #tpu.memory_space<vmem>>)
        tpu.yield
      }) : () -> ()
      "tpu.region"() ({
        %run_scoped3A = tpu.sem_alloc : memref<!tpu.dma_semaphore, #tpu.memory_space<semaphore_mem>>
        %dma_start3A_89 = tpu.memref_slice %arg5[%multiple_of3A] : memref<327680xf32, #tpu.memory_space<hbm>> -> memref<128xf32, #tpu.memory_space<hbm>>
        %dma_start3A_90 = tpu.memref_slice %arg5[%multiple_of3A] : memref<327680xf32, #tpu.memory_space<hbm>> -> memref<128xf32, #tpu.memory_space<hbm>>
        tpu.enqueue_dma source(%dma_start3A_90 : memref<128xf32, #tpu.memory_space<hbm>>) target(%arg9 : memref<128xf32, #tpu.memory_space<vmem>>) target_semaphore(%run_scoped3A : memref<!tpu.dma_semaphore, #tpu.memory_space<semaphore_mem>>)
        %dma_wait3A_91 = tpu.memref_slice %arg5[%multiple_of3A] : memref<327680xf32, #tpu.memory_space<hbm>> -> memref<128xf32, #tpu.memory_space<hbm>>
        %dma_wait3A_92 = tpu.memref_slice %arg5[%multiple_of3A] : memref<327680xf32, #tpu.memory_space<hbm>> -> memref<128xf32, #tpu.memory_space<hbm>>
        tpu.wait_dma2 semaphore(%run_scoped3A : memref<!tpu.dma_semaphore, #tpu.memory_space<semaphore_mem>>) src(%dma_wait3A_92 : memref<128xf32, #tpu.memory_space<hbm>>) dst(%arg9 : memref<128xf32, #tpu.memory_space<vmem>>)
        tpu.yield
      }) : () -> ()
      %dma_start3A = arith.constant 0 : i32
      %dma_start3A_77 = arith.constant 0 : i32
      %dma_start3A_78 = tpu.memref_slice %arg2[%dma_start3A, %dma_start3A_77] : memref<10000x128xf32, #tpu.memory_space<hbm>> -> memref<10000x128xf32, #tpu.memory_space<hbm>>
      tpu.enqueue_indirect_dma source(%dma_start3A_78 : memref<10000x128xf32, #tpu.memory_space<hbm>>) target(%arg10 : memref<128x128xf32, #tpu.memory_space<vmem>>) offsets(%arg7 : memref<128xi32, #tpu.memory_space<vmem>>) semaphore(%arg13 : memref<!tpu.dma_semaphore, #tpu.memory_space<semaphore_mem>>)
      %dma_wait3A = arith.constant 0 : i32
      %dma_wait3A_79 = arith.constant 0 : i32
      %dma_wait3A_80 = tpu.memref_slice %arg2[%dma_wait3A, %dma_wait3A_79] : memref<10000x128xf32, #tpu.memory_space<hbm>> -> memref<10000x128xf32, #tpu.memory_space<hbm>>
      tpu.wait_indirect_dma semaphore(%arg13 : memref<!tpu.dma_semaphore, #tpu.memory_space<semaphore_mem>>) src(%dma_wait3A_80 : memref<10000x128xf32, #tpu.memory_space<hbm>>) dst(%arg10 : memref<128x128xf32, #tpu.memory_space<vmem>>)
      %scan3A_81 = arith.constant 0 : i32
      %scan3A_82 = arith.constant 0 : i32
      %scan3A_83 = arith.constant 8 : i32
      %scan3A_84 = arith.addi %scan3A_82, %scan3A_83 : i32
      %scan3A_85 = arith.constant 1 : i32
      %scan3A_86 = scf.for %scan3A_89 = %scan3A_82 to %scan3A_84 step %scan3A_85 iter_args(%scan3A_90 = %scan3A_81) -> (i32)  : i32 {
        %mul3A_91 = arith.constant 16 : i32
        %mul3A_92 = arith.muli %scan3A_89, %mul3A_91 : i32
        %multiple_of3A_93 = tpu.assume_multiple %mul3A_92, 16 : i32
        %get3A = arith.index_cast %multiple_of3A_93 : i32 to index
        %get3A_94 = tpu.vector_load %arg9[%get3A] {strides = array<i32>} : memref<128xf32, #tpu.memory_space<vmem>>, vector<16xf32>,
        %get3A_95 = vector.shape_cast %get3A_94 : vector<16xf32> to vector<16xf32>
        %gather3A = vector.shape_cast %broadcast_in_dim3A_23 : vector<16x1xi32> to vector<16xi32>
        %gather3A_96 = tpu.dynamic_gather %get3A_95[%gather3A] in [0] : vector<16xf32>, vector<16xi32> -> vector<16xf32>
        %add3A_97 = arith.constant 0 : i32
        %add3A_98 = arith.addi %multiple_of3A_93, %add3A_97 : i32
        %get3A_99 = arith.index_cast %add3A_98 : i32 to index
        %get3A_100 = arith.constant 0 : index
        %get3A_101 = tpu.vector_load %arg10[%get3A_99, %get3A_100] {strides = array<i32>} : memref<128x128xf32, #tpu.memory_space<vmem>>, vector<1x16xf32>,
        %get3A_102 = vector.shape_cast %get3A_101 : vector<1x16xf32> to vector<16xf32>
        %mul3A_103 = arith.mulf %get3A_102, %gather3A_96 : vector<16xf32>
        %add3A_104 = arith.constant 0 : i32
        %add3A_105 = arith.addi %multiple_of3A_93, %add3A_104 : i32
        %swap3A = arith.index_cast %add3A_105 : i32 to index
        %swap3A_106 = arith.constant 0 : index
        %swap3A_107 = tpu.vector_load %arg10[%swap3A, %swap3A_106] {strides = array<i32>} : memref<128x128xf32, #tpu.memory_space<vmem>>, vector<1x16xf32>,
        %swap3A_108 = vector.shape_cast %swap3A_107 : vector<1x16xf32> to vector<16xf32>
        %swap3A_109 = vector.shape_cast %mul3A_103 : vector<16xf32> to vector<1x16xf32>
        tpu.vector_store %arg10[%swap3A, %swap3A_106], %swap3A_109 {strides = array<i32>} : memref<128x128xf32, #tpu.memory_space<vmem>>, vector<1x16xf32>,
        %add3A_110 = arith.constant 0 : i32
        %add3A_111 = arith.addi %multiple_of3A_93, %add3A_110 : i32
        %get3A_112 = arith.index_cast %add3A_111 : i32 to index
        %get3A_113 = arith.constant 16 : index
        %get3A_114 = tpu.vector_load %arg10[%get3A_112, %get3A_113] {strides = array<i32>} : memref<128x128xf32, #tpu.memory_space<vmem>>, vector<1x16xf32>,
        %get3A_115 = vector.shape_cast %get3A_114 : vector<1x16xf32> to vector<16xf32>
        %mul3A_116 = arith.mulf %get3A_115, %gather3A_96 : vector<16xf32>
        %add3A_117 = arith.constant 0 : i32
        %add3A_118 = arith.addi %multiple_of3A_93, %add3A_117 : i32
        %swap3A_119 = arith.index_cast %add3A_118 : i32 to index
        %swap3A_120 = arith.constant 16 : index
        %swap3A_121 = tpu.vector_load %arg10[%swap3A_119, %swap3A_120] {strides = array<i32>} : memref<128x128xf32, #tpu.memory_space<vmem>>, vector<1x16xf32>,
        %swap3A_122 = vector.shape_cast %swap3A_121 : vector<1x16xf32> to vector<16xf32>
        %swap3A_123 = vector.shape_cast %mul3A_116 : vector<16xf32> to vector<1x16xf32>
        tpu.vector_store %arg10[%swap3A_119, %swap3A_120], %swap3A_123 {strides = array<i32>} : memref<128x128xf32, #tpu.memory_space<vmem>>, vector<1x16xf32>,
        %add3A_124 = arith.constant 0 : i32
        %add3A_125 = arith.addi %multiple_of3A_93, %add3A_124 : i32
        %get3A_126 = arith.index_cast %add3A_125 : i32 to index
        %get3A_127 = arith.constant 32 : index
        %get3A_128 = tpu.vector_load %arg10[%get3A_126, %get3A_127] {strides = array<i32>} : memref<128x128xf32, #tpu.memory_space<vmem>>, vector<1x16xf32>,
        %get3A_129 = vector.shape_cast %get3A_128 : vector<1x16xf32> to vector<16xf32>
        %mul3A_130 = arith.mulf %get3A_129, %gather3A_96 : vector<16xf32>
        %add3A_131 = arith.constant 0 : i32
        %add3A_132 = arith.addi %multiple_of3A_93, %add3A_131 : i32
        %swap3A_133 = arith.index_cast %add3A_132 : i32 to index
        %swap3A_134 = arith.constant 32 : index
        %swap3A_135 = tpu.vector_load %arg10[%swap3A_133, %swap3A_134] {strides = array<i32>} : memref<128x128xf32, #tpu.memory_space<vmem>>, vector<1x16xf32>,
        %swap3A_136 = vector.shape_cast %swap3A_135 : vector<1x16xf32> to vector<16xf32>
        %swap3A_137 = vector.shape_cast %mul3A_130 : vector<16xf32> to vector<1x16xf32>
        tpu.vector_store %arg10[%swap3A_133, %swap3A_134], %swap3A_137 {strides = array<i32>} : memref<128x128xf32, #tpu.memory_space<vmem>>, vector<1x16xf32>,
        %add3A_138 = arith.constant 0 : i32
        %add3A_139 = arith.addi %multiple_of3A_93, %add3A_138 : i32
        %get3A_140 = arith.index_cast %add3A_139 : i32 to index
        %get3A_141 = arith.constant 48 : index
        %get3A_142 = tpu.vector_load %arg10[%get3A_140, %get3A_141] {strides = array<i32>} : memref<128x128xf32, #tpu.memory_space<vmem>>, vector<1x16xf32>,
        %get3A_143 = vector.shape_cast %get3A_142 : vector<1x16xf32> to vector<16xf32>
        %mul3A_144 = arith.mulf %get3A_143, %gather3A_96 : vector<16xf32>
        %add3A_145 = arith.constant 0 : i32
        %add3A_146 = arith.addi %multiple_of3A_93, %add3A_145 : i32
        %swap3A_147 = arith.index_cast %add3A_146 : i32 to index
        %swap3A_148 = arith.constant 48 : index
        %swap3A_149 = tpu.vector_load %arg10[%swap3A_147, %swap3A_148] {strides = array<i32>} : memref<128x128xf32, #tpu.memory_space<vmem>>, vector<1x16xf32>,
        %swap3A_150 = vector.shape_cast %swap3A_149 : vector<1x16xf32> to vector<16xf32>
        %swap3A_151 = vector.shape_cast %mul3A_144 : vector<16xf32> to vector<1x16xf32>
        tpu.vector_store %arg10[%swap3A_147, %swap3A_148], %swap3A_151 {strides = array<i32>} : memref<128x128xf32, #tpu.memory_space<vmem>>, vector<1x16xf32>,
        %add3A_152 = arith.constant 0 : i32
        %add3A_153 = arith.addi %multiple_of3A_93, %add3A_152 : i32
        %get3A_154 = arith.index_cast %add3A_153 : i32 to index
        %get3A_155 = arith.constant 64 : index
        %get3A_156 = tpu.vector_load %arg10[%get3A_154, %get3A_155] {strides = array<i32>} : memref<128x128xf32, #tpu.memory_space<vmem>>, vector<1x16xf32>,
        %get3A_157 = vector.shape_cast %get3A_156 : vector<1x16xf32> to vector<16xf32>
        %mul3A_158 = arith.mulf %get3A_157, %gather3A_96 : vector<16xf32>
        %add3A_159 = arith.constant 0 : i32
        %add3A_160 = arith.addi %multiple_of3A_93, %add3A_159 : i32
        %swap3A_161 = arith.index_cast %add3A_160 : i32 to index
        %swap3A_162 = arith.constant 64 : index
        %swap3A_163 = tpu.vector_load %arg10[%swap3A_161, %swap3A_162] {strides = array<i32>} : memref<128x128xf32, #tpu.memory_space<vmem>>, vector<1x16xf32>,
        %swap3A_164 = vector.shape_cast %swap3A_163 : vector<1x16xf32> to vector<16xf32>
        %swap3A_165 = vector.shape_cast %mul3A_158 : vector<16xf32> to vector<1x16xf32>
        tpu.vector_store %arg10[%swap3A_161, %swap3A_162], %swap3A_165 {strides = array<i32>} : memref<128x128xf32, #tpu.memory_space<vmem>>, vector<1x16xf32>,
        %add3A_166 = arith.constant 0 : i32
        %add3A_167 = arith.addi %multiple_of3A_93, %add3A_166 : i32
        %get3A_168 = arith.index_cast %add3A_167 : i32 to index
        %get3A_169 = arith.constant 80 : index
        %get3A_170 = tpu.vector_load %arg10[%get3A_168, %get3A_169] {strides = array<i32>} : memref<128x128xf32, #tpu.memory_space<vmem>>, vector<1x16xf32>,
        %get3A_171 = vector.shape_cast %get3A_170 : vector<1x16xf32> to vector<16xf32>
        %mul3A_172 = arith.mulf %get3A_171, %gather3A_96 : vector<16xf32>
        %add3A_173 = arith.constant 0 : i32
        %add3A_174 = arith.addi %multiple_of3A_93, %add3A_173 : i32
        %swap3A_175 = arith.index_cast %add3A_174 : i32 to index
        %swap3A_176 = arith.constant 80 : index
        %swap3A_177 = tpu.vector_load %arg10[%swap3A_175, %swap3A_176] {strides = array<i32>} : memref<128x128xf32, #tpu.memory_space<vmem>>, vector<1x16xf32>,
        %swap3A_178 = vector.shape_cast %swap3A_177 : vector<1x16xf32> to vector<16xf32>
        %swap3A_179 = vector.shape_cast %mul3A_172 : vector<16xf32> to vector<1x16xf32>
        tpu.vector_store %arg10[%swap3A_175, %swap3A_176], %swap3A_179 {strides = array<i32>} : memref<128x128xf32, #tpu.memory_space<vmem>>, vector<1x16xf32>,
        %add3A_180 = arith.constant 0 : i32
        %add3A_181 = arith.addi %multiple_of3A_93, %add3A_180 : i32
        %get3A_182 = arith.index_cast %add3A_181 : i32 to index
        %get3A_183 = arith.constant 96 : index
        %get3A_184 = tpu.vector_load %arg10[%get3A_182, %get3A_183] {strides = array<i32>} : memref<128x128xf32, #tpu.memory_space<vmem>>, vector<1x16xf32>,
        %get3A_185 = vector.shape_cast %get3A_184 : vector<1x16xf32> to vector<16xf32>
        %mul3A_186 = arith.mulf %get3A_185, %gather3A_96 : vector<16xf32>
        %add3A_187 = arith.constant 0 : i32
        %add3A_188 = arith.addi %multiple_of3A_93, %add3A_187 : i32
        %swap3A_189 = arith.index_cast %add3A_188 : i32 to index
        %swap3A_190 = arith.constant 96 : index
        %swap3A_191 = tpu.vector_load %arg10[%swap3A_189, %swap3A_190] {strides = array<i32>} : memref<128x128xf32, #tpu.memory_space<vmem>>, vector<1x16xf32>,
        %swap3A_192 = vector.shape_cast %swap3A_191 : vector<1x16xf32> to vector<16xf32>
        %swap3A_193 = vector.shape_cast %mul3A_186 : vector<16xf32> to vector<1x16xf32>
        tpu.vector_store %arg10[%swap3A_189, %swap3A_190], %swap3A_193 {strides = array<i32>} : memref<128x128xf32, #tpu.memory_space<vmem>>, vector<1x16xf32>,
        %add3A_194 = arith.constant 0 : i32
        %add3A_195 = arith.addi %multiple_of3A_93, %add3A_194 : i32
        %get3A_196 = arith.index_cast %add3A_195 : i32 to index
        %get3A_197 = arith.constant 112 : index
        %get3A_198 = tpu.vector_load %arg10[%get3A_196, %get3A_197] {strides = array<i32>} : memref<128x128xf32, #tpu.memory_space<vmem>>, vector<1x16xf32>,
        %get3A_199 = vector.shape_cast %get3A_198 : vector<1x16xf32> to vector<16xf32>
        %mul3A_200 = arith.mulf %get3A_199, %gather3A_96 : vector<16xf32>
        %add3A_201 = arith.constant 0 : i32
        %add3A_202 = arith.addi %multiple_of3A_93, %add3A_201 : i32
        %swap3A_203 = arith.index_cast %add3A_202 : i32 to index
        %swap3A_204 = arith.constant 112 : index
        %swap3A_205 = tpu.vector_load %arg10[%swap3A_203, %swap3A_204] {strides = array<i32>} : memref<128x128xf32, #tpu.memory_space<vmem>>, vector<1x16xf32>,
        %swap3A_206 = vector.shape_cast %swap3A_205 : vector<1x16xf32> to vector<16xf32>
        %swap3A_207 = vector.shape_cast %mul3A_200 : vector<16xf32> to vector<1x16xf32>
        tpu.vector_store %arg10[%swap3A_203, %swap3A_204], %swap3A_207 {strides = array<i32>} : memref<128x128xf32, #tpu.memory_space<vmem>>, vector<1x16xf32>,
        %gather3A_208 = vector.shape_cast %broadcast_in_dim3A_25 : vector<16x1xi32> to vector<16xi32>
        %gather3A_209 = tpu.dynamic_gather %get3A_95[%gather3A_208] in [0] : vector<16xf32>, vector<16xi32> -> vector<16xf32>
        %add3A_210 = arith.constant 1 : i32
        %add3A_211 = arith.addi %multiple_of3A_93, %add3A_210 : i32
        %get3A_212 = arith.index_cast %add3A_211 : i32 to index
        %get3A_213 = arith.constant 0 : index
        %get3A_214 = tpu.vector_load %arg10[%get3A_212, %get3A_213] {strides = array<i32>} : memref<128x128xf32, #tpu.memory_space<vmem>>, vector<1x16xf32>,
        %get3A_215 = vector.shape_cast %get3A_214 : vector<1x16xf32> to vector<16xf32>
        %mul3A_216 = arith.mulf %get3A_215, %gather3A_209 : vector<16xf32>
        %add3A_217 = arith.constant 1 : i32
        %add3A_218 = arith.addi %multiple_of3A_93, %add3A_217 : i32
        %swap3A_219 = arith.index_cast %add3A_218 : i32 to index
        %swap3A_220 = arith.constant 0 : index
        %swap3A_221 = tpu.vector_load %arg10[%swap3A_219, %swap3A_220] {strides = array<i32>} : memref<128x128xf32, #tpu.memory_space<vmem>>, vector<1x16xf32>,
        %swap3A_222 = vector.shape_cast %swap3A_221 : vector<1x16xf32> to vector<16xf32>
        %swap3A_223 = vector.shape_cast %mul3A_216 : vector<16xf32> to vector<1x16xf32>
        tpu.vector_store %arg10[%swap3A_219, %swap3A_220], %swap3A_223 {strides = array<i32>} : memref<128x128xf32, #tpu.memory_space<vmem>>, vector<1x16xf32>,
        %add3A_224 = arith.constant 1 : i32
        %add3A_225 = arith.addi %multiple_of3A_93, %add3A_224 : i32
        %get3A_226 = arith.index_cast %add3A_225 : i32 to index
        %get3A_227 = arith.constant 16 : index
        %get3A_228 = tpu.vector_load %arg10[%get3A_226, %get3A_227] {strides = array<i32>} : memref<128x128xf32, #tpu.memory_space<vmem>>, vector<1x16xf32>,
        %get3A_229 = vector.shape_cast %get3A_228 : vector<1x16xf32> to vector<16xf32>
        %mul3A_230 = arith.mulf %get3A_229, %gather3A_209 : vector<16xf32>
        %add3A_231 = arith.constant 1 : i32
        %add3A_232 = arith.addi %multiple_of3A_93, %add3A_231 : i32
        %swap3A_233 = arith.index_cast %add3A_232 : i32 to index
        %swap3A_234 = arith.constant 16 : index
        %swap3A_235 = tpu.vector_load %arg10[%swap3A_233, %swap3A_234] {strides = array<i32>} : memref<128x128xf32, #tpu.memory_space<vmem>>, vector<1x16xf32>,
        %swap3A_236 = vector.shape_cast %swap3A_235 : vector<1x16xf32> to vector<16xf32>
        %swap3A_237 = vector.shape_cast %mul3A_230 : vector<16xf32> to vector<1x16xf32>
        tpu.vector_store %arg10[%swap3A_233, %swap3A_234], %swap3A_237 {strides = array<i32>} : memref<128x128xf32, #tpu.memory_space<vmem>>, vector<1x16xf32>,
        %add3A_238 = arith.constant 1 : i32
        %add3A_239 = arith.addi %multiple_of3A_93, %add3A_238 : i32
        %get3A_240 = arith.index_cast %add3A_239 : i32 to index
        %get3A_241 = arith.constant 32 : index
        %get3A_242 = tpu.vector_load %arg10[%get3A_240, %get3A_241] {strides = array<i32>} : memref<128x128xf32, #tpu.memory_space<vmem>>, vector<1x16xf32>,
        %get3A_243 = vector.shape_cast %get3A_242 : vector<1x16xf32> to vector<16xf32>
        %mul3A_244 = arith.mulf %get3A_243, %gather3A_209 : vector<16xf32>
        %add3A_245 = arith.constant 1 : i32
        %add3A_246 = arith.addi %multiple_of3A_93, %add3A_245 : i32
        %swap3A_247 = arith.index_cast %add3A_246 : i32 to index
        %swap3A_248 = arith.constant 32 : index
        %swap3A_249 = tpu.vector_load %arg10[%swap3A_247, %swap3A_248] {strides = array<i32>} : memref<128x128xf32, #tpu.memory_space<vmem>>, vector<1x16xf32>,
        %swap3A_250 = vector.shape_cast %swap3A_249 : vector<1x16xf32> to vector<16xf32>
        %swap3A_251 = vector.shape_cast %mul3A_244 : vector<16xf32> to vector<1x16xf32>
        tpu.vector_store %arg10[%swap3A_247, %swap3A_248], %swap3A_251 {strides = array<i32>} : memref<128x128xf32, #tpu.memory_space<vmem>>, vector<1x16xf32>,
        %add3A_252 = arith.constant 1 : i32
        %add3A_253 = arith.addi %multiple_of3A_93, %add3A_252 : i32
        %get3A_254 = arith.index_cast %add3A_253 : i32 to index
        %get3A_255 = arith.constant 48 : index
        %get3A_256 = tpu.vector_load %arg10[%get3A_254, %get3A_255] {strides = array<i32>} : memref<128x128xf32, #tpu.memory_space<vmem>>, vector<1x16xf32>,
        %get3A_257 = vector.shape_cast %get3A_256 : vector<1x16xf32> to vector<16xf32>
        %mul3A_258 = arith.mulf %get3A_257, %gather3A_209 : vector<16xf32>
        %add3A_259 = arith.constant 1 : i32
        %add3A_260 = arith.addi %multiple_of3A_93, %add3A_259 : i32
        %swap3A_261 = arith.index_cast %add3A_260 : i32 to index
        %swap3A_262 = arith.constant 48 : index
        %swap3A_263 = tpu.vector_load %arg10[%swap3A_261, %swap3A_262] {strides = array<i32>} : memref<128x128xf32, #tpu.memory_space<vmem>>, vector<1x16xf32>,
        %swap3A_264 = vector.shape_cast %swap3A_263 : vector<1x16xf32> to vector<16xf32>
        %swap3A_265 = vector.shape_cast %mul3A_258 : vector<16xf32> to vector<1x16xf32>
        tpu.vector_store %arg10[%swap3A_261, %swap3A_262], %swap3A_265 {strides = array<i32>} : memref<128x128xf32, #tpu.memory_space<vmem>>, vector<1x16xf32>,
        %add3A_266 = arith.constant 1 : i32
        %add3A_267 = arith.addi %multiple_of3A_93, %add3A_266 : i32
        %get3A_268 = arith.index_cast %add3A_267 : i32 to index
        %get3A_269 = arith.constant 64 : index
        %get3A_270 = tpu.vector_load %arg10[%get3A_268, %get3A_269] {strides = array<i32>} : memref<128x128xf32, #tpu.memory_space<vmem>>, vector<1x16xf32>,
        %get3A_271 = vector.shape_cast %get3A_270 : vector<1x16xf32> to vector<16xf32>
        %mul3A_272 = arith.mulf %get3A_271, %gather3A_209 : vector<16xf32>
        %add3A_273 = arith.constant 1 : i32
        %add3A_274 = arith.addi %multiple_of3A_93, %add3A_273 : i32
        %swap3A_275 = arith.index_cast %add3A_274 : i32 to index
        %swap3A_276 = arith.constant 64 : index
        %swap3A_277 = tpu.vector_load %arg10[%swap3A_275, %swap3A_276] {strides = array<i32>} : memref<128x128xf32, #tpu.memory_space<vmem>>, vector<1x16xf32>,
        %swap3A_278 = vector.shape_cast %swap3A_277 : vector<1x16xf32> to vector<16xf32>
        %swap3A_279 = vector.shape_cast %mul3A_272 : vector<16xf32> to vector<1x16xf32>
        tpu.vector_store %arg10[%swap3A_275, %swap3A_276], %swap3A_279 {strides = array<i32>} : memref<128x128xf32, #tpu.memory_space<vmem>>, vector<1x16xf32>,
        %add3A_280 = arith.constant 1 : i32
        %add3A_281 = arith.addi %multiple_of3A_93, %add3A_280 : i32
        %get3A_282 = arith.index_cast %add3A_281 : i32 to index
        %get3A_283 = arith.constant 80 : index
        %get3A_284 = tpu.vector_load %arg10[%get3A_282, %get3A_283] {strides = array<i32>} : memref<128x128xf32, #tpu.memory_space<vmem>>, vector<1x16xf32>,
        %get3A_285 = vector.shape_cast %get3A_284 : vector<1x16xf32> to vector<16xf32>
        %mul3A_286 = arith.mulf %get3A_285, %gather3A_209 : vector<16xf32>
        %add3A_287 = arith.constant 1 : i32
        %add3A_288 = arith.addi %multiple_of3A_93, %add3A_287 : i32
        %swap3A_289 = arith.index_cast %add3A_288 : i32 to index
        %swap3A_290 = arith.constant 80 : index
        %swap3A_291 = tpu.vector_load %arg10[%swap3A_289, %swap3A_290] {strides = array<i32>} : memref<128x128xf32, #tpu.memory_space<vmem>>, vector<1x16xf32>,
        %swap3A_292 = vector.shape_cast %swap3A_291 : vector<1x16xf32> to vector<16xf32>
        %swap3A_293 = vector.shape_cast %mul3A_286 : vector<16xf32> to vector<1x16xf32>
        tpu.vector_store %arg10[%swap3A_289, %swap3A_290], %swap3A_293 {strides = array<i32>} : memref<128x128xf32, #tpu.memory_space<vmem>>, vector<1x16xf32>,
        %add3A_294 = arith.constant 1 : i32
        %add3A_295 = arith.addi %multiple_of3A_93, %add3A_294 : i32
        %get3A_296 = arith.index_cast %add3A_295 : i32 to index
        %get3A_297 = arith.constant 96 : index
        %get3A_298 = tpu.vector_load %arg10[%get3A_296, %get3A_297] {strides = array<i32>} : memref<128x128xf32, #tpu.memory_space<vmem>>, vector<1x16xf32>,
        %get3A_299 = vector.shape_cast %get3A_298 : vector<1x16xf32> to vector<16xf32>
        %mul3A_300 = arith.mulf %get3A_299, %gather3A_209 : vector<16xf32>
        %add3A_301 = arith.constant 1 : i32
        %add3A_302 = arith.addi %multiple_of3A_93, %add3A_301 : i32
        %swap3A_303 = arith.index_cast %add3A_302 : i32 to index
        %swap3A_304 = arith.constant 96 : index
        %swap3A_305 = tpu.vector_load %arg10[%swap3A_303, %swap3A_304] {strides = array<i32>} : memref<128x128xf32, #tpu.memory_space<vmem>>, vector<1x16xf32>,
        %swap3A_306 = vector.shape_cast %swap3A_305 : vector<1x16xf32> to vector<16xf32>
        %swap3A_307 = vector.shape_cast %mul3A_300 : vector<16xf32> to vector<1x16xf32>
        tpu.vector_store %arg10[%swap3A_303, %swap3A_304], %swap3A_307 {strides = array<i32>} : memref<128x128xf32, #tpu.memory_space<vmem>>, vector<1x16xf32>,
        %add3A_308 = arith.constant 1 : i32
        %add3A_309 = arith.addi %multiple_of3A_93, %add3A_308 : i32
        %get3A_310 = arith.index_cast %add3A_309 : i32 to index
        %get3A_311 = arith.constant 112 : index
        %get3A_312 = tpu.vector_load %arg10[%get3A_310, %get3A_311] {strides = array<i32>} : memref<128x128xf32, #tpu.memory_space<vmem>>, vector<1x16xf32>,
        %get3A_313 = vector.shape_cast %get3A_312 : vector<1x16xf32> to vector<16xf32>
        %mul3A_314 = arith.mulf %get3A_313, %gather3A_209 : vector<16xf32>
        %add3A_315 = arith.constant 1 : i32
        %add3A_316 = arith.addi %multiple_of3A_93, %add3A_315 : i32
        %swap3A_317 = arith.index_cast %add3A_316 : i32 to index
        %swap3A_318 = arith.constant 112 : index
        %swap3A_319 = tpu.vector_load %arg10[%swap3A_317, %swap3A_318] {strides = array<i32>} : memref<128x128xf32, #tpu.memory_space<vmem>>, vector<1x16xf32>,
        %swap3A_320 = vector.shape_cast %swap3A_319 : vector<1x16xf32> to vector<16xf32>
        %swap3A_321 = vector.shape_cast %mul3A_314 : vector<16xf32> to vector<1x16xf32>
        tpu.vector_store %arg10[%swap3A_317, %swap3A_318], %swap3A_321 {strides = array<i32>} : memref<128x128xf32, #tpu.memory_space<vmem>>, vector<1x16xf32>,
        %gather3A_322 = vector.shape_cast %broadcast_in_dim3A_27 : vector<16x1xi32> to vector<16xi32>
        %gather3A_323 = tpu.dynamic_gather %get3A_95[%gather3A_322] in [0] : vector<16xf32>, vector<16xi32> -> vector<16xf32>
        %add3A_324 = arith.constant 2 : i32
        %add3A_325 = arith.addi %multiple_of3A_93, %add3A_324 : i32
        %get3A_326 = arith.index_cast %add3A_325 : i32 to index
        %get3A_327 = arith.constant 0 : index
        %get3A_328 = tpu.vector_load %arg10[%get3A_326, %get3A_327] {strides = array<i32>} : memref<128x128xf32, #tpu.memory_space<vmem>>, vector<1x16xf32>,
        %get3A_329 = vector.shape_cast %get3A_328 : vector<1x16xf32> to vector<16xf32>
        %mul3A_330 = arith.mulf %get3A_329, %gather3A_323 : vector<16xf32>
        %add3A_331 = arith.constant 2 : i32
        %add3A_332 = arith.addi %multiple_of3A_93, %add3A_331 : i32
        %swap3A_333 = arith.index_cast %add3A_332 : i32 to index
        %swap3A_334 = arith.constant 0 : index
        %swap3A_335 = tpu.vector_load %arg10[%swap3A_333, %swap3A_334] {strides = array<i32>} : memref<128x128xf32, #tpu.memory_space<vmem>>, vector<1x16xf32>,
        %swap3A_336 = vector.shape_cast %swap3A_335 : vector<1x16xf32> to vector<16xf32>
        %swap3A_337 = vector.shape_cast %mul3A_330 : vector<16xf32> to vector<1x16xf32>
        tpu.vector_store %arg10[%swap3A_333, %swap3A_334], %swap3A_337 {strides = array<i32>} : memref<128x128xf32, #tpu.memory_space<vmem>>, vector<1x16xf32>,
        %add3A_338 = arith.constant 2 : i32
        %add3A_339 = arith.addi %multiple_of3A_93, %add3A_338 : i32
        %get3A_340 = arith.index_cast %add3A_339 : i32 to index
        %get3A_341 = arith.constant 16 : index
        %get3A_342 = tpu.vector_load %arg10[%get3A_340, %get3A_341] {strides = array<i32>} : memref<128x128xf32, #tpu.memory_space<vmem>>, vector<1x16xf32>,
        %get3A_343 = vector.shape_cast %get3A_342 : vector<1x16xf32> to vector<16xf32>
        %mul3A_344 = arith.mulf %get3A_343, %gather3A_323 : vector<16xf32>
        %add3A_345 = arith.constant 2 : i32
        %add3A_346 = arith.addi %multiple_of3A_93, %add3A_345 : i32
        %swap3A_347 = arith.index_cast %add3A_346 : i32 to index
        %swap3A_348 = arith.constant 16 : index
        %swap3A_349 = tpu.vector_load %arg10[%swap3A_347, %swap3A_348] {strides = array<i32>} : memref<128x128xf32, #tpu.memory_space<vmem>>, vector<1x16xf32>,
        %swap3A_350 = vector.shape_cast %swap3A_349 : vector<1x16xf32> to vector<16xf32>
        %swap3A_351 = vector.shape_cast %mul3A_344 : vector<16xf32> to vector<1x16xf32>
        tpu.vector_store %arg10[%swap3A_347, %swap3A_348], %swap3A_351 {strides = array<i32>} : memref<128x128xf32, #tpu.memory_space<vmem>>, vector<1x16xf32>,
        %add3A_352 = arith.constant 2 : i32
        %add3A_353 = arith.addi %multiple_of3A_93, %add3A_352 : i32
        %get3A_354 = arith.index_cast %add3A_353 : i32 to index
        %get3A_355 = arith.constant 32 : index
        %get3A_356 = tpu.vector_load %arg10[%get3A_354, %get3A_355] {strides = array<i32>} : memref<128x128xf32, #tpu.memory_space<vmem>>, vector<1x16xf32>,
        %get3A_357 = vector.shape_cast %get3A_356 : vector<1x16xf32> to vector<16xf32>
        %mul3A_358 = arith.mulf %get3A_357, %gather3A_323 : vector<16xf32>
        %add3A_359 = arith.constant 2 : i32
        %add3A_360 = arith.addi %multiple_of3A_93, %add3A_359 : i32
        %swap3A_361 = arith.index_cast %add3A_360 : i32 to index
        %swap3A_362 = arith.constant 32 : index
        %swap3A_363 = tpu.vector_load %arg10[%swap3A_361, %swap3A_362] {strides = array<i32>} : memref<128x128xf32, #tpu.memory_space<vmem>>, vector<1x16xf32>,
        %swap3A_364 = vector.shape_cast %swap3A_363 : vector<1x16xf32> to vector<16xf32>
        %swap3A_365 = vector.shape_cast %mul3A_358 : vector<16xf32> to vector<1x16xf32>
        tpu.vector_store %arg10[%swap3A_361, %swap3A_362], %swap3A_365 {strides = array<i32>} : memref<128x128xf32, #tpu.memory_space<vmem>>, vector<1x16xf32>,
        %add3A_366 = arith.constant 2 : i32
        %add3A_367 = arith.addi %multiple_of3A_93, %add3A_366 : i32
        %get3A_368 = arith.index_cast %add3A_367 : i32 to index
        %get3A_369 = arith.constant 48 : index
        %get3A_370 = tpu.vector_load %arg10[%get3A_368, %get3A_369] {strides = array<i32>} : memref<128x128xf32, #tpu.memory_space<vmem>>, vector<1x16xf32>,
        %get3A_371 = vector.shape_cast %get3A_370 : vector<1x16xf32> to vector<16xf32>
        %mul3A_372 = arith.mulf %get3A_371, %gather3A_323 : vector<16xf32>
        %add3A_373 = arith.constant 2 : i32
        %add3A_374 = arith.addi %multiple_of3A_93, %add3A_373 : i32
        %swap3A_375 = arith.index_cast %add3A_374 : i32 to index
        %swap3A_376 = arith.constant 48 : index
        %swap3A_377 = tpu.vector_load %arg10[%swap3A_375, %swap3A_376] {strides = array<i32>} : memref<128x128xf32, #tpu.memory_space<vmem>>, vector<1x16xf32>,
        %swap3A_378 = vector.shape_cast %swap3A_377 : vector<1x16xf32> to vector<16xf32>
        %swap3A_379 = vector.shape_cast %mul3A_372 : vector<16xf32> to vector<1x16xf32>
        tpu.vector_store %arg10[%swap3A_375, %swap3A_376], %swap3A_379 {strides = array<i32>} : memref<128x128xf32, #tpu.memory_space<vmem>>, vector<1x16xf32>,
        %add3A_380 = arith.constant 2 : i32
        %add3A_381 = arith.addi %multiple_of3A_93, %add3A_380 : i32
        %get3A_382 = arith.index_cast %add3A_381 : i32 to index
        %get3A_383 = arith.constant 64 : index
        %get3A_384 = tpu.vector_load %arg10[%get3A_382, %get3A_383] {strides = array<i32>} : memref<128x128xf32, #tpu.memory_space<vmem>>, vector<1x16xf32>,
        %get3A_385 = vector.shape_cast %get3A_384 : vector<1x16xf32> to vector<16xf32>
        %mul3A_386 = arith.mulf %get3A_385, %gather3A_323 : vector<16xf32>
        %add3A_387 = arith.constant 2 : i32
        %add3A_388 = arith.addi %multiple_of3A_93, %add3A_387 : i32
        %swap3A_389 = arith.index_cast %add3A_388 : i32 to index
        %swap3A_390 = arith.constant 64 : index
        %swap3A_391 = tpu.vector_load %arg10[%swap3A_389, %swap3A_390] {strides = array<i32>} : memref<128x128xf32, #tpu.memory_space<vmem>>, vector<1x16xf32>,
        %swap3A_392 = vector.shape_cast %swap3A_391 : vector<1x16xf32> to vector<16xf32>
        %swap3A_393 = vector.shape_cast %mul3A_386 : vector<16xf32> to vector<1x16xf32>
        tpu.vector_store %arg10[%swap3A_389, %swap3A_390], %swap3A_393 {strides = array<i32>} : memref<128x128xf32, #tpu.memory_space<vmem>>, vector<1x16xf32>,
        %add3A_394 = arith.constant 2 : i32
        %add3A_395 = arith.addi %multiple_of3A_93, %add3A_394 : i32
        %get3A_396 = arith.index_cast %add3A_395 : i32 to index
        %get3A_397 = arith.constant 80 : index
        %get3A_398 = tpu.vector_load %arg10[%get3A_396, %get3A_397] {strides = array<i32>} : memref<128x128xf32, #tpu.memory_space<vmem>>, vector<1x16xf32>,
        %get3A_399 = vector.shape_cast %get3A_398 : vector<1x16xf32> to vector<16xf32>
        %mul3A_400 = arith.mulf %get3A_399, %gather3A_323 : vector<16xf32>
        %add3A_401 = arith.constant 2 : i32
        %add3A_402 = arith.addi %multiple_of3A_93, %add3A_401 : i32
        %swap3A_403 = arith.index_cast %add3A_402 : i32 to index
        %swap3A_404 = arith.constant 80 : index
        %swap3A_405 = tpu.vector_load %arg10[%swap3A_403, %swap3A_404] {strides = array<i32>} : memref<128x128xf32, #tpu.memory_space<vmem>>, vector<1x16xf32>,
        %swap3A_406 = vector.shape_cast %swap3A_405 : vector<1x16xf32> to vector<16xf32>
        %swap3A_407 = vector.shape_cast %mul3A_400 : vector<16xf32> to vector<1x16xf32>
        tpu.vector_store %arg10[%swap3A_403, %swap3A_404], %swap3A_407 {strides = array<i32>} : memref<128x128xf32, #tpu.memory_space<vmem>>, vector<1x16xf32>,
        %add3A_408 = arith.constant 2 : i32
        %add3A_409 = arith.addi %multiple_of3A_93, %add3A_408 : i32
        %get3A_410 = arith.index_cast %add3A_409 : i32 to index
        %get3A_411 = arith.constant 96 : index
        %get3A_412 = tpu.vector_load %arg10[%get3A_410, %get3A_411] {strides = array<i32>} : memref<128x128xf32, #tpu.memory_space<vmem>>, vector<1x16xf32>,
        %get3A_413 = vector.shape_cast %get3A_412 : vector<1x16xf32> to vector<16xf32>
        %mul3A_414 = arith.mulf %get3A_413, %gather3A_323 : vector<16xf32>
        %add3A_415 = arith.constant 2 : i32
        %add3A_416 = arith.addi %multiple_of3A_93, %add3A_415 : i32
        %swap3A_417 = arith.index_cast %add3A_416 : i32 to index
        %swap3A_418 = arith.constant 96 : index
        %swap3A_419 = tpu.vector_load %arg10[%swap3A_417, %swap3A_418] {strides = array<i32>} : memref<128x128xf32, #tpu.memory_space<vmem>>, vector<1x16xf32>,
        %swap3A_420 = vector.shape_cast %swap3A_419 : vector<1x16xf32> to vector<16xf32>
        %swap3A_421 = vector.shape_cast %mul3A_414 : vector<16xf32> to vector<1x16xf32>
        tpu.vector_store %arg10[%swap3A_417, %swap3A_418], %swap3A_421 {strides = array<i32>} : memref<128x128xf32, #tpu.memory_space<vmem>>, vector<1x16xf32>,
        %add3A_422 = arith.constant 2 : i32
        %add3A_423 = arith.addi %multiple_of3A_93, %add3A_422 : i32
        %get3A_424 = arith.index_cast %add3A_423 : i32 to index
        %get3A_425 = arith.constant 112 : index
        %get3A_426 = tpu.vector_load %arg10[%get3A_424, %get3A_425] {strides = array<i32>} : memref<128x128xf32, #tpu.memory_space<vmem>>, vector<1x16xf32>,
        %get3A_427 = vector.shape_cast %get3A_426 : vector<1x16xf32> to vector<16xf32>
        %mul3A_428 = arith.mulf %get3A_427, %gather3A_323 : vector<16xf32>
        %add3A_429 = arith.constant 2 : i32
        %add3A_430 = arith.addi %multiple_of3A_93, %add3A_429 : i32
        %swap3A_431 = arith.index_cast %add3A_430 : i32 to index
        %swap3A_432 = arith.constant 112 : index
        %swap3A_433 = tpu.vector_load %arg10[%swap3A_431, %swap3A_432] {strides = array<i32>} : memref<128x128xf32, #tpu.memory_space<vmem>>, vector<1x16xf32>,
        %swap3A_434 = vector.shape_cast %swap3A_433 : vector<1x16xf32> to vector<16xf32>
        %swap3A_435 = vector.shape_cast %mul3A_428 : vector<16xf32> to vector<1x16xf32>
        tpu.vector_store %arg10[%swap3A_431, %swap3A_432], %swap3A_435 {strides = array<i32>} : memref<128x128xf32, #tpu.memory_space<vmem>>, vector<1x16xf32>,
        %gather3A_436 = vector.shape_cast %broadcast_in_dim3A_29 : vector<16x1xi32> to vector<16xi32>
        %gather3A_437 = tpu.dynamic_gather %get3A_95[%gather3A_436] in [0] : vector<16xf32>, vector<16xi32> -> vector<16xf32>
        %add3A_438 = arith.constant 3 : i32
        %add3A_439 = arith.addi %multiple_of3A_93, %add3A_438 : i32
        %get3A_440 = arith.index_cast %add3A_439 : i32 to index
        %get3A_441 = arith.constant 0 : index
        %get3A_442 = tpu.vector_load %arg10[%get3A_440, %get3A_441] {strides = array<i32>} : memref<128x128xf32, #tpu.memory_space<vmem>>, vector<1x16xf32>,
        %get3A_443 = vector.shape_cast %get3A_442 : vector<1x16xf32> to vector<16xf32>
        %mul3A_444 = arith.mulf %get3A_443, %gather3A_437 : vector<16xf32>
        %add3A_445 = arith.constant 3 : i32
        %add3A_446 = arith.addi %multiple_of3A_93, %add3A_445 : i32
        %swap3A_447 = arith.index_cast %add3A_446 : i32 to index
        %swap3A_448 = arith.constant 0 : index
        %swap3A_449 = tpu.vector_load %arg10[%swap3A_447, %swap3A_448] {strides = array<i32>} : memref<128x128xf32, #tpu.memory_space<vmem>>, vector<1x16xf32>,
        %swap3A_450 = vector.shape_cast %swap3A_449 : vector<1x16xf32> to vector<16xf32>
        %swap3A_451 = vector.shape_cast %mul3A_444 : vector<16xf32> to vector<1x16xf32>
        tpu.vector_store %arg10[%swap3A_447, %swap3A_448], %swap3A_451 {strides = array<i32>} : memref<128x128xf32, #tpu.memory_space<vmem>>, vector<1x16xf32>,
        %add3A_452 = arith.constant 3 : i32
        %add3A_453 = arith.addi %multiple_of3A_93, %add3A_452 : i32
        %get3A_454 = arith.index_cast %add3A_453 : i32 to index
        %get3A_455 = arith.constant 16 : index
        %get3A_456 = tpu.vector_load %arg10[%get3A_454, %get3A_455] {strides = array<i32>} : memref<128x128xf32, #tpu.memory_space<vmem>>, vector<1x16xf32>,
        %get3A_457 = vector.shape_cast %get3A_456 : vector<1x16xf32> to vector<16xf32>
        %mul3A_458 = arith.mulf %get3A_457, %gather3A_437 : vector<16xf32>
        %add3A_459 = arith.constant 3 : i32
        %add3A_460 = arith.addi %multiple_of3A_93, %add3A_459 : i32
        %swap3A_461 = arith.index_cast %add3A_460 : i32 to index
        %swap3A_462 = arith.constant 16 : index
        %swap3A_463 = tpu.vector_load %arg10[%swap3A_461, %swap3A_462] {strides = array<i32>} : memref<128x128xf32, #tpu.memory_space<vmem>>, vector<1x16xf32>,
        %swap3A_464 = vector.shape_cast %swap3A_463 : vector<1x16xf32> to vector<16xf32>
        %swap3A_465 = vector.shape_cast %mul3A_458 : vector<16xf32> to vector<1x16xf32>
        tpu.vector_store %arg10[%swap3A_461, %swap3A_462], %swap3A_465 {strides = array<i32>} : memref<128x128xf32, #tpu.memory_space<vmem>>, vector<1x16xf32>,
        %add3A_466 = arith.constant 3 : i32
        %add3A_467 = arith.addi %multiple_of3A_93, %add3A_466 : i32
        %get3A_468 = arith.index_cast %add3A_467 : i32 to index
        %get3A_469 = arith.constant 32 : index
        %get3A_470 = tpu.vector_load %arg10[%get3A_468, %get3A_469] {strides = array<i32>} : memref<128x128xf32, #tpu.memory_space<vmem>>, vector<1x16xf32>,
        %get3A_471 = vector.shape_cast %get3A_470 : vector<1x16xf32> to vector<16xf32>
        %mul3A_472 = arith.mulf %get3A_471, %gather3A_437 : vector<16xf32>
        %add3A_473 = arith.constant 3 : i32
        %add3A_474 = arith.addi %multiple_of3A_93, %add3A_473 : i32
        %swap3A_475 = arith.index_cast %add3A_474 : i32 to index
        %swap3A_476 = arith.constant 32 : index
        %swap3A_477 = tpu.vector_load %arg10[%swap3A_475, %swap3A_476] {strides = array<i32>} : memref<128x128xf32, #tpu.memory_space<vmem>>, vector<1x16xf32>,
        %swap3A_478 = vector.shape_cast %swap3A_477 : vector<1x16xf32> to vector<16xf32>
        %swap3A_479 = vector.shape_cast %mul3A_472 : vector<16xf32> to vector<1x16xf32>
        tpu.vector_store %arg10[%swap3A_475, %swap3A_476], %swap3A_479 {strides = array<i32>} : memref<128x128xf32, #tpu.memory_space<vmem>>, vector<1x16xf32>,
        %add3A_480 = arith.constant 3 : i32
        %add3A_481 = arith.addi %multiple_of3A_93, %add3A_480 : i32
        %get3A_482 = arith.index_cast %add3A_481 : i32 to index
        %get3A_483 = arith.constant 48 : index
        %get3A_484 = tpu.vector_load %arg10[%get3A_482, %get3A_483] {strides = array<i32>} : memref<128x128xf32, #tpu.memory_space<vmem>>, vector<1x16xf32>,
        %get3A_485 = vector.shape_cast %get3A_484 : vector<1x16xf32> to vector<16xf32>
        %mul3A_486 = arith.mulf %get3A_485, %gather3A_437 : vector<16xf32>
        %add3A_487 = arith.constant 3 : i32
        %add3A_488 = arith.addi %multiple_of3A_93, %add3A_487 : i32
        %swap3A_489 = arith.index_cast %add3A_488 : i32 to index
        %swap3A_490 = arith.constant 48 : index
        %swap3A_491 = tpu.vector_load %arg10[%swap3A_489, %swap3A_490] {strides = array<i32>} : memref<128x128xf32, #tpu.memory_space<vmem>>, vector<1x16xf32>,
        %swap3A_492 = vector.shape_cast %swap3A_491 : vector<1x16xf32> to vector<16xf32>
        %swap3A_493 = vector.shape_cast %mul3A_486 : vector<16xf32> to vector<1x16xf32>
        tpu.vector_store %arg10[%swap3A_489, %swap3A_490], %swap3A_493 {strides = array<i32>} : memref<128x128xf32, #tpu.memory_space<vmem>>, vector<1x16xf32>,
        %add3A_494 = arith.constant 3 : i32
        %add3A_495 = arith.addi %multiple_of3A_93, %add3A_494 : i32
        %get3A_496 = arith.index_cast %add3A_495 : i32 to index
        %get3A_497 = arith.constant 64 : index
        %get3A_498 = tpu.vector_load %arg10[%get3A_496, %get3A_497] {strides = array<i32>} : memref<128x128xf32, #tpu.memory_space<vmem>>, vector<1x16xf32>,
        %get3A_499 = vector.shape_cast %get3A_498 : vector<1x16xf32> to vector<16xf32>
        %mul3A_500 = arith.mulf %get3A_499, %gather3A_437 : vector<16xf32>
        %add3A_501 = arith.constant 3 : i32
        %add3A_502 = arith.addi %multiple_of3A_93, %add3A_501 : i32
        %swap3A_503 = arith.index_cast %add3A_502 : i32 to index
        %swap3A_504 = arith.constant 64 : index
        %swap3A_505 = tpu.vector_load %arg10[%swap3A_503, %swap3A_504] {strides = array<i32>} : memref<128x128xf32, #tpu.memory_space<vmem>>, vector<1x16xf32>,
        %swap3A_506 = vector.shape_cast %swap3A_505 : vector<1x16xf32> to vector<16xf32>
        %swap3A_507 = vector.shape_cast %mul3A_500 : vector<16xf32> to vector<1x16xf32>
        tpu.vector_store %arg10[%swap3A_503, %swap3A_504], %swap3A_507 {strides = array<i32>} : memref<128x128xf32, #tpu.memory_space<vmem>>, vector<1x16xf32>,
        %add3A_508 = arith.constant 3 : i32
        %add3A_509 = arith.addi %multiple_of3A_93, %add3A_508 : i32
        %get3A_510 = arith.index_cast %add3A_509 : i32 to index
        %get3A_511 = arith.constant 80 : index
        %get3A_512 = tpu.vector_load %arg10[%get3A_510, %get3A_511] {strides = array<i32>} : memref<128x128xf32, #tpu.memory_space<vmem>>, vector<1x16xf32>,
        %get3A_513 = vector.shape_cast %get3A_512 : vector<1x16xf32> to vector<16xf32>
        %mul3A_514 = arith.mulf %get3A_513, %gather3A_437 : vector<16xf32>
        %add3A_515 = arith.constant 3 : i32
        %add3A_516 = arith.addi %multiple_of3A_93, %add3A_515 : i32
        %swap3A_517 = arith.index_cast %add3A_516 : i32 to index
        %swap3A_518 = arith.constant 80 : index
        %swap3A_519 = tpu.vector_load %arg10[%swap3A_517, %swap3A_518] {strides = array<i32>} : memref<128x128xf32, #tpu.memory_space<vmem>>, vector<1x16xf32>,
        %swap3A_520 = vector.shape_cast %swap3A_519 : vector<1x16xf32> to vector<16xf32>
        %swap3A_521 = vector.shape_cast %mul3A_514 : vector<16xf32> to vector<1x16xf32>
        tpu.vector_store %arg10[%swap3A_517, %swap3A_518], %swap3A_521 {strides = array<i32>} : memref<128x128xf32, #tpu.memory_space<vmem>>, vector<1x16xf32>,
        %add3A_522 = arith.constant 3 : i32
        %add3A_523 = arith.addi %multiple_of3A_93, %add3A_522 : i32
        %get3A_524 = arith.index_cast %add3A_523 : i32 to index
        %get3A_525 = arith.constant 96 : index
        %get3A_526 = tpu.vector_load %arg10[%get3A_524, %get3A_525] {strides = array<i32>} : memref<128x128xf32, #tpu.memory_space<vmem>>, vector<1x16xf32>,
        %get3A_527 = vector.shape_cast %get3A_526 : vector<1x16xf32> to vector<16xf32>
        %mul3A_528 = arith.mulf %get3A_527, %gather3A_437 : vector<16xf32>
        %add3A_529 = arith.constant 3 : i32
        %add3A_530 = arith.addi %multiple_of3A_93, %add3A_529 : i32
        %swap3A_531 = arith.index_cast %add3A_530 : i32 to index
        %swap3A_532 = arith.constant 96 : index
        %swap3A_533 = tpu.vector_load %arg10[%swap3A_531, %swap3A_532] {strides = array<i32>} : memref<128x128xf32, #tpu.memory_space<vmem>>, vector<1x16xf32>,
        %swap3A_534 = vector.shape_cast %swap3A_533 : vector<1x16xf32> to vector<16xf32>
        %swap3A_535 = vector.shape_cast %mul3A_528 : vector<16xf32> to vector<1x16xf32>
        tpu.vector_store %arg10[%swap3A_531, %swap3A_532], %swap3A_535 {strides = array<i32>} : memref<128x128xf32, #tpu.memory_space<vmem>>, vector<1x16xf32>,
        %add3A_536 = arith.constant 3 : i32
        %add3A_537 = arith.addi %multiple_of3A_93, %add3A_536 : i32
        %get3A_538 = arith.index_cast %add3A_537 : i32 to index
        %get3A_539 = arith.constant 112 : index
        %get3A_540 = tpu.vector_load %arg10[%get3A_538, %get3A_539] {strides = array<i32>} : memref<128x128xf32, #tpu.memory_space<vmem>>, vector<1x16xf32>,
        %get3A_541 = vector.shape_cast %get3A_540 : vector<1x16xf32> to vector<16xf32>
        %mul3A_542 = arith.mulf %get3A_541, %gather3A_437 : vector<16xf32>
        %add3A_543 = arith.constant 3 : i32
        %add3A_544 = arith.addi %multiple_of3A_93, %add3A_543 : i32
        %swap3A_545 = arith.index_cast %add3A_544 : i32 to index
        %swap3A_546 = arith.constant 112 : index
        %swap3A_547 = tpu.vector_load %arg10[%swap3A_545, %swap3A_546] {strides = array<i32>} : memref<128x128xf32, #tpu.memory_space<vmem>>, vector<1x16xf32>,
        %swap3A_548 = vector.shape_cast %swap3A_547 : vector<1x16xf32> to vector<16xf32>
        %swap3A_549 = vector.shape_cast %mul3A_542 : vector<16xf32> to vector<1x16xf32>
        tpu.vector_store %arg10[%swap3A_545, %swap3A_546], %swap3A_549 {strides = array<i32>} : memref<128x128xf32, #tpu.memory_space<vmem>>, vector<1x16xf32>,
        %gather3A_550 = vector.shape_cast %broadcast_in_dim3A_31 : vector<16x1xi32> to vector<16xi32>
        %gather3A_551 = tpu.dynamic_gather %get3A_95[%gather3A_550] in [0] : vector<16xf32>, vector<16xi32> -> vector<16xf32>
        %add3A_552 = arith.constant 4 : i32
        %add3A_553 = arith.addi %multiple_of3A_93, %add3A_552 : i32
        %get3A_554 = arith.index_cast %add3A_553 : i32 to index
        %get3A_555 = arith.constant 0 : index
        %get3A_556 = tpu.vector_load %arg10[%get3A_554, %get3A_555] {strides = array<i32>} : memref<128x128xf32, #tpu.memory_space<vmem>>, vector<1x16xf32>,
        %get3A_557 = vector.shape_cast %get3A_556 : vector<1x16xf32> to vector<16xf32>
        %mul3A_558 = arith.mulf %get3A_557, %gather3A_551 : vector<16xf32>
        %add3A_559 = arith.constant 4 : i32
        %add3A_560 = arith.addi %multiple_of3A_93, %add3A_559 : i32
        %swap3A_561 = arith.index_cast %add3A_560 : i32 to index
        %swap3A_562 = arith.constant 0 : index
        %swap3A_563 = tpu.vector_load %arg10[%swap3A_561, %swap3A_562] {strides = array<i32>} : memref<128x128xf32, #tpu.memory_space<vmem>>, vector<1x16xf32>,
        %swap3A_564 = vector.shape_cast %swap3A_563 : vector<1x16xf32> to vector<16xf32>
        %swap3A_565 = vector.shape_cast %mul3A_558 : vector<16xf32> to vector<1x16xf32>
        tpu.vector_store %arg10[%swap3A_561, %swap3A_562], %swap3A_565 {strides = array<i32>} : memref<128x128xf32, #tpu.memory_space<vmem>>, vector<1x16xf32>,
        %add3A_566 = arith.constant 4 : i32
        %add3A_567 = arith.addi %multiple_of3A_93, %add3A_566 : i32
        %get3A_568 = arith.index_cast %add3A_567 : i32 to index
        %get3A_569 = arith.constant 16 : index
        %get3A_570 = tpu.vector_load %arg10[%get3A_568, %get3A_569] {strides = array<i32>} : memref<128x128xf32, #tpu.memory_space<vmem>>, vector<1x16xf32>,
        %get3A_571 = vector.shape_cast %get3A_570 : vector<1x16xf32> to vector<16xf32>
        %mul3A_572 = arith.mulf %get3A_571, %gather3A_551 : vector<16xf32>
        %add3A_573 = arith.constant 4 : i32
        %add3A_574 = arith.addi %multiple_of3A_93, %add3A_573 : i32
        %swap3A_575 = arith.index_cast %add3A_574 : i32 to index
        %swap3A_576 = arith.constant 16 : index
        %swap3A_577 = tpu.vector_load %arg10[%swap3A_575, %swap3A_576] {strides = array<i32>} : memref<128x128xf32, #tpu.memory_space<vmem>>, vector<1x16xf32>,
        %swap3A_578 = vector.shape_cast %swap3A_577 : vector<1x16xf32> to vector<16xf32>
        %swap3A_579 = vector.shape_cast %mul3A_572 : vector<16xf32> to vector<1x16xf32>
        tpu.vector_store %arg10[%swap3A_575, %swap3A_576], %swap3A_579 {strides = array<i32>} : memref<128x128xf32, #tpu.memory_space<vmem>>, vector<1x16xf32>,
        %add3A_580 = arith.constant 4 : i32
        %add3A_581 = arith.addi %multiple_of3A_93, %add3A_580 : i32
        %get3A_582 = arith.index_cast %add3A_581 : i32 to index
        %get3A_583 = arith.constant 32 : index
        %get3A_584 = tpu.vector_load %arg10[%get3A_582, %get3A_583] {strides = array<i32>} : memref<128x128xf32, #tpu.memory_space<vmem>>, vector<1x16xf32>,
        %get3A_585 = vector.shape_cast %get3A_584 : vector<1x16xf32> to vector<16xf32>
        %mul3A_586 = arith.mulf %get3A_585, %gather3A_551 : vector<16xf32>
        %add3A_587 = arith.constant 4 : i32
        %add3A_588 = arith.addi %multiple_of3A_93, %add3A_587 : i32
        %swap3A_589 = arith.index_cast %add3A_588 : i32 to index
        %swap3A_590 = arith.constant 32 : index
        %swap3A_591 = tpu.vector_load %arg10[%swap3A_589, %swap3A_590] {strides = array<i32>} : memref<128x128xf32, #tpu.memory_space<vmem>>, vector<1x16xf32>,
        %swap3A_592 = vector.shape_cast %swap3A_591 : vector<1x16xf32> to vector<16xf32>
        %swap3A_593 = vector.shape_cast %mul3A_586 : vector<16xf32> to vector<1x16xf32>
        tpu.vector_store %arg10[%swap3A_589, %swap3A_590], %swap3A_593 {strides = array<i32>} : memref<128x128xf32, #tpu.memory_space<vmem>>, vector<1x16xf32>,
        %add3A_594 = arith.constant 4 : i32
        %add3A_595 = arith.addi %multiple_of3A_93, %add3A_594 : i32
        %get3A_596 = arith.index_cast %add3A_595 : i32 to index
        %get3A_597 = arith.constant 48 : index
        %get3A_598 = tpu.vector_load %arg10[%get3A_596, %get3A_597] {strides = array<i32>} : memref<128x128xf32, #tpu.memory_space<vmem>>, vector<1x16xf32>,
        %get3A_599 = vector.shape_cast %get3A_598 : vector<1x16xf32> to vector<16xf32>
        %mul3A_600 = arith.mulf %get3A_599, %gather3A_551 : vector<16xf32>
        %add3A_601 = arith.constant 4 : i32
        %add3A_602 = arith.addi %multiple_of3A_93, %add3A_601 : i32
        %swap3A_603 = arith.index_cast %add3A_602 : i32 to index
        %swap3A_604 = arith.constant 48 : index
        %swap3A_605 = tpu.vector_load %arg10[%swap3A_603, %swap3A_604] {strides = array<i32>} : memref<128x128xf32, #tpu.memory_space<vmem>>, vector<1x16xf32>,
        %swap3A_606 = vector.shape_cast %swap3A_605 : vector<1x16xf32> to vector<16xf32>
        %swap3A_607 = vector.shape_cast %mul3A_600 : vector<16xf32> to vector<1x16xf32>
        tpu.vector_store %arg10[%swap3A_603, %swap3A_604], %swap3A_607 {strides = array<i32>} : memref<128x128xf32, #tpu.memory_space<vmem>>, vector<1x16xf32>,
        %add3A_608 = arith.constant 4 : i32
        %add3A_609 = arith.addi %multiple_of3A_93, %add3A_608 : i32
        %get3A_610 = arith.index_cast %add3A_609 : i32 to index
        %get3A_611 = arith.constant 64 : index
        %get3A_612 = tpu.vector_load %arg10[%get3A_610, %get3A_611] {strides = array<i32>} : memref<128x128xf32, #tpu.memory_space<vmem>>, vector<1x16xf32>,
        %get3A_613 = vector.shape_cast %get3A_612 : vector<1x16xf32> to vector<16xf32>
        %mul3A_614 = arith.mulf %get3A_613, %gather3A_551 : vector<16xf32>
        %add3A_615 = arith.constant 4 : i32
        %add3A_616 = arith.addi %multiple_of3A_93, %add3A_615 : i32
        %swap3A_617 = arith.index_cast %add3A_616 : i32 to index
        %swap3A_618 = arith.constant 64 : index
        %swap3A_619 = tpu.vector_load %arg10[%swap3A_617, %swap3A_618] {strides = array<i32>} : memref<128x128xf32, #tpu.memory_space<vmem>>, vector<1x16xf32>,
        %swap3A_620 = vector.shape_cast %swap3A_619 : vector<1x16xf32> to vector<16xf32>
        %swap3A_621 = vector.shape_cast %mul3A_614 : vector<16xf32> to vector<1x16xf32>
        tpu.vector_store %arg10[%swap3A_617, %swap3A_618], %swap3A_621 {strides = array<i32>} : memref<128x128xf32, #tpu.memory_space<vmem>>, vector<1x16xf32>,
        %add3A_622 = arith.constant 4 : i32
        %add3A_623 = arith.addi %multiple_of3A_93, %add3A_622 : i32
        %get3A_624 = arith.index_cast %add3A_623 : i32 to index
        %get3A_625 = arith.constant 80 : index
        %get3A_626 = tpu.vector_load %arg10[%get3A_624, %get3A_625] {strides = array<i32>} : memref<128x128xf32, #tpu.memory_space<vmem>>, vector<1x16xf32>,
        %get3A_627 = vector.shape_cast %get3A_626 : vector<1x16xf32> to vector<16xf32>
        %mul3A_628 = arith.mulf %get3A_627, %gather3A_551 : vector<16xf32>
        %add3A_629 = arith.constant 4 : i32
        %add3A_630 = arith.addi %multiple_of3A_93, %add3A_629 : i32
        %swap3A_631 = arith.index_cast %add3A_630 : i32 to index
        %swap3A_632 = arith.constant 80 : index
        %swap3A_633 = tpu.vector_load %arg10[%swap3A_631, %swap3A_632] {strides = array<i32>} : memref<128x128xf32, #tpu.memory_space<vmem>>, vector<1x16xf32>,
        %swap3A_634 = vector.shape_cast %swap3A_633 : vector<1x16xf32> to vector<16xf32>
        %swap3A_635 = vector.shape_cast %mul3A_628 : vector<16xf32> to vector<1x16xf32>
        tpu.vector_store %arg10[%swap3A_631, %swap3A_632], %swap3A_635 {strides = array<i32>} : memref<128x128xf32, #tpu.memory_space<vmem>>, vector<1x16xf32>,
        %add3A_636 = arith.constant 4 : i32
        %add3A_637 = arith.addi %multiple_of3A_93, %add3A_636 : i32
        %get3A_638 = arith.index_cast %add3A_637 : i32 to index
        %get3A_639 = arith.constant 96 : index
        %get3A_640 = tpu.vector_load %arg10[%get3A_638, %get3A_639] {strides = array<i32>} : memref<128x128xf32, #tpu.memory_space<vmem>>, vector<1x16xf32>,
        %get3A_641 = vector.shape_cast %get3A_640 : vector<1x16xf32> to vector<16xf32>
        %mul3A_642 = arith.mulf %get3A_641, %gather3A_551 : vector<16xf32>
        %add3A_643 = arith.constant 4 : i32
        %add3A_644 = arith.addi %multiple_of3A_93, %add3A_643 : i32
        %swap3A_645 = arith.index_cast %add3A_644 : i32 to index
        %swap3A_646 = arith.constant 96 : index
        %swap3A_647 = tpu.vector_load %arg10[%swap3A_645, %swap3A_646] {strides = array<i32>} : memref<128x128xf32, #tpu.memory_space<vmem>>, vector<1x16xf32>,
        %swap3A_648 = vector.shape_cast %swap3A_647 : vector<1x16xf32> to vector<16xf32>
        %swap3A_649 = vector.shape_cast %mul3A_642 : vector<16xf32> to vector<1x16xf32>
        tpu.vector_store %arg10[%swap3A_645, %swap3A_646], %swap3A_649 {strides = array<i32>} : memref<128x128xf32, #tpu.memory_space<vmem>>, vector<1x16xf32>,
        %add3A_650 = arith.constant 4 : i32
        %add3A_651 = arith.addi %multiple_of3A_93, %add3A_650 : i32
        %get3A_652 = arith.index_cast %add3A_651 : i32 to index
        %get3A_653 = arith.constant 112 : index
        %get3A_654 = tpu.vector_load %arg10[%get3A_652, %get3A_653] {strides = array<i32>} : memref<128x128xf32, #tpu.memory_space<vmem>>, vector<1x16xf32>,
        %get3A_655 = vector.shape_cast %get3A_654 : vector<1x16xf32> to vector<16xf32>
        %mul3A_656 = arith.mulf %get3A_655, %gather3A_551 : vector<16xf32>
        %add3A_657 = arith.constant 4 : i32
        %add3A_658 = arith.addi %multiple_of3A_93, %add3A_657 : i32
        %swap3A_659 = arith.index_cast %add3A_658 : i32 to index
        %swap3A_660 = arith.constant 112 : index
        %swap3A_661 = tpu.vector_load %arg10[%swap3A_659, %swap3A_660] {strides = array<i32>} : memref<128x128xf32, #tpu.memory_space<vmem>>, vector<1x16xf32>,
        %swap3A_662 = vector.shape_cast %swap3A_661 : vector<1x16xf32> to vector<16xf32>
        %swap3A_663 = vector.shape_cast %mul3A_656 : vector<16xf32> to vector<1x16xf32>
        tpu.vector_store %arg10[%swap3A_659, %swap3A_660], %swap3A_663 {strides = array<i32>} : memref<128x128xf32, #tpu.memory_space<vmem>>, vector<1x16xf32>,
        %gather3A_664 = vector.shape_cast %broadcast_in_dim3A_33 : vector<16x1xi32> to vector<16xi32>
        %gather3A_665 = tpu.dynamic_gather %get3A_95[%gather3A_664] in [0] : vector<16xf32>, vector<16xi32> -> vector<16xf32>
        %add3A_666 = arith.constant 5 : i32
        %add3A_667 = arith.addi %multiple_of3A_93, %add3A_666 : i32
        %get3A_668 = arith.index_cast %add3A_667 : i32 to index
        %get3A_669 = arith.constant 0 : index
        %get3A_670 = tpu.vector_load %arg10[%get3A_668, %get3A_669] {strides = array<i32>} : memref<128x128xf32, #tpu.memory_space<vmem>>, vector<1x16xf32>,
        %get3A_671 = vector.shape_cast %get3A_670 : vector<1x16xf32> to vector<16xf32>
        %mul3A_672 = arith.mulf %get3A_671, %gather3A_665 : vector<16xf32>
        %add3A_673 = arith.constant 5 : i32
        %add3A_674 = arith.addi %multiple_of3A_93, %add3A_673 : i32
        %swap3A_675 = arith.index_cast %add3A_674 : i32 to index
        %swap3A_676 = arith.constant 0 : index
        %swap3A_677 = tpu.vector_load %arg10[%swap3A_675, %swap3A_676] {strides = array<i32>} : memref<128x128xf32, #tpu.memory_space<vmem>>, vector<1x16xf32>,
        %swap3A_678 = vector.shape_cast %swap3A_677 : vector<1x16xf32> to vector<16xf32>
        %swap3A_679 = vector.shape_cast %mul3A_672 : vector<16xf32> to vector<1x16xf32>
        tpu.vector_store %arg10[%swap3A_675, %swap3A_676], %swap3A_679 {strides = array<i32>} : memref<128x128xf32, #tpu.memory_space<vmem>>, vector<1x16xf32>,
        %add3A_680 = arith.constant 5 : i32
        %add3A_681 = arith.addi %multiple_of3A_93, %add3A_680 : i32
        %get3A_682 = arith.index_cast %add3A_681 : i32 to index
        %get3A_683 = arith.constant 16 : index
        %get3A_684 = tpu.vector_load %arg10[%get3A_682, %get3A_683] {strides = array<i32>} : memref<128x128xf32, #tpu.memory_space<vmem>>, vector<1x16xf32>,
        %get3A_685 = vector.shape_cast %get3A_684 : vector<1x16xf32> to vector<16xf32>
        %mul3A_686 = arith.mulf %get3A_685, %gather3A_665 : vector<16xf32>
        %add3A_687 = arith.constant 5 : i32
        %add3A_688 = arith.addi %multiple_of3A_93, %add3A_687 : i32
        %swap3A_689 = arith.index_cast %add3A_688 : i32 to index
        %swap3A_690 = arith.constant 16 : index
        %swap3A_691 = tpu.vector_load %arg10[%swap3A_689, %swap3A_690] {strides = array<i32>} : memref<128x128xf32, #tpu.memory_space<vmem>>, vector<1x16xf32>,
        %swap3A_692 = vector.shape_cast %swap3A_691 : vector<1x16xf32> to vector<16xf32>
        %swap3A_693 = vector.shape_cast %mul3A_686 : vector<16xf32> to vector<1x16xf32>
        tpu.vector_store %arg10[%swap3A_689, %swap3A_690], %swap3A_693 {strides = array<i32>} : memref<128x128xf32, #tpu.memory_space<vmem>>, vector<1x16xf32>,
        %add3A_694 = arith.constant 5 : i32
        %add3A_695 = arith.addi %multiple_of3A_93, %add3A_694 : i32
        %get3A_696 = arith.index_cast %add3A_695 : i32 to index
        %get3A_697 = arith.constant 32 : index
        %get3A_698 = tpu.vector_load %arg10[%get3A_696, %get3A_697] {strides = array<i32>} : memref<128x128xf32, #tpu.memory_space<vmem>>, vector<1x16xf32>,
        %get3A_699 = vector.shape_cast %get3A_698 : vector<1x16xf32> to vector<16xf32>
        %mul3A_700 = arith.mulf %get3A_699, %gather3A_665 : vector<16xf32>
        %add3A_701 = arith.constant 5 : i32
        %add3A_702 = arith.addi %multiple_of3A_93, %add3A_701 : i32
        %swap3A_703 = arith.index_cast %add3A_702 : i32 to index
        %swap3A_704 = arith.constant 32 : index
        %swap3A_705 = tpu.vector_load %arg10[%swap3A_703, %swap3A_704] {strides = array<i32>} : memref<128x128xf32, #tpu.memory_space<vmem>>, vector<1x16xf32>,
        %swap3A_706 = vector.shape_cast %swap3A_705 : vector<1x16xf32> to vector<16xf32>
        %swap3A_707 = vector.shape_cast %mul3A_700 : vector<16xf32> to vector<1x16xf32>
        tpu.vector_store %arg10[%swap3A_703, %swap3A_704], %swap3A_707 {strides = array<i32>} : memref<128x128xf32, #tpu.memory_space<vmem>>, vector<1x16xf32>,
        %add3A_708 = arith.constant 5 : i32
        %add3A_709 = arith.addi %multiple_of3A_93, %add3A_708 : i32
        %get3A_710 = arith.index_cast %add3A_709 : i32 to index
        %get3A_711 = arith.constant 48 : index
        %get3A_712 = tpu.vector_load %arg10[%get3A_710, %get3A_711] {strides = array<i32>} : memref<128x128xf32, #tpu.memory_space<vmem>>, vector<1x16xf32>,
        %get3A_713 = vector.shape_cast %get3A_712 : vector<1x16xf32> to vector<16xf32>
        %mul3A_714 = arith.mulf %get3A_713, %gather3A_665 : vector<16xf32>
        %add3A_715 = arith.constant 5 : i32
        %add3A_716 = arith.addi %multiple_of3A_93, %add3A_715 : i32
        %swap3A_717 = arith.index_cast %add3A_716 : i32 to index
        %swap3A_718 = arith.constant 48 : index
        %swap3A_719 = tpu.vector_load %arg10[%swap3A_717, %swap3A_718] {strides = array<i32>} : memref<128x128xf32, #tpu.memory_space<vmem>>, vector<1x16xf32>,
        %swap3A_720 = vector.shape_cast %swap3A_719 : vector<1x16xf32> to vector<16xf32>
        %swap3A_721 = vector.shape_cast %mul3A_714 : vector<16xf32> to vector<1x16xf32>
        tpu.vector_store %arg10[%swap3A_717, %swap3A_718], %swap3A_721 {strides = array<i32>} : memref<128x128xf32, #tpu.memory_space<vmem>>, vector<1x16xf32>,
        %add3A_722 = arith.constant 5 : i32
        %add3A_723 = arith.addi %multiple_of3A_93, %add3A_722 : i32
        %get3A_724 = arith.index_cast %add3A_723 : i32 to index
        %get3A_725 = arith.constant 64 : index
        %get3A_726 = tpu.vector_load %arg10[%get3A_724, %get3A_725] {strides = array<i32>} : memref<128x128xf32, #tpu.memory_space<vmem>>, vector<1x16xf32>,
        %get3A_727 = vector.shape_cast %get3A_726 : vector<1x16xf32> to vector<16xf32>
        %mul3A_728 = arith.mulf %get3A_727, %gather3A_665 : vector<16xf32>
        %add3A_729 = arith.constant 5 : i32
        %add3A_730 = arith.addi %multiple_of3A_93, %add3A_729 : i32
        %swap3A_731 = arith.index_cast %add3A_730 : i32 to index
        %swap3A_732 = arith.constant 64 : index
        %swap3A_733 = tpu.vector_load %arg10[%swap3A_731, %swap3A_732] {strides = array<i32>} : memref<128x128xf32, #tpu.memory_space<vmem>>, vector<1x16xf32>,
        %swap3A_734 = vector.shape_cast %swap3A_733 : vector<1x16xf32> to vector<16xf32>
        %swap3A_735 = vector.shape_cast %mul3A_728 : vector<16xf32> to vector<1x16xf32>
        tpu.vector_store %arg10[%swap3A_731, %swap3A_732], %swap3A_735 {strides = array<i32>} : memref<128x128xf32, #tpu.memory_space<vmem>>, vector<1x16xf32>,
        %add3A_736 = arith.constant 5 : i32
        %add3A_737 = arith.addi %multiple_of3A_93, %add3A_736 : i32
        %get3A_738 = arith.index_cast %add3A_737 : i32 to index
        %get3A_739 = arith.constant 80 : index
        %get3A_740 = tpu.vector_load %arg10[%get3A_738, %get3A_739] {strides = array<i32>} : memref<128x128xf32, #tpu.memory_space<vmem>>, vector<1x16xf32>,
        %get3A_741 = vector.shape_cast %get3A_740 : vector<1x16xf32> to vector<16xf32>
        %mul3A_742 = arith.mulf %get3A_741, %gather3A_665 : vector<16xf32>
        %add3A_743 = arith.constant 5 : i32
        %add3A_744 = arith.addi %multiple_of3A_93, %add3A_743 : i32
        %swap3A_745 = arith.index_cast %add3A_744 : i32 to index
        %swap3A_746 = arith.constant 80 : index
        %swap3A_747 = tpu.vector_load %arg10[%swap3A_745, %swap3A_746] {strides = array<i32>} : memref<128x128xf32, #tpu.memory_space<vmem>>, vector<1x16xf32>,
        %swap3A_748 = vector.shape_cast %swap3A_747 : vector<1x16xf32> to vector<16xf32>
        %swap3A_749 = vector.shape_cast %mul3A_742 : vector<16xf32> to vector<1x16xf32>
        tpu.vector_store %arg10[%swap3A_745, %swap3A_746], %swap3A_749 {strides = array<i32>} : memref<128x128xf32, #tpu.memory_space<vmem>>, vector<1x16xf32>,
        %add3A_750 = arith.constant 5 : i32
        %add3A_751 = arith.addi %multiple_of3A_93, %add3A_750 : i32
        %get3A_752 = arith.index_cast %add3A_751 : i32 to index
        %get3A_753 = arith.constant 96 : index
        %get3A_754 = tpu.vector_load %arg10[%get3A_752, %get3A_753] {strides = array<i32>} : memref<128x128xf32, #tpu.memory_space<vmem>>, vector<1x16xf32>,
        %get3A_755 = vector.shape_cast %get3A_754 : vector<1x16xf32> to vector<16xf32>
        %mul3A_756 = arith.mulf %get3A_755, %gather3A_665 : vector<16xf32>
        %add3A_757 = arith.constant 5 : i32
        %add3A_758 = arith.addi %multiple_of3A_93, %add3A_757 : i32
        %swap3A_759 = arith.index_cast %add3A_758 : i32 to index
        %swap3A_760 = arith.constant 96 : index
        %swap3A_761 = tpu.vector_load %arg10[%swap3A_759, %swap3A_760] {strides = array<i32>} : memref<128x128xf32, #tpu.memory_space<vmem>>, vector<1x16xf32>,
        %swap3A_762 = vector.shape_cast %swap3A_761 : vector<1x16xf32> to vector<16xf32>
        %swap3A_763 = vector.shape_cast %mul3A_756 : vector<16xf32> to vector<1x16xf32>
        tpu.vector_store %arg10[%swap3A_759, %swap3A_760], %swap3A_763 {strides = array<i32>} : memref<128x128xf32, #tpu.memory_space<vmem>>, vector<1x16xf32>,
        %add3A_764 = arith.constant 5 : i32
        %add3A_765 = arith.addi %multiple_of3A_93, %add3A_764 : i32
        %get3A_766 = arith.index_cast %add3A_765 : i32 to index
        %get3A_767 = arith.constant 112 : index
        %get3A_768 = tpu.vector_load %arg10[%get3A_766, %get3A_767] {strides = array<i32>} : memref<128x128xf32, #tpu.memory_space<vmem>>, vector<1x16xf32>,
        %get3A_769 = vector.shape_cast %get3A_768 : vector<1x16xf32> to vector<16xf32>
        %mul3A_770 = arith.mulf %get3A_769, %gather3A_665 : vector<16xf32>
        %add3A_771 = arith.constant 5 : i32
        %add3A_772 = arith.addi %multiple_of3A_93, %add3A_771 : i32
        %swap3A_773 = arith.index_cast %add3A_772 : i32 to index
        %swap3A_774 = arith.constant 112 : index
        %swap3A_775 = tpu.vector_load %arg10[%swap3A_773, %swap3A_774] {strides = array<i32>} : memref<128x128xf32, #tpu.memory_space<vmem>>, vector<1x16xf32>,
        %swap3A_776 = vector.shape_cast %swap3A_775 : vector<1x16xf32> to vector<16xf32>
        %swap3A_777 = vector.shape_cast %mul3A_770 : vector<16xf32> to vector<1x16xf32>
        tpu.vector_store %arg10[%swap3A_773, %swap3A_774], %swap3A_777 {strides = array<i32>} : memref<128x128xf32, #tpu.memory_space<vmem>>, vector<1x16xf32>,
        %gather3A_778 = vector.shape_cast %broadcast_in_dim3A_35 : vector<16x1xi32> to vector<16xi32>
        %gather3A_779 = tpu.dynamic_gather %get3A_95[%gather3A_778] in [0] : vector<16xf32>, vector<16xi32> -> vector<16xf32>
        %add3A_780 = arith.constant 6 : i32
        %add3A_781 = arith.addi %multiple_of3A_93, %add3A_780 : i32
        %get3A_782 = arith.index_cast %add3A_781 : i32 to index
        %get3A_783 = arith.constant 0 : index
        %get3A_784 = tpu.vector_load %arg10[%get3A_782, %get3A_783] {strides = array<i32>} : memref<128x128xf32, #tpu.memory_space<vmem>>, vector<1x16xf32>,
        %get3A_785 = vector.shape_cast %get3A_784 : vector<1x16xf32> to vector<16xf32>
        %mul3A_786 = arith.mulf %get3A_785, %gather3A_779 : vector<16xf32>
        %add3A_787 = arith.constant 6 : i32
        %add3A_788 = arith.addi %multiple_of3A_93, %add3A_787 : i32
        %swap3A_789 = arith.index_cast %add3A_788 : i32 to index
        %swap3A_790 = arith.constant 0 : index
        %swap3A_791 = tpu.vector_load %arg10[%swap3A_789, %swap3A_790] {strides = array<i32>} : memref<128x128xf32, #tpu.memory_space<vmem>>, vector<1x16xf32>,
        %swap3A_792 = vector.shape_cast %swap3A_791 : vector<1x16xf32> to vector<16xf32>
        %swap3A_793 = vector.shape_cast %mul3A_786 : vector<16xf32> to vector<1x16xf32>
        tpu.vector_store %arg10[%swap3A_789, %swap3A_790], %swap3A_793 {strides = array<i32>} : memref<128x128xf32, #tpu.memory_space<vmem>>, vector<1x16xf32>,
        %add3A_794 = arith.constant 6 : i32
        %add3A_795 = arith.addi %multiple_of3A_93, %add3A_794 : i32
        %get3A_796 = arith.index_cast %add3A_795 : i32 to index
        %get3A_797 = arith.constant 16 : index
        %get3A_798 = tpu.vector_load %arg10[%get3A_796, %get3A_797] {strides = array<i32>} : memref<128x128xf32, #tpu.memory_space<vmem>>, vector<1x16xf32>,
        %get3A_799 = vector.shape_cast %get3A_798 : vector<1x16xf32> to vector<16xf32>
        %mul3A_800 = arith.mulf %get3A_799, %gather3A_779 : vector<16xf32>
        %add3A_801 = arith.constant 6 : i32
        %add3A_802 = arith.addi %multiple_of3A_93, %add3A_801 : i32
        %swap3A_803 = arith.index_cast %add3A_802 : i32 to index
        %swap3A_804 = arith.constant 16 : index
        %swap3A_805 = tpu.vector_load %arg10[%swap3A_803, %swap3A_804] {strides = array<i32>} : memref<128x128xf32, #tpu.memory_space<vmem>>, vector<1x16xf32>,
        %swap3A_806 = vector.shape_cast %swap3A_805 : vector<1x16xf32> to vector<16xf32>
        %swap3A_807 = vector.shape_cast %mul3A_800 : vector<16xf32> to vector<1x16xf32>
        tpu.vector_store %arg10[%swap3A_803, %swap3A_804], %swap3A_807 {strides = array<i32>} : memref<128x128xf32, #tpu.memory_space<vmem>>, vector<1x16xf32>,
        %add3A_808 = arith.constant 6 : i32
        %add3A_809 = arith.addi %multiple_of3A_93, %add3A_808 : i32
        %get3A_810 = arith.index_cast %add3A_809 : i32 to index
        %get3A_811 = arith.constant 32 : index
        %get3A_812 = tpu.vector_load %arg10[%get3A_810, %get3A_811] {strides = array<i32>} : memref<128x128xf32, #tpu.memory_space<vmem>>, vector<1x16xf32>,
        %get3A_813 = vector.shape_cast %get3A_812 : vector<1x16xf32> to vector<16xf32>
        %mul3A_814 = arith.mulf %get3A_813, %gather3A_779 : vector<16xf32>
        %add3A_815 = arith.constant 6 : i32
        %add3A_816 = arith.addi %multiple_of3A_93, %add3A_815 : i32
        %swap3A_817 = arith.index_cast %add3A_816 : i32 to index
        %swap3A_818 = arith.constant 32 : index
        %swap3A_819 = tpu.vector_load %arg10[%swap3A_817, %swap3A_818] {strides = array<i32>} : memref<128x128xf32, #tpu.memory_space<vmem>>, vector<1x16xf32>,
        %swap3A_820 = vector.shape_cast %swap3A_819 : vector<1x16xf32> to vector<16xf32>
        %swap3A_821 = vector.shape_cast %mul3A_814 : vector<16xf32> to vector<1x16xf32>
        tpu.vector_store %arg10[%swap3A_817, %swap3A_818], %swap3A_821 {strides = array<i32>} : memref<128x128xf32, #tpu.memory_space<vmem>>, vector<1x16xf32>,
        %add3A_822 = arith.constant 6 : i32
        %add3A_823 = arith.addi %multiple_of3A_93, %add3A_822 : i32
        %get3A_824 = arith.index_cast %add3A_823 : i32 to index
        %get3A_825 = arith.constant 48 : index
        %get3A_826 = tpu.vector_load %arg10[%get3A_824, %get3A_825] {strides = array<i32>} : memref<128x128xf32, #tpu.memory_space<vmem>>, vector<1x16xf32>,
        %get3A_827 = vector.shape_cast %get3A_826 : vector<1x16xf32> to vector<16xf32>
        %mul3A_828 = arith.mulf %get3A_827, %gather3A_779 : vector<16xf32>
        %add3A_829 = arith.constant 6 : i32
        %add3A_830 = arith.addi %multiple_of3A_93, %add3A_829 : i32
        %swap3A_831 = arith.index_cast %add3A_830 : i32 to index
        %swap3A_832 = arith.constant 48 : index
        %swap3A_833 = tpu.vector_load %arg10[%swap3A_831, %swap3A_832] {strides = array<i32>} : memref<128x128xf32, #tpu.memory_space<vmem>>, vector<1x16xf32>,
        %swap3A_834 = vector.shape_cast %swap3A_833 : vector<1x16xf32> to vector<16xf32>
        %swap3A_835 = vector.shape_cast %mul3A_828 : vector<16xf32> to vector<1x16xf32>
        tpu.vector_store %arg10[%swap3A_831, %swap3A_832], %swap3A_835 {strides = array<i32>} : memref<128x128xf32, #tpu.memory_space<vmem>>, vector<1x16xf32>,
        %add3A_836 = arith.constant 6 : i32
        %add3A_837 = arith.addi %multiple_of3A_93, %add3A_836 : i32
        %get3A_838 = arith.index_cast %add3A_837 : i32 to index
        %get3A_839 = arith.constant 64 : index
        %get3A_840 = tpu.vector_load %arg10[%get3A_838, %get3A_839] {strides = array<i32>} : memref<128x128xf32, #tpu.memory_space<vmem>>, vector<1x16xf32>,
        %get3A_841 = vector.shape_cast %get3A_840 : vector<1x16xf32> to vector<16xf32>
        %mul3A_842 = arith.mulf %get3A_841, %gather3A_779 : vector<16xf32>
        %add3A_843 = arith.constant 6 : i32
        %add3A_844 = arith.addi %multiple_of3A_93, %add3A_843 : i32
        %swap3A_845 = arith.index_cast %add3A_844 : i32 to index
        %swap3A_846 = arith.constant 64 : index
        %swap3A_847 = tpu.vector_load %arg10[%swap3A_845, %swap3A_846] {strides = array<i32>} : memref<128x128xf32, #tpu.memory_space<vmem>>, vector<1x16xf32>,
        %swap3A_848 = vector.shape_cast %swap3A_847 : vector<1x16xf32> to vector<16xf32>
        %swap3A_849 = vector.shape_cast %mul3A_842 : vector<16xf32> to vector<1x16xf32>
        tpu.vector_store %arg10[%swap3A_845, %swap3A_846], %swap3A_849 {strides = array<i32>} : memref<128x128xf32, #tpu.memory_space<vmem>>, vector<1x16xf32>,
        %add3A_850 = arith.constant 6 : i32
        %add3A_851 = arith.addi %multiple_of3A_93, %add3A_850 : i32
        %get3A_852 = arith.index_cast %add3A_851 : i32 to index
        %get3A_853 = arith.constant 80 : index
        %get3A_854 = tpu.vector_load %arg10[%get3A_852, %get3A_853] {strides = array<i32>} : memref<128x128xf32, #tpu.memory_space<vmem>>, vector<1x16xf32>,
        %get3A_855 = vector.shape_cast %get3A_854 : vector<1x16xf32> to vector<16xf32>
        %mul3A_856 = arith.mulf %get3A_855, %gather3A_779 : vector<16xf32>
        %add3A_857 = arith.constant 6 : i32
        %add3A_858 = arith.addi %multiple_of3A_93, %add3A_857 : i32
        %swap3A_859 = arith.index_cast %add3A_858 : i32 to index
        %swap3A_860 = arith.constant 80 : index
        %swap3A_861 = tpu.vector_load %arg10[%swap3A_859, %swap3A_860] {strides = array<i32>} : memref<128x128xf32, #tpu.memory_space<vmem>>, vector<1x16xf32>,
        %swap3A_862 = vector.shape_cast %swap3A_861 : vector<1x16xf32> to vector<16xf32>
        %swap3A_863 = vector.shape_cast %mul3A_856 : vector<16xf32> to vector<1x16xf32>
        tpu.vector_store %arg10[%swap3A_859, %swap3A_860], %swap3A_863 {strides = array<i32>} : memref<128x128xf32, #tpu.memory_space<vmem>>, vector<1x16xf32>,
        %add3A_864 = arith.constant 6 : i32
        %add3A_865 = arith.addi %multiple_of3A_93, %add3A_864 : i32
        %get3A_866 = arith.index_cast %add3A_865 : i32 to index
        %get3A_867 = arith.constant 96 : index
        %get3A_868 = tpu.vector_load %arg10[%get3A_866, %get3A_867] {strides = array<i32>} : memref<128x128xf32, #tpu.memory_space<vmem>>, vector<1x16xf32>,
        %get3A_869 = vector.shape_cast %get3A_868 : vector<1x16xf32> to vector<16xf32>
        %mul3A_870 = arith.mulf %get3A_869, %gather3A_779 : vector<16xf32>
        %add3A_871 = arith.constant 6 : i32
        %add3A_872 = arith.addi %multiple_of3A_93, %add3A_871 : i32
        %swap3A_873 = arith.index_cast %add3A_872 : i32 to index
        %swap3A_874 = arith.constant 96 : index
        %swap3A_875 = tpu.vector_load %arg10[%swap3A_873, %swap3A_874] {strides = array<i32>} : memref<128x128xf32, #tpu.memory_space<vmem>>, vector<1x16xf32>,
        %swap3A_876 = vector.shape_cast %swap3A_875 : vector<1x16xf32> to vector<16xf32>
        %swap3A_877 = vector.shape_cast %mul3A_870 : vector<16xf32> to vector<1x16xf32>
        tpu.vector_store %arg10[%swap3A_873, %swap3A_874], %swap3A_877 {strides = array<i32>} : memref<128x128xf32, #tpu.memory_space<vmem>>, vector<1x16xf32>,
        %add3A_878 = arith.constant 6 : i32
        %add3A_879 = arith.addi %multiple_of3A_93, %add3A_878 : i32
        %get3A_880 = arith.index_cast %add3A_879 : i32 to index
        %get3A_881 = arith.constant 112 : index
        %get3A_882 = tpu.vector_load %arg10[%get3A_880, %get3A_881] {strides = array<i32>} : memref<128x128xf32, #tpu.memory_space<vmem>>, vector<1x16xf32>,
        %get3A_883 = vector.shape_cast %get3A_882 : vector<1x16xf32> to vector<16xf32>
        %mul3A_884 = arith.mulf %get3A_883, %gather3A_779 : vector<16xf32>
        %add3A_885 = arith.constant 6 : i32
        %add3A_886 = arith.addi %multiple_of3A_93, %add3A_885 : i32
        %swap3A_887 = arith.index_cast %add3A_886 : i32 to index
        %swap3A_888 = arith.constant 112 : index
        %swap3A_889 = tpu.vector_load %arg10[%swap3A_887, %swap3A_888] {strides = array<i32>} : memref<128x128xf32, #tpu.memory_space<vmem>>, vector<1x16xf32>,
        %swap3A_890 = vector.shape_cast %swap3A_889 : vector<1x16xf32> to vector<16xf32>
        %swap3A_891 = vector.shape_cast %mul3A_884 : vector<16xf32> to vector<1x16xf32>
        tpu.vector_store %arg10[%swap3A_887, %swap3A_888], %swap3A_891 {strides = array<i32>} : memref<128x128xf32, #tpu.memory_space<vmem>>, vector<1x16xf32>,
        %gather3A_892 = vector.shape_cast %broadcast_in_dim3A_37 : vector<16x1xi32> to vector<16xi32>
        %gather3A_893 = tpu.dynamic_gather %get3A_95[%gather3A_892] in [0] : vector<16xf32>, vector<16xi32> -> vector<16xf32>
        %add3A_894 = arith.constant 7 : i32
        %add3A_895 = arith.addi %multiple_of3A_93, %add3A_894 : i32
        %get3A_896 = arith.index_cast %add3A_895 : i32 to index
        %get3A_897 = arith.constant 0 : index
        %get3A_898 = tpu.vector_load %arg10[%get3A_896, %get3A_897] {strides = array<i32>} : memref<128x128xf32, #tpu.memory_space<vmem>>, vector<1x16xf32>,
        %get3A_899 = vector.shape_cast %get3A_898 : vector<1x16xf32> to vector<16xf32>
        %mul3A_900 = arith.mulf %get3A_899, %gather3A_893 : vector<16xf32>
        %add3A_901 = arith.constant 7 : i32
        %add3A_902 = arith.addi %multiple_of3A_93, %add3A_901 : i32
        %swap3A_903 = arith.index_cast %add3A_902 : i32 to index
        %swap3A_904 = arith.constant 0 : index
        %swap3A_905 = tpu.vector_load %arg10[%swap3A_903, %swap3A_904] {strides = array<i32>} : memref<128x128xf32, #tpu.memory_space<vmem>>, vector<1x16xf32>,
        %swap3A_906 = vector.shape_cast %swap3A_905 : vector<1x16xf32> to vector<16xf32>
        %swap3A_907 = vector.shape_cast %mul3A_900 : vector<16xf32> to vector<1x16xf32>
        tpu.vector_store %arg10[%swap3A_903, %swap3A_904], %swap3A_907 {strides = array<i32>} : memref<128x128xf32, #tpu.memory_space<vmem>>, vector<1x16xf32>,
        %add3A_908 = arith.constant 7 : i32
        %add3A_909 = arith.addi %multiple_of3A_93, %add3A_908 : i32
        %get3A_910 = arith.index_cast %add3A_909 : i32 to index
        %get3A_911 = arith.constant 16 : index
        %get3A_912 = tpu.vector_load %arg10[%get3A_910, %get3A_911] {strides = array<i32>} : memref<128x128xf32, #tpu.memory_space<vmem>>, vector<1x16xf32>,
        %get3A_913 = vector.shape_cast %get3A_912 : vector<1x16xf32> to vector<16xf32>
        %mul3A_914 = arith.mulf %get3A_913, %gather3A_893 : vector<16xf32>
        %add3A_915 = arith.constant 7 : i32
        %add3A_916 = arith.addi %multiple_of3A_93, %add3A_915 : i32
        %swap3A_917 = arith.index_cast %add3A_916 : i32 to index
        %swap3A_918 = arith.constant 16 : index
        %swap3A_919 = tpu.vector_load %arg10[%swap3A_917, %swap3A_918] {strides = array<i32>} : memref<128x128xf32, #tpu.memory_space<vmem>>, vector<1x16xf32>,
        %swap3A_920 = vector.shape_cast %swap3A_919 : vector<1x16xf32> to vector<16xf32>
        %swap3A_921 = vector.shape_cast %mul3A_914 : vector<16xf32> to vector<1x16xf32>
        tpu.vector_store %arg10[%swap3A_917, %swap3A_918], %swap3A_921 {strides = array<i32>} : memref<128x128xf32, #tpu.memory_space<vmem>>, vector<1x16xf32>,
        %add3A_922 = arith.constant 7 : i32
        %add3A_923 = arith.addi %multiple_of3A_93, %add3A_922 : i32
        %get3A_924 = arith.index_cast %add3A_923 : i32 to index
        %get3A_925 = arith.constant 32 : index
        %get3A_926 = tpu.vector_load %arg10[%get3A_924, %get3A_925] {strides = array<i32>} : memref<128x128xf32, #tpu.memory_space<vmem>>, vector<1x16xf32>,
        %get3A_927 = vector.shape_cast %get3A_926 : vector<1x16xf32> to vector<16xf32>
        %mul3A_928 = arith.mulf %get3A_927, %gather3A_893 : vector<16xf32>
        %add3A_929 = arith.constant 7 : i32
        %add3A_930 = arith.addi %multiple_of3A_93, %add3A_929 : i32
        %swap3A_931 = arith.index_cast %add3A_930 : i32 to index
        %swap3A_932 = arith.constant 32 : index
        %swap3A_933 = tpu.vector_load %arg10[%swap3A_931, %swap3A_932] {strides = array<i32>} : memref<128x128xf32, #tpu.memory_space<vmem>>, vector<1x16xf32>,
        %swap3A_934 = vector.shape_cast %swap3A_933 : vector<1x16xf32> to vector<16xf32>
        %swap3A_935 = vector.shape_cast %mul3A_928 : vector<16xf32> to vector<1x16xf32>
        tpu.vector_store %arg10[%swap3A_931, %swap3A_932], %swap3A_935 {strides = array<i32>} : memref<128x128xf32, #tpu.memory_space<vmem>>, vector<1x16xf32>,
        %add3A_936 = arith.constant 7 : i32
        %add3A_937 = arith.addi %multiple_of3A_93, %add3A_936 : i32
        %get3A_938 = arith.index_cast %add3A_937 : i32 to index
        %get3A_939 = arith.constant 48 : index
        %get3A_940 = tpu.vector_load %arg10[%get3A_938, %get3A_939] {strides = array<i32>} : memref<128x128xf32, #tpu.memory_space<vmem>>, vector<1x16xf32>,
        %get3A_941 = vector.shape_cast %get3A_940 : vector<1x16xf32> to vector<16xf32>
        %mul3A_942 = arith.mulf %get3A_941, %gather3A_893 : vector<16xf32>
        %add3A_943 = arith.constant 7 : i32
        %add3A_944 = arith.addi %multiple_of3A_93, %add3A_943 : i32
        %swap3A_945 = arith.index_cast %add3A_944 : i32 to index
        %swap3A_946 = arith.constant 48 : index
        %swap3A_947 = tpu.vector_load %arg10[%swap3A_945, %swap3A_946] {strides = array<i32>} : memref<128x128xf32, #tpu.memory_space<vmem>>, vector<1x16xf32>,
        %swap3A_948 = vector.shape_cast %swap3A_947 : vector<1x16xf32> to vector<16xf32>
        %swap3A_949 = vector.shape_cast %mul3A_942 : vector<16xf32> to vector<1x16xf32>
        tpu.vector_store %arg10[%swap3A_945, %swap3A_946], %swap3A_949 {strides = array<i32>} : memref<128x128xf32, #tpu.memory_space<vmem>>, vector<1x16xf32>,
        %add3A_950 = arith.constant 7 : i32
        %add3A_951 = arith.addi %multiple_of3A_93, %add3A_950 : i32
        %get3A_952 = arith.index_cast %add3A_951 : i32 to index
        %get3A_953 = arith.constant 64 : index
        %get3A_954 = tpu.vector_load %arg10[%get3A_952, %get3A_953] {strides = array<i32>} : memref<128x128xf32, #tpu.memory_space<vmem>>, vector<1x16xf32>,
        %get3A_955 = vector.shape_cast %get3A_954 : vector<1x16xf32> to vector<16xf32>
        %mul3A_956 = arith.mulf %get3A_955, %gather3A_893 : vector<16xf32>
        %add3A_957 = arith.constant 7 : i32
        %add3A_958 = arith.addi %multiple_of3A_93, %add3A_957 : i32
        %swap3A_959 = arith.index_cast %add3A_958 : i32 to index
        %swap3A_960 = arith.constant 64 : index
        %swap3A_961 = tpu.vector_load %arg10[%swap3A_959, %swap3A_960] {strides = array<i32>} : memref<128x128xf32, #tpu.memory_space<vmem>>, vector<1x16xf32>,
        %swap3A_962 = vector.shape_cast %swap3A_961 : vector<1x16xf32> to vector<16xf32>
        %swap3A_963 = vector.shape_cast %mul3A_956 : vector<16xf32> to vector<1x16xf32>
        tpu.vector_store %arg10[%swap3A_959, %swap3A_960], %swap3A_963 {strides = array<i32>} : memref<128x128xf32, #tpu.memory_space<vmem>>, vector<1x16xf32>,
        %add3A_964 = arith.constant 7 : i32
        %add3A_965 = arith.addi %multiple_of3A_93, %add3A_964 : i32
        %get3A_966 = arith.index_cast %add3A_965 : i32 to index
        %get3A_967 = arith.constant 80 : index
        %get3A_968 = tpu.vector_load %arg10[%get3A_966, %get3A_967] {strides = array<i32>} : memref<128x128xf32, #tpu.memory_space<vmem>>, vector<1x16xf32>,
        %get3A_969 = vector.shape_cast %get3A_968 : vector<1x16xf32> to vector<16xf32>
        %mul3A_970 = arith.mulf %get3A_969, %gather3A_893 : vector<16xf32>
        %add3A_971 = arith.constant 7 : i32
        %add3A_972 = arith.addi %multiple_of3A_93, %add3A_971 : i32
        %swap3A_973 = arith.index_cast %add3A_972 : i32 to index
        %swap3A_974 = arith.constant 80 : index
        %swap3A_975 = tpu.vector_load %arg10[%swap3A_973, %swap3A_974] {strides = array<i32>} : memref<128x128xf32, #tpu.memory_space<vmem>>, vector<1x16xf32>,
        %swap3A_976 = vector.shape_cast %swap3A_975 : vector<1x16xf32> to vector<16xf32>
        %swap3A_977 = vector.shape_cast %mul3A_970 : vector<16xf32> to vector<1x16xf32>
        tpu.vector_store %arg10[%swap3A_973, %swap3A_974], %swap3A_977 {strides = array<i32>} : memref<128x128xf32, #tpu.memory_space<vmem>>, vector<1x16xf32>,
        %add3A_978 = arith.constant 7 : i32
        %add3A_979 = arith.addi %multiple_of3A_93, %add3A_978 : i32
        %get3A_980 = arith.index_cast %add3A_979 : i32 to index
        %get3A_981 = arith.constant 96 : index
        %get3A_982 = tpu.vector_load %arg10[%get3A_980, %get3A_981] {strides = array<i32>} : memref<128x128xf32, #tpu.memory_space<vmem>>, vector<1x16xf32>,
        %get3A_983 = vector.shape_cast %get3A_982 : vector<1x16xf32> to vector<16xf32>
        %mul3A_984 = arith.mulf %get3A_983, %gather3A_893 : vector<16xf32>
        %add3A_985 = arith.constant 7 : i32
        %add3A_986 = arith.addi %multiple_of3A_93, %add3A_985 : i32
        %swap3A_987 = arith.index_cast %add3A_986 : i32 to index
        %swap3A_988 = arith.constant 96 : index
        %swap3A_989 = tpu.vector_load %arg10[%swap3A_987, %swap3A_988] {strides = array<i32>} : memref<128x128xf32, #tpu.memory_space<vmem>>, vector<1x16xf32>,
        %swap3A_990 = vector.shape_cast %swap3A_989 : vector<1x16xf32> to vector<16xf32>
        %swap3A_991 = vector.shape_cast %mul3A_984 : vector<16xf32> to vector<1x16xf32>
        tpu.vector_store %arg10[%swap3A_987, %swap3A_988], %swap3A_991 {strides = array<i32>} : memref<128x128xf32, #tpu.memory_space<vmem>>, vector<1x16xf32>,
        %add3A_992 = arith.constant 7 : i32
        %add3A_993 = arith.addi %multiple_of3A_93, %add3A_992 : i32
        %get3A_994 = arith.index_cast %add3A_993 : i32 to index
        %get3A_995 = arith.constant 112 : index
        %get3A_996 = tpu.vector_load %arg10[%get3A_994, %get3A_995] {strides = array<i32>} : memref<128x128xf32, #tpu.memory_space<vmem>>, vector<1x16xf32>,
        %get3A_997 = vector.shape_cast %get3A_996 : vector<1x16xf32> to vector<16xf32>
        %mul3A_998 = arith.mulf %get3A_997, %gather3A_893 : vector<16xf32>
        %add3A_999 = arith.constant 7 : i32
        %add3A_1000 = arith.addi %multiple_of3A_93, %add3A_999 : i32
        %swap3A_1001 = arith.index_cast %add3A_1000 : i32 to index
        %swap3A_1002 = arith.constant 112 : index
        %swap3A_1003 = tpu.vector_load %arg10[%swap3A_1001, %swap3A_1002] {strides = array<i32>} : memref<128x128xf32, #tpu.memory_space<vmem>>, vector<1x16xf32>,
        %swap3A_1004 = vector.shape_cast %swap3A_1003 : vector<1x16xf32> to vector<16xf32>
        %swap3A_1005 = vector.shape_cast %mul3A_998 : vector<16xf32> to vector<1x16xf32>
        tpu.vector_store %arg10[%swap3A_1001, %swap3A_1002], %swap3A_1005 {strides = array<i32>} : memref<128x128xf32, #tpu.memory_space<vmem>>, vector<1x16xf32>,
        %gather3A_1006 = vector.shape_cast %broadcast_in_dim3A_39 : vector<16x1xi32> to vector<16xi32>
        %gather3A_1007 = tpu.dynamic_gather %get3A_95[%gather3A_1006] in [0] : vector<16xf32>, vector<16xi32> -> vector<16xf32>
        %add3A_1008 = arith.constant 8 : i32
        %add3A_1009 = arith.addi %multiple_of3A_93, %add3A_1008 : i32
        %get3A_1010 = arith.index_cast %add3A_1009 : i32 to index
        %get3A_1011 = arith.constant 0 : index
        %get3A_1012 = tpu.vector_load %arg10[%get3A_1010, %get3A_1011] {strides = array<i32>} : memref<128x128xf32, #tpu.memory_space<vmem>>, vector<1x16xf32>,
        %get3A_1013 = vector.shape_cast %get3A_1012 : vector<1x16xf32> to vector<16xf32>
        %mul3A_1014 = arith.mulf %get3A_1013, %gather3A_1007 : vector<16xf32>
        %add3A_1015 = arith.constant 8 : i32
        %add3A_1016 = arith.addi %multiple_of3A_93, %add3A_1015 : i32
        %swap3A_1017 = arith.index_cast %add3A_1016 : i32 to index
        %swap3A_1018 = arith.constant 0 : index
        %swap3A_1019 = tpu.vector_load %arg10[%swap3A_1017, %swap3A_1018] {strides = array<i32>} : memref<128x128xf32, #tpu.memory_space<vmem>>, vector<1x16xf32>,
        %swap3A_1020 = vector.shape_cast %swap3A_1019 : vector<1x16xf32> to vector<16xf32>
        %swap3A_1021 = vector.shape_cast %mul3A_1014 : vector<16xf32> to vector<1x16xf32>
        tpu.vector_store %arg10[%swap3A_1017, %swap3A_1018], %swap3A_1021 {strides = array<i32>} : memref<128x128xf32, #tpu.memory_space<vmem>>, vector<1x16xf32>,
        %add3A_1022 = arith.constant 8 : i32
        %add3A_1023 = arith.addi %multiple_of3A_93, %add3A_1022 : i32
        %get3A_1024 = arith.index_cast %add3A_1023 : i32 to index
        %get3A_1025 = arith.constant 16 : index
        %get3A_1026 = tpu.vector_load %arg10[%get3A_1024, %get3A_1025] {strides = array<i32>} : memref<128x128xf32, #tpu.memory_space<vmem>>, vector<1x16xf32>,
        %get3A_1027 = vector.shape_cast %get3A_1026 : vector<1x16xf32> to vector<16xf32>
        %mul3A_1028 = arith.mulf %get3A_1027, %gather3A_1007 : vector<16xf32>
        %add3A_1029 = arith.constant 8 : i32
        %add3A_1030 = arith.addi %multiple_of3A_93, %add3A_1029 : i32
        %swap3A_1031 = arith.index_cast %add3A_1030 : i32 to index
        %swap3A_1032 = arith.constant 16 : index
        %swap3A_1033 = tpu.vector_load %arg10[%swap3A_1031, %swap3A_1032] {strides = array<i32>} : memref<128x128xf32, #tpu.memory_space<vmem>>, vector<1x16xf32>,
        %swap3A_1034 = vector.shape_cast %swap3A_1033 : vector<1x16xf32> to vector<16xf32>
        %swap3A_1035 = vector.shape_cast %mul3A_1028 : vector<16xf32> to vector<1x16xf32>
        tpu.vector_store %arg10[%swap3A_1031, %swap3A_1032], %swap3A_1035 {strides = array<i32>} : memref<128x128xf32, #tpu.memory_space<vmem>>, vector<1x16xf32>,
        %add3A_1036 = arith.constant 8 : i32
        %add3A_1037 = arith.addi %multiple_of3A_93, %add3A_1036 : i32
        %get3A_1038 = arith.index_cast %add3A_1037 : i32 to index
        %get3A_1039 = arith.constant 32 : index
        %get3A_1040 = tpu.vector_load %arg10[%get3A_1038, %get3A_1039] {strides = array<i32>} : memref<128x128xf32, #tpu.memory_space<vmem>>, vector<1x16xf32>,
        %get3A_1041 = vector.shape_cast %get3A_1040 : vector<1x16xf32> to vector<16xf32>
        %mul3A_1042 = arith.mulf %get3A_1041, %gather3A_1007 : vector<16xf32>
        %add3A_1043 = arith.constant 8 : i32
        %add3A_1044 = arith.addi %multiple_of3A_93, %add3A_1043 : i32
        %swap3A_1045 = arith.index_cast %add3A_1044 : i32 to index
        %swap3A_1046 = arith.constant 32 : index
        %swap3A_1047 = tpu.vector_load %arg10[%swap3A_1045, %swap3A_1046] {strides = array<i32>} : memref<128x128xf32, #tpu.memory_space<vmem>>, vector<1x16xf32>,
        %swap3A_1048 = vector.shape_cast %swap3A_1047 : vector<1x16xf32> to vector<16xf32>
        %swap3A_1049 = vector.shape_cast %mul3A_1042 : vector<16xf32> to vector<1x16xf32>
        tpu.vector_store %arg10[%swap3A_1045, %swap3A_1046], %swap3A_1049 {strides = array<i32>} : memref<128x128xf32, #tpu.memory_space<vmem>>, vector<1x16xf32>,
        %add3A_1050 = arith.constant 8 : i32
        %add3A_1051 = arith.addi %multiple_of3A_93, %add3A_1050 : i32
        %get3A_1052 = arith.index_cast %add3A_1051 : i32 to index
        %get3A_1053 = arith.constant 48 : index
        %get3A_1054 = tpu.vector_load %arg10[%get3A_1052, %get3A_1053] {strides = array<i32>} : memref<128x128xf32, #tpu.memory_space<vmem>>, vector<1x16xf32>,
        %get3A_1055 = vector.shape_cast %get3A_1054 : vector<1x16xf32> to vector<16xf32>
        %mul3A_1056 = arith.mulf %get3A_1055, %gather3A_1007 : vector<16xf32>
        %add3A_1057 = arith.constant 8 : i32
        %add3A_1058 = arith.addi %multiple_of3A_93, %add3A_1057 : i32
        %swap3A_1059 = arith.index_cast %add3A_1058 : i32 to index
        %swap3A_1060 = arith.constant 48 : index
        %swap3A_1061 = tpu.vector_load %arg10[%swap3A_1059, %swap3A_1060] {strides = array<i32>} : memref<128x128xf32, #tpu.memory_space<vmem>>, vector<1x16xf32>,
        %swap3A_1062 = vector.shape_cast %swap3A_1061 : vector<1x16xf32> to vector<16xf32>
        %swap3A_1063 = vector.shape_cast %mul3A_1056 : vector<16xf32> to vector<1x16xf32>
        tpu.vector_store %arg10[%swap3A_1059, %swap3A_1060], %swap3A_1063 {strides = array<i32>} : memref<128x128xf32, #tpu.memory_space<vmem>>, vector<1x16xf32>,
        %add3A_1064 = arith.constant 8 : i32
        %add3A_1065 = arith.addi %multiple_of3A_93, %add3A_1064 : i32
        %get3A_1066 = arith.index_cast %add3A_1065 : i32 to index
        %get3A_1067 = arith.constant 64 : index
        %get3A_1068 = tpu.vector_load %arg10[%get3A_1066, %get3A_1067] {strides = array<i32>} : memref<128x128xf32, #tpu.memory_space<vmem>>, vector<1x16xf32>,
        %get3A_1069 = vector.shape_cast %get3A_1068 : vector<1x16xf32> to vector<16xf32>
        %mul3A_1070 = arith.mulf %get3A_1069, %gather3A_1007 : vector<16xf32>
        %add3A_1071 = arith.constant 8 : i32
        %add3A_1072 = arith.addi %multiple_of3A_93, %add3A_1071 : i32
        %swap3A_1073 = arith.index_cast %add3A_1072 : i32 to index
        %swap3A_1074 = arith.constant 64 : index
        %swap3A_1075 = tpu.vector_load %arg10[%swap3A_1073, %swap3A_1074] {strides = array<i32>} : memref<128x128xf32, #tpu.memory_space<vmem>>, vector<1x16xf32>,
        %swap3A_1076 = vector.shape_cast %swap3A_1075 : vector<1x16xf32> to vector<16xf32>
        %swap3A_1077 = vector.shape_cast %mul3A_1070 : vector<16xf32> to vector<1x16xf32>
        tpu.vector_store %arg10[%swap3A_1073, %swap3A_1074], %swap3A_1077 {strides = array<i32>} : memref<128x128xf32, #tpu.memory_space<vmem>>, vector<1x16xf32>,
        %add3A_1078 = arith.constant 8 : i32
        %add3A_1079 = arith.addi %multiple_of3A_93, %add3A_1078 : i32
        %get3A_1080 = arith.index_cast %add3A_1079 : i32 to index
        %get3A_1081 = arith.constant 80 : index
        %get3A_1082 = tpu.vector_load %arg10[%get3A_1080, %get3A_1081] {strides = array<i32>} : memref<128x128xf32, #tpu.memory_space<vmem>>, vector<1x16xf32>,
        %get3A_1083 = vector.shape_cast %get3A_1082 : vector<1x16xf32> to vector<16xf32>
        %mul3A_1084 = arith.mulf %get3A_1083, %gather3A_1007 : vector<16xf32>
        %add3A_1085 = arith.constant 8 : i32
        %add3A_1086 = arith.addi %multiple_of3A_93, %add3A_1085 : i32
        %swap3A_1087 = arith.index_cast %add3A_1086 : i32 to index
        %swap3A_1088 = arith.constant 80 : index
        %swap3A_1089 = tpu.vector_load %arg10[%swap3A_1087, %swap3A_1088] {strides = array<i32>} : memref<128x128xf32, #tpu.memory_space<vmem>>, vector<1x16xf32>,
        %swap3A_1090 = vector.shape_cast %swap3A_1089 : vector<1x16xf32> to vector<16xf32>
        %swap3A_1091 = vector.shape_cast %mul3A_1084 : vector<16xf32> to vector<1x16xf32>
        tpu.vector_store %arg10[%swap3A_1087, %swap3A_1088], %swap3A_1091 {strides = array<i32>} : memref<128x128xf32, #tpu.memory_space<vmem>>, vector<1x16xf32>,
        %add3A_1092 = arith.constant 8 : i32
        %add3A_1093 = arith.addi %multiple_of3A_93, %add3A_1092 : i32
        %get3A_1094 = arith.index_cast %add3A_1093 : i32 to index
        %get3A_1095 = arith.constant 96 : index
        %get3A_1096 = tpu.vector_load %arg10[%get3A_1094, %get3A_1095] {strides = array<i32>} : memref<128x128xf32, #tpu.memory_space<vmem>>, vector<1x16xf32>,
        %get3A_1097 = vector.shape_cast %get3A_1096 : vector<1x16xf32> to vector<16xf32>
        %mul3A_1098 = arith.mulf %get3A_1097, %gather3A_1007 : vector<16xf32>
        %add3A_1099 = arith.constant 8 : i32
        %add3A_1100 = arith.addi %multiple_of3A_93, %add3A_1099 : i32
        %swap3A_1101 = arith.index_cast %add3A_1100 : i32 to index
        %swap3A_1102 = arith.constant 96 : index
        %swap3A_1103 = tpu.vector_load %arg10[%swap3A_1101, %swap3A_1102] {strides = array<i32>} : memref<128x128xf32, #tpu.memory_space<vmem>>, vector<1x16xf32>,
        %swap3A_1104 = vector.shape_cast %swap3A_1103 : vector<1x16xf32> to vector<16xf32>
        %swap3A_1105 = vector.shape_cast %mul3A_1098 : vector<16xf32> to vector<1x16xf32>
        tpu.vector_store %arg10[%swap3A_1101, %swap3A_1102], %swap3A_1105 {strides = array<i32>} : memref<128x128xf32, #tpu.memory_space<vmem>>, vector<1x16xf32>,
        %add3A_1106 = arith.constant 8 : i32
        %add3A_1107 = arith.addi %multiple_of3A_93, %add3A_1106 : i32
        %get3A_1108 = arith.index_cast %add3A_1107 : i32 to index
        %get3A_1109 = arith.constant 112 : index
        %get3A_1110 = tpu.vector_load %arg10[%get3A_1108, %get3A_1109] {strides = array<i32>} : memref<128x128xf32, #tpu.memory_space<vmem>>, vector<1x16xf32>,
        %get3A_1111 = vector.shape_cast %get3A_1110 : vector<1x16xf32> to vector<16xf32>
        %mul3A_1112 = arith.mulf %get3A_1111, %gather3A_1007 : vector<16xf32>
        %add3A_1113 = arith.constant 8 : i32
        %add3A_1114 = arith.addi %multiple_of3A_93, %add3A_1113 : i32
        %swap3A_1115 = arith.index_cast %add3A_1114 : i32 to index
        %swap3A_1116 = arith.constant 112 : index
        %swap3A_1117 = tpu.vector_load %arg10[%swap3A_1115, %swap3A_1116] {strides = array<i32>} : memref<128x128xf32, #tpu.memory_space<vmem>>, vector<1x16xf32>,
        %swap3A_1118 = vector.shape_cast %swap3A_1117 : vector<1x16xf32> to vector<16xf32>
        %swap3A_1119 = vector.shape_cast %mul3A_1112 : vector<16xf32> to vector<1x16xf32>
        tpu.vector_store %arg10[%swap3A_1115, %swap3A_1116], %swap3A_1119 {strides = array<i32>} : memref<128x128xf32, #tpu.memory_space<vmem>>, vector<1x16xf32>,
        %gather3A_1120 = vector.shape_cast %broadcast_in_dim3A_41 : vector<16x1xi32> to vector<16xi32>
        %gather3A_1121 = tpu.dynamic_gather %get3A_95[%gather3A_1120] in [0] : vector<16xf32>, vector<16xi32> -> vector<16xf32>
        %add3A_1122 = arith.constant 9 : i32
        %add3A_1123 = arith.addi %multiple_of3A_93, %add3A_1122 : i32
        %get3A_1124 = arith.index_cast %add3A_1123 : i32 to index
        %get3A_1125 = arith.constant 0 : index
        %get3A_1126 = tpu.vector_load %arg10[%get3A_1124, %get3A_1125] {strides = array<i32>} : memref<128x128xf32, #tpu.memory_space<vmem>>, vector<1x16xf32>,
        %get3A_1127 = vector.shape_cast %get3A_1126 : vector<1x16xf32> to vector<16xf32>
        %mul3A_1128 = arith.mulf %get3A_1127, %gather3A_1121 : vector<16xf32>
        %add3A_1129 = arith.constant 9 : i32
        %add3A_1130 = arith.addi %multiple_of3A_93, %add3A_1129 : i32
        %swap3A_1131 = arith.index_cast %add3A_1130 : i32 to index
        %swap3A_1132 = arith.constant 0 : index
        %swap3A_1133 = tpu.vector_load %arg10[%swap3A_1131, %swap3A_1132] {strides = array<i32>} : memref<128x128xf32, #tpu.memory_space<vmem>>, vector<1x16xf32>,
        %swap3A_1134 = vector.shape_cast %swap3A_1133 : vector<1x16xf32> to vector<16xf32>
        %swap3A_1135 = vector.shape_cast %mul3A_1128 : vector<16xf32> to vector<1x16xf32>
        tpu.vector_store %arg10[%swap3A_1131, %swap3A_1132], %swap3A_1135 {strides = array<i32>} : memref<128x128xf32, #tpu.memory_space<vmem>>, vector<1x16xf32>,
        %add3A_1136 = arith.constant 9 : i32
        %add3A_1137 = arith.addi %multiple_of3A_93, %add3A_1136 : i32
        %get3A_1138 = arith.index_cast %add3A_1137 : i32 to index
        %get3A_1139 = arith.constant 16 : index
        %get3A_1140 = tpu.vector_load %arg10[%get3A_1138, %get3A_1139] {strides = array<i32>} : memref<128x128xf32, #tpu.memory_space<vmem>>, vector<1x16xf32>,
        %get3A_1141 = vector.shape_cast %get3A_1140 : vector<1x16xf32> to vector<16xf32>
        %mul3A_1142 = arith.mulf %get3A_1141, %gather3A_1121 : vector<16xf32>
        %add3A_1143 = arith.constant 9 : i32
        %add3A_1144 = arith.addi %multiple_of3A_93, %add3A_1143 : i32
        %swap3A_1145 = arith.index_cast %add3A_1144 : i32 to index
        %swap3A_1146 = arith.constant 16 : index
        %swap3A_1147 = tpu.vector_load %arg10[%swap3A_1145, %swap3A_1146] {strides = array<i32>} : memref<128x128xf32, #tpu.memory_space<vmem>>, vector<1x16xf32>,
        %swap3A_1148 = vector.shape_cast %swap3A_1147 : vector<1x16xf32> to vector<16xf32>
        %swap3A_1149 = vector.shape_cast %mul3A_1142 : vector<16xf32> to vector<1x16xf32>
        tpu.vector_store %arg10[%swap3A_1145, %swap3A_1146], %swap3A_1149 {strides = array<i32>} : memref<128x128xf32, #tpu.memory_space<vmem>>, vector<1x16xf32>,
        %add3A_1150 = arith.constant 9 : i32
        %add3A_1151 = arith.addi %multiple_of3A_93, %add3A_1150 : i32
        %get3A_1152 = arith.index_cast %add3A_1151 : i32 to index
        %get3A_1153 = arith.constant 32 : index
        %get3A_1154 = tpu.vector_load %arg10[%get3A_1152, %get3A_1153] {strides = array<i32>} : memref<128x128xf32, #tpu.memory_space<vmem>>, vector<1x16xf32>,
        %get3A_1155 = vector.shape_cast %get3A_1154 : vector<1x16xf32> to vector<16xf32>
        %mul3A_1156 = arith.mulf %get3A_1155, %gather3A_1121 : vector<16xf32>
        %add3A_1157 = arith.constant 9 : i32
        %add3A_1158 = arith.addi %multiple_of3A_93, %add3A_1157 : i32
        %swap3A_1159 = arith.index_cast %add3A_1158 : i32 to index
        %swap3A_1160 = arith.constant 32 : index
        %swap3A_1161 = tpu.vector_load %arg10[%swap3A_1159, %swap3A_1160] {strides = array<i32>} : memref<128x128xf32, #tpu.memory_space<vmem>>, vector<1x16xf32>,
        %swap3A_1162 = vector.shape_cast %swap3A_1161 : vector<1x16xf32> to vector<16xf32>
        %swap3A_1163 = vector.shape_cast %mul3A_1156 : vector<16xf32> to vector<1x16xf32>
        tpu.vector_store %arg10[%swap3A_1159, %swap3A_1160], %swap3A_1163 {strides = array<i32>} : memref<128x128xf32, #tpu.memory_space<vmem>>, vector<1x16xf32>,
        %add3A_1164 = arith.constant 9 : i32
        %add3A_1165 = arith.addi %multiple_of3A_93, %add3A_1164 : i32
        %get3A_1166 = arith.index_cast %add3A_1165 : i32 to index
        %get3A_1167 = arith.constant 48 : index
        %get3A_1168 = tpu.vector_load %arg10[%get3A_1166, %get3A_1167] {strides = array<i32>} : memref<128x128xf32, #tpu.memory_space<vmem>>, vector<1x16xf32>,
        %get3A_1169 = vector.shape_cast %get3A_1168 : vector<1x16xf32> to vector<16xf32>
        %mul3A_1170 = arith.mulf %get3A_1169, %gather3A_1121 : vector<16xf32>
        %add3A_1171 = arith.constant 9 : i32
        %add3A_1172 = arith.addi %multiple_of3A_93, %add3A_1171 : i32
        %swap3A_1173 = arith.index_cast %add3A_1172 : i32 to index
        %swap3A_1174 = arith.constant 48 : index
        %swap3A_1175 = tpu.vector_load %arg10[%swap3A_1173, %swap3A_1174] {strides = array<i32>} : memref<128x128xf32, #tpu.memory_space<vmem>>, vector<1x16xf32>,
        %swap3A_1176 = vector.shape_cast %swap3A_1175 : vector<1x16xf32> to vector<16xf32>
        %swap3A_1177 = vector.shape_cast %mul3A_1170 : vector<16xf32> to vector<1x16xf32>
        tpu.vector_store %arg10[%swap3A_1173, %swap3A_1174], %swap3A_1177 {strides = array<i32>} : memref<128x128xf32, #tpu.memory_space<vmem>>, vector<1x16xf32>,
        %add3A_1178 = arith.constant 9 : i32
        %add3A_1179 = arith.addi %multiple_of3A_93, %add3A_1178 : i32
        %get3A_1180 = arith.index_cast %add3A_1179 : i32 to index
        %get3A_1181 = arith.constant 64 : index
        %get3A_1182 = tpu.vector_load %arg10[%get3A_1180, %get3A_1181] {strides = array<i32>} : memref<128x128xf32, #tpu.memory_space<vmem>>, vector<1x16xf32>,
        %get3A_1183 = vector.shape_cast %get3A_1182 : vector<1x16xf32> to vector<16xf32>
        %mul3A_1184 = arith.mulf %get3A_1183, %gather3A_1121 : vector<16xf32>
        %add3A_1185 = arith.constant 9 : i32
        %add3A_1186 = arith.addi %multiple_of3A_93, %add3A_1185 : i32
        %swap3A_1187 = arith.index_cast %add3A_1186 : i32 to index
        %swap3A_1188 = arith.constant 64 : index
        %swap3A_1189 = tpu.vector_load %arg10[%swap3A_1187, %swap3A_1188] {strides = array<i32>} : memref<128x128xf32, #tpu.memory_space<vmem>>, vector<1x16xf32>,
        %swap3A_1190 = vector.shape_cast %swap3A_1189 : vector<1x16xf32> to vector<16xf32>
        %swap3A_1191 = vector.shape_cast %mul3A_1184 : vector<16xf32> to vector<1x16xf32>
        tpu.vector_store %arg10[%swap3A_1187, %swap3A_1188], %swap3A_1191 {strides = array<i32>} : memref<128x128xf32, #tpu.memory_space<vmem>>, vector<1x16xf32>,
        %add3A_1192 = arith.constant 9 : i32
        %add3A_1193 = arith.addi %multiple_of3A_93, %add3A_1192 : i32
        %get3A_1194 = arith.index_cast %add3A_1193 : i32 to index
        %get3A_1195 = arith.constant 80 : index
        %get3A_1196 = tpu.vector_load %arg10[%get3A_1194, %get3A_1195] {strides = array<i32>} : memref<128x128xf32, #tpu.memory_space<vmem>>, vector<1x16xf32>,
        %get3A_1197 = vector.shape_cast %get3A_1196 : vector<1x16xf32> to vector<16xf32>
        %mul3A_1198 = arith.mulf %get3A_1197, %gather3A_1121 : vector<16xf32>
        %add3A_1199 = arith.constant 9 : i32
        %add3A_1200 = arith.addi %multiple_of3A_93, %add3A_1199 : i32
        %swap3A_1201 = arith.index_cast %add3A_1200 : i32 to index
        %swap3A_1202 = arith.constant 80 : index
        %swap3A_1203 = tpu.vector_load %arg10[%swap3A_1201, %swap3A_1202] {strides = array<i32>} : memref<128x128xf32, #tpu.memory_space<vmem>>, vector<1x16xf32>,
        %swap3A_1204 = vector.shape_cast %swap3A_1203 : vector<1x16xf32> to vector<16xf32>
        %swap3A_1205 = vector.shape_cast %mul3A_1198 : vector<16xf32> to vector<1x16xf32>
        tpu.vector_store %arg10[%swap3A_1201, %swap3A_1202], %swap3A_1205 {strides = array<i32>} : memref<128x128xf32, #tpu.memory_space<vmem>>, vector<1x16xf32>,
        %add3A_1206 = arith.constant 9 : i32
        %add3A_1207 = arith.addi %multiple_of3A_93, %add3A_1206 : i32
        %get3A_1208 = arith.index_cast %add3A_1207 : i32 to index
        %get3A_1209 = arith.constant 96 : index
        %get3A_1210 = tpu.vector_load %arg10[%get3A_1208, %get3A_1209] {strides = array<i32>} : memref<128x128xf32, #tpu.memory_space<vmem>>, vector<1x16xf32>,
        %get3A_1211 = vector.shape_cast %get3A_1210 : vector<1x16xf32> to vector<16xf32>
        %mul3A_1212 = arith.mulf %get3A_1211, %gather3A_1121 : vector<16xf32>
        %add3A_1213 = arith.constant 9 : i32
        %add3A_1214 = arith.addi %multiple_of3A_93, %add3A_1213 : i32
        %swap3A_1215 = arith.index_cast %add3A_1214 : i32 to index
        %swap3A_1216 = arith.constant 96 : index
        %swap3A_1217 = tpu.vector_load %arg10[%swap3A_1215, %swap3A_1216] {strides = array<i32>} : memref<128x128xf32, #tpu.memory_space<vmem>>, vector<1x16xf32>,
        %swap3A_1218 = vector.shape_cast %swap3A_1217 : vector<1x16xf32> to vector<16xf32>
        %swap3A_1219 = vector.shape_cast %mul3A_1212 : vector<16xf32> to vector<1x16xf32>
        tpu.vector_store %arg10[%swap3A_1215, %swap3A_1216], %swap3A_1219 {strides = array<i32>} : memref<128x128xf32, #tpu.memory_space<vmem>>, vector<1x16xf32>,
        %add3A_1220 = arith.constant 9 : i32
        %add3A_1221 = arith.addi %multiple_of3A_93, %add3A_1220 : i32
        %get3A_1222 = arith.index_cast %add3A_1221 : i32 to index
        %get3A_1223 = arith.constant 112 : index
        %get3A_1224 = tpu.vector_load %arg10[%get3A_1222, %get3A_1223] {strides = array<i32>} : memref<128x128xf32, #tpu.memory_space<vmem>>, vector<1x16xf32>,
        %get3A_1225 = vector.shape_cast %get3A_1224 : vector<1x16xf32> to vector<16xf32>
        %mul3A_1226 = arith.mulf %get3A_1225, %gather3A_1121 : vector<16xf32>
        %add3A_1227 = arith.constant 9 : i32
        %add3A_1228 = arith.addi %multiple_of3A_93, %add3A_1227 : i32
        %swap3A_1229 = arith.index_cast %add3A_1228 : i32 to index
        %swap3A_1230 = arith.constant 112 : index
        %swap3A_1231 = tpu.vector_load %arg10[%swap3A_1229, %swap3A_1230] {strides = array<i32>} : memref<128x128xf32, #tpu.memory_space<vmem>>, vector<1x16xf32>,
        %swap3A_1232 = vector.shape_cast %swap3A_1231 : vector<1x16xf32> to vector<16xf32>
        %swap3A_1233 = vector.shape_cast %mul3A_1226 : vector<16xf32> to vector<1x16xf32>
        tpu.vector_store %arg10[%swap3A_1229, %swap3A_1230], %swap3A_1233 {strides = array<i32>} : memref<128x128xf32, #tpu.memory_space<vmem>>, vector<1x16xf32>,
        %gather3A_1234 = vector.shape_cast %broadcast_in_dim3A_43 : vector<16x1xi32> to vector<16xi32>
        %gather3A_1235 = tpu.dynamic_gather %get3A_95[%gather3A_1234] in [0] : vector<16xf32>, vector<16xi32> -> vector<16xf32>
        %add3A_1236 = arith.constant 10 : i32
        %add3A_1237 = arith.addi %multiple_of3A_93, %add3A_1236 : i32
        %get3A_1238 = arith.index_cast %add3A_1237 : i32 to index
        %get3A_1239 = arith.constant 0 : index
        %get3A_1240 = tpu.vector_load %arg10[%get3A_1238, %get3A_1239] {strides = array<i32>} : memref<128x128xf32, #tpu.memory_space<vmem>>, vector<1x16xf32>,
        %get3A_1241 = vector.shape_cast %get3A_1240 : vector<1x16xf32> to vector<16xf32>
        %mul3A_1242 = arith.mulf %get3A_1241, %gather3A_1235 : vector<16xf32>
        %add3A_1243 = arith.constant 10 : i32
        %add3A_1244 = arith.addi %multiple_of3A_93, %add3A_1243 : i32
        %swap3A_1245 = arith.index_cast %add3A_1244 : i32 to index
        %swap3A_1246 = arith.constant 0 : index
        %swap3A_1247 = tpu.vector_load %arg10[%swap3A_1245, %swap3A_1246] {strides = array<i32>} : memref<128x128xf32, #tpu.memory_space<vmem>>, vector<1x16xf32>,
        %swap3A_1248 = vector.shape_cast %swap3A_1247 : vector<1x16xf32> to vector<16xf32>
        %swap3A_1249 = vector.shape_cast %mul3A_1242 : vector<16xf32> to vector<1x16xf32>
        tpu.vector_store %arg10[%swap3A_1245, %swap3A_1246], %swap3A_1249 {strides = array<i32>} : memref<128x128xf32, #tpu.memory_space<vmem>>, vector<1x16xf32>,
        %add3A_1250 = arith.constant 10 : i32
        %add3A_1251 = arith.addi %multiple_of3A_93, %add3A_1250 : i32
        %get3A_1252 = arith.index_cast %add3A_1251 : i32 to index
        %get3A_1253 = arith.constant 16 : index
        %get3A_1254 = tpu.vector_load %arg10[%get3A_1252, %get3A_1253] {strides = array<i32>} : memref<128x128xf32, #tpu.memory_space<vmem>>, vector<1x16xf32>,
        %get3A_1255 = vector.shape_cast %get3A_1254 : vector<1x16xf32> to vector<16xf32>
        %mul3A_1256 = arith.mulf %get3A_1255, %gather3A_1235 : vector<16xf32>
        %add3A_1257 = arith.constant 10 : i32
        %add3A_1258 = arith.addi %multiple_of3A_93, %add3A_1257 : i32
        %swap3A_1259 = arith.index_cast %add3A_1258 : i32 to index
        %swap3A_1260 = arith.constant 16 : index
        %swap3A_1261 = tpu.vector_load %arg10[%swap3A_1259, %swap3A_1260] {strides = array<i32>} : memref<128x128xf32, #tpu.memory_space<vmem>>, vector<1x16xf32>,
        %swap3A_1262 = vector.shape_cast %swap3A_1261 : vector<1x16xf32> to vector<16xf32>
        %swap3A_1263 = vector.shape_cast %mul3A_1256 : vector<16xf32> to vector<1x16xf32>
        tpu.vector_store %arg10[%swap3A_1259, %swap3A_1260], %swap3A_1263 {strides = array<i32>} : memref<128x128xf32, #tpu.memory_space<vmem>>, vector<1x16xf32>,
        %add3A_1264 = arith.constant 10 : i32
        %add3A_1265 = arith.addi %multiple_of3A_93, %add3A_1264 : i32
        %get3A_1266 = arith.index_cast %add3A_1265 : i32 to index
        %get3A_1267 = arith.constant 32 : index
        %get3A_1268 = tpu.vector_load %arg10[%get3A_1266, %get3A_1267] {strides = array<i32>} : memref<128x128xf32, #tpu.memory_space<vmem>>, vector<1x16xf32>,
        %get3A_1269 = vector.shape_cast %get3A_1268 : vector<1x16xf32> to vector<16xf32>
        %mul3A_1270 = arith.mulf %get3A_1269, %gather3A_1235 : vector<16xf32>
        %add3A_1271 = arith.constant 10 : i32
        %add3A_1272 = arith.addi %multiple_of3A_93, %add3A_1271 : i32
        %swap3A_1273 = arith.index_cast %add3A_1272 : i32 to index
        %swap3A_1274 = arith.constant 32 : index
        %swap3A_1275 = tpu.vector_load %arg10[%swap3A_1273, %swap3A_1274] {strides = array<i32>} : memref<128x128xf32, #tpu.memory_space<vmem>>, vector<1x16xf32>,
        %swap3A_1276 = vector.shape_cast %swap3A_1275 : vector<1x16xf32> to vector<16xf32>
        %swap3A_1277 = vector.shape_cast %mul3A_1270 : vector<16xf32> to vector<1x16xf32>
        tpu.vector_store %arg10[%swap3A_1273, %swap3A_1274], %swap3A_1277 {strides = array<i32>} : memref<128x128xf32, #tpu.memory_space<vmem>>, vector<1x16xf32>,
        %add3A_1278 = arith.constant 10 : i32
        %add3A_1279 = arith.addi %multiple_of3A_93, %add3A_1278 : i32
        %get3A_1280 = arith.index_cast %add3A_1279 : i32 to index
        %get3A_1281 = arith.constant 48 : index
        %get3A_1282 = tpu.vector_load %arg10[%get3A_1280, %get3A_1281] {strides = array<i32>} : memref<128x128xf32, #tpu.memory_space<vmem>>, vector<1x16xf32>,
        %get3A_1283 = vector.shape_cast %get3A_1282 : vector<1x16xf32> to vector<16xf32>
        %mul3A_1284 = arith.mulf %get3A_1283, %gather3A_1235 : vector<16xf32>
        %add3A_1285 = arith.constant 10 : i32
        %add3A_1286 = arith.addi %multiple_of3A_93, %add3A_1285 : i32
        %swap3A_1287 = arith.index_cast %add3A_1286 : i32 to index
        %swap3A_1288 = arith.constant 48 : index
        %swap3A_1289 = tpu.vector_load %arg10[%swap3A_1287, %swap3A_1288] {strides = array<i32>} : memref<128x128xf32, #tpu.memory_space<vmem>>, vector<1x16xf32>,
        %swap3A_1290 = vector.shape_cast %swap3A_1289 : vector<1x16xf32> to vector<16xf32>
        %swap3A_1291 = vector.shape_cast %mul3A_1284 : vector<16xf32> to vector<1x16xf32>
        tpu.vector_store %arg10[%swap3A_1287, %swap3A_1288], %swap3A_1291 {strides = array<i32>} : memref<128x128xf32, #tpu.memory_space<vmem>>, vector<1x16xf32>,
        %add3A_1292 = arith.constant 10 : i32
        %add3A_1293 = arith.addi %multiple_of3A_93, %add3A_1292 : i32
        %get3A_1294 = arith.index_cast %add3A_1293 : i32 to index
        %get3A_1295 = arith.constant 64 : index
        %get3A_1296 = tpu.vector_load %arg10[%get3A_1294, %get3A_1295] {strides = array<i32>} : memref<128x128xf32, #tpu.memory_space<vmem>>, vector<1x16xf32>,
        %get3A_1297 = vector.shape_cast %get3A_1296 : vector<1x16xf32> to vector<16xf32>
        %mul3A_1298 = arith.mulf %get3A_1297, %gather3A_1235 : vector<16xf32>
        %add3A_1299 = arith.constant 10 : i32
        %add3A_1300 = arith.addi %multiple_of3A_93, %add3A_1299 : i32
        %swap3A_1301 = arith.index_cast %add3A_1300 : i32 to index
        %swap3A_1302 = arith.constant 64 : index
        %swap3A_1303 = tpu.vector_load %arg10[%swap3A_1301, %swap3A_1302] {strides = array<i32>} : memref<128x128xf32, #tpu.memory_space<vmem>>, vector<1x16xf32>,
        %swap3A_1304 = vector.shape_cast %swap3A_1303 : vector<1x16xf32> to vector<16xf32>
        %swap3A_1305 = vector.shape_cast %mul3A_1298 : vector<16xf32> to vector<1x16xf32>
        tpu.vector_store %arg10[%swap3A_1301, %swap3A_1302], %swap3A_1305 {strides = array<i32>} : memref<128x128xf32, #tpu.memory_space<vmem>>, vector<1x16xf32>,
        %add3A_1306 = arith.constant 10 : i32
        %add3A_1307 = arith.addi %multiple_of3A_93, %add3A_1306 : i32
        %get3A_1308 = arith.index_cast %add3A_1307 : i32 to index
        %get3A_1309 = arith.constant 80 : index
        %get3A_1310 = tpu.vector_load %arg10[%get3A_1308, %get3A_1309] {strides = array<i32>} : memref<128x128xf32, #tpu.memory_space<vmem>>, vector<1x16xf32>,
        %get3A_1311 = vector.shape_cast %get3A_1310 : vector<1x16xf32> to vector<16xf32>
        %mul3A_1312 = arith.mulf %get3A_1311, %gather3A_1235 : vector<16xf32>
        %add3A_1313 = arith.constant 10 : i32
        %add3A_1314 = arith.addi %multiple_of3A_93, %add3A_1313 : i32
        %swap3A_1315 = arith.index_cast %add3A_1314 : i32 to index
        %swap3A_1316 = arith.constant 80 : index
        %swap3A_1317 = tpu.vector_load %arg10[%swap3A_1315, %swap3A_1316] {strides = array<i32>} : memref<128x128xf32, #tpu.memory_space<vmem>>, vector<1x16xf32>,
        %swap3A_1318 = vector.shape_cast %swap3A_1317 : vector<1x16xf32> to vector<16xf32>
        %swap3A_1319 = vector.shape_cast %mul3A_1312 : vector<16xf32> to vector<1x16xf32>
        tpu.vector_store %arg10[%swap3A_1315, %swap3A_1316], %swap3A_1319 {strides = array<i32>} : memref<128x128xf32, #tpu.memory_space<vmem>>, vector<1x16xf32>,
        %add3A_1320 = arith.constant 10 : i32
        %add3A_1321 = arith.addi %multiple_of3A_93, %add3A_1320 : i32
        %get3A_1322 = arith.index_cast %add3A_1321 : i32 to index
        %get3A_1323 = arith.constant 96 : index
        %get3A_1324 = tpu.vector_load %arg10[%get3A_1322, %get3A_1323] {strides = array<i32>} : memref<128x128xf32, #tpu.memory_space<vmem>>, vector<1x16xf32>,
        %get3A_1325 = vector.shape_cast %get3A_1324 : vector<1x16xf32> to vector<16xf32>
        %mul3A_1326 = arith.mulf %get3A_1325, %gather3A_1235 : vector<16xf32>
        %add3A_1327 = arith.constant 10 : i32
        %add3A_1328 = arith.addi %multiple_of3A_93, %add3A_1327 : i32
        %swap3A_1329 = arith.index_cast %add3A_1328 : i32 to index
        %swap3A_1330 = arith.constant 96 : index
        %swap3A_1331 = tpu.vector_load %arg10[%swap3A_1329, %swap3A_1330] {strides = array<i32>} : memref<128x128xf32, #tpu.memory_space<vmem>>, vector<1x16xf32>,
        %swap3A_1332 = vector.shape_cast %swap3A_1331 : vector<1x16xf32> to vector<16xf32>
        %swap3A_1333 = vector.shape_cast %mul3A_1326 : vector<16xf32> to vector<1x16xf32>
        tpu.vector_store %arg10[%swap3A_1329, %swap3A_1330], %swap3A_1333 {strides = array<i32>} : memref<128x128xf32, #tpu.memory_space<vmem>>, vector<1x16xf32>,
        %add3A_1334 = arith.constant 10 : i32
        %add3A_1335 = arith.addi %multiple_of3A_93, %add3A_1334 : i32
        %get3A_1336 = arith.index_cast %add3A_1335 : i32 to index
        %get3A_1337 = arith.constant 112 : index
        %get3A_1338 = tpu.vector_load %arg10[%get3A_1336, %get3A_1337] {strides = array<i32>} : memref<128x128xf32, #tpu.memory_space<vmem>>, vector<1x16xf32>,
        %get3A_1339 = vector.shape_cast %get3A_1338 : vector<1x16xf32> to vector<16xf32>
        %mul3A_1340 = arith.mulf %get3A_1339, %gather3A_1235 : vector<16xf32>
        %add3A_1341 = arith.constant 10 : i32
        %add3A_1342 = arith.addi %multiple_of3A_93, %add3A_1341 : i32
        %swap3A_1343 = arith.index_cast %add3A_1342 : i32 to index
        %swap3A_1344 = arith.constant 112 : index
        %swap3A_1345 = tpu.vector_load %arg10[%swap3A_1343, %swap3A_1344] {strides = array<i32>} : memref<128x128xf32, #tpu.memory_space<vmem>>, vector<1x16xf32>,
        %swap3A_1346 = vector.shape_cast %swap3A_1345 : vector<1x16xf32> to vector<16xf32>
        %swap3A_1347 = vector.shape_cast %mul3A_1340 : vector<16xf32> to vector<1x16xf32>
        tpu.vector_store %arg10[%swap3A_1343, %swap3A_1344], %swap3A_1347 {strides = array<i32>} : memref<128x128xf32, #tpu.memory_space<vmem>>, vector<1x16xf32>,
        %gather3A_1348 = vector.shape_cast %broadcast_in_dim3A_45 : vector<16x1xi32> to vector<16xi32>
        %gather3A_1349 = tpu.dynamic_gather %get3A_95[%gather3A_1348] in [0] : vector<16xf32>, vector<16xi32> -> vector<16xf32>
        %add3A_1350 = arith.constant 11 : i32
        %add3A_1351 = arith.addi %multiple_of3A_93, %add3A_1350 : i32
        %get3A_1352 = arith.index_cast %add3A_1351 : i32 to index
        %get3A_1353 = arith.constant 0 : index
        %get3A_1354 = tpu.vector_load %arg10[%get3A_1352, %get3A_1353] {strides = array<i32>} : memref<128x128xf32, #tpu.memory_space<vmem>>, vector<1x16xf32>,
        %get3A_1355 = vector.shape_cast %get3A_1354 : vector<1x16xf32> to vector<16xf32>
        %mul3A_1356 = arith.mulf %get3A_1355, %gather3A_1349 : vector<16xf32>
        %add3A_1357 = arith.constant 11 : i32
        %add3A_1358 = arith.addi %multiple_of3A_93, %add3A_1357 : i32
        %swap3A_1359 = arith.index_cast %add3A_1358 : i32 to index
        %swap3A_1360 = arith.constant 0 : index
        %swap3A_1361 = tpu.vector_load %arg10[%swap3A_1359, %swap3A_1360] {strides = array<i32>} : memref<128x128xf32, #tpu.memory_space<vmem>>, vector<1x16xf32>,
        %swap3A_1362 = vector.shape_cast %swap3A_1361 : vector<1x16xf32> to vector<16xf32>
        %swap3A_1363 = vector.shape_cast %mul3A_1356 : vector<16xf32> to vector<1x16xf32>
        tpu.vector_store %arg10[%swap3A_1359, %swap3A_1360], %swap3A_1363 {strides = array<i32>} : memref<128x128xf32, #tpu.memory_space<vmem>>, vector<1x16xf32>,
        %add3A_1364 = arith.constant 11 : i32
        %add3A_1365 = arith.addi %multiple_of3A_93, %add3A_1364 : i32
        %get3A_1366 = arith.index_cast %add3A_1365 : i32 to index
        %get3A_1367 = arith.constant 16 : index
        %get3A_1368 = tpu.vector_load %arg10[%get3A_1366, %get3A_1367] {strides = array<i32>} : memref<128x128xf32, #tpu.memory_space<vmem>>, vector<1x16xf32>,
        %get3A_1369 = vector.shape_cast %get3A_1368 : vector<1x16xf32> to vector<16xf32>
        %mul3A_1370 = arith.mulf %get3A_1369, %gather3A_1349 : vector<16xf32>
        %add3A_1371 = arith.constant 11 : i32
        %add3A_1372 = arith.addi %multiple_of3A_93, %add3A_1371 : i32
        %swap3A_1373 = arith.index_cast %add3A_1372 : i32 to index
        %swap3A_1374 = arith.constant 16 : index
        %swap3A_1375 = tpu.vector_load %arg10[%swap3A_1373, %swap3A_1374] {strides = array<i32>} : memref<128x128xf32, #tpu.memory_space<vmem>>, vector<1x16xf32>,
        %swap3A_1376 = vector.shape_cast %swap3A_1375 : vector<1x16xf32> to vector<16xf32>
        %swap3A_1377 = vector.shape_cast %mul3A_1370 : vector<16xf32> to vector<1x16xf32>
        tpu.vector_store %arg10[%swap3A_1373, %swap3A_1374], %swap3A_1377 {strides = array<i32>} : memref<128x128xf32, #tpu.memory_space<vmem>>, vector<1x16xf32>,
        %add3A_1378 = arith.constant 11 : i32
        %add3A_1379 = arith.addi %multiple_of3A_93, %add3A_1378 : i32
        %get3A_1380 = arith.index_cast %add3A_1379 : i32 to index
        %get3A_1381 = arith.constant 32 : index
        %get3A_1382 = tpu.vector_load %arg10[%get3A_1380, %get3A_1381] {strides = array<i32>} : memref<128x128xf32, #tpu.memory_space<vmem>>, vector<1x16xf32>,
        %get3A_1383 = vector.shape_cast %get3A_1382 : vector<1x16xf32> to vector<16xf32>
        %mul3A_1384 = arith.mulf %get3A_1383, %gather3A_1349 : vector<16xf32>
        %add3A_1385 = arith.constant 11 : i32
        %add3A_1386 = arith.addi %multiple_of3A_93, %add3A_1385 : i32
        %swap3A_1387 = arith.index_cast %add3A_1386 : i32 to index
        %swap3A_1388 = arith.constant 32 : index
        %swap3A_1389 = tpu.vector_load %arg10[%swap3A_1387, %swap3A_1388] {strides = array<i32>} : memref<128x128xf32, #tpu.memory_space<vmem>>, vector<1x16xf32>,
        %swap3A_1390 = vector.shape_cast %swap3A_1389 : vector<1x16xf32> to vector<16xf32>
        %swap3A_1391 = vector.shape_cast %mul3A_1384 : vector<16xf32> to vector<1x16xf32>
        tpu.vector_store %arg10[%swap3A_1387, %swap3A_1388], %swap3A_1391 {strides = array<i32>} : memref<128x128xf32, #tpu.memory_space<vmem>>, vector<1x16xf32>,
        %add3A_1392 = arith.constant 11 : i32
        %add3A_1393 = arith.addi %multiple_of3A_93, %add3A_1392 : i32
        %get3A_1394 = arith.index_cast %add3A_1393 : i32 to index
        %get3A_1395 = arith.constant 48 : index
        %get3A_1396 = tpu.vector_load %arg10[%get3A_1394, %get3A_1395] {strides = array<i32>} : memref<128x128xf32, #tpu.memory_space<vmem>>, vector<1x16xf32>,
        %get3A_1397 = vector.shape_cast %get3A_1396 : vector<1x16xf32> to vector<16xf32>
        %mul3A_1398 = arith.mulf %get3A_1397, %gather3A_1349 : vector<16xf32>
        %add3A_1399 = arith.constant 11 : i32
        %add3A_1400 = arith.addi %multiple_of3A_93, %add3A_1399 : i32
        %swap3A_1401 = arith.index_cast %add3A_1400 : i32 to index
        %swap3A_1402 = arith.constant 48 : index
        %swap3A_1403 = tpu.vector_load %arg10[%swap3A_1401, %swap3A_1402] {strides = array<i32>} : memref<128x128xf32, #tpu.memory_space<vmem>>, vector<1x16xf32>,
        %swap3A_1404 = vector.shape_cast %swap3A_1403 : vector<1x16xf32> to vector<16xf32>
        %swap3A_1405 = vector.shape_cast %mul3A_1398 : vector<16xf32> to vector<1x16xf32>
        tpu.vector_store %arg10[%swap3A_1401, %swap3A_1402], %swap3A_1405 {strides = array<i32>} : memref<128x128xf32, #tpu.memory_space<vmem>>, vector<1x16xf32>,
        %add3A_1406 = arith.constant 11 : i32
        %add3A_1407 = arith.addi %multiple_of3A_93, %add3A_1406 : i32
        %get3A_1408 = arith.index_cast %add3A_1407 : i32 to index
        %get3A_1409 = arith.constant 64 : index
        %get3A_1410 = tpu.vector_load %arg10[%get3A_1408, %get3A_1409] {strides = array<i32>} : memref<128x128xf32, #tpu.memory_space<vmem>>, vector<1x16xf32>,
        %get3A_1411 = vector.shape_cast %get3A_1410 : vector<1x16xf32> to vector<16xf32>
        %mul3A_1412 = arith.mulf %get3A_1411, %gather3A_1349 : vector<16xf32>
        %add3A_1413 = arith.constant 11 : i32
        %add3A_1414 = arith.addi %multiple_of3A_93, %add3A_1413 : i32
        %swap3A_1415 = arith.index_cast %add3A_1414 : i32 to index
        %swap3A_1416 = arith.constant 64 : index
        %swap3A_1417 = tpu.vector_load %arg10[%swap3A_1415, %swap3A_1416] {strides = array<i32>} : memref<128x128xf32, #tpu.memory_space<vmem>>, vector<1x16xf32>,
        %swap3A_1418 = vector.shape_cast %swap3A_1417 : vector<1x16xf32> to vector<16xf32>
        %swap3A_1419 = vector.shape_cast %mul3A_1412 : vector<16xf32> to vector<1x16xf32>
        tpu.vector_store %arg10[%swap3A_1415, %swap3A_1416], %swap3A_1419 {strides = array<i32>} : memref<128x128xf32, #tpu.memory_space<vmem>>, vector<1x16xf32>,
        %add3A_1420 = arith.constant 11 : i32
        %add3A_1421 = arith.addi %multiple_of3A_93, %add3A_1420 : i32
        %get3A_1422 = arith.index_cast %add3A_1421 : i32 to index
        %get3A_1423 = arith.constant 80 : index
        %get3A_1424 = tpu.vector_load %arg10[%get3A_1422, %get3A_1423] {strides = array<i32>} : memref<128x128xf32, #tpu.memory_space<vmem>>, vector<1x16xf32>,
        %get3A_1425 = vector.shape_cast %get3A_1424 : vector<1x16xf32> to vector<16xf32>
        %mul3A_1426 = arith.mulf %get3A_1425, %gather3A_1349 : vector<16xf32>
        %add3A_1427 = arith.constant 11 : i32
        %add3A_1428 = arith.addi %multiple_of3A_93, %add3A_1427 : i32
        %swap3A_1429 = arith.index_cast %add3A_1428 : i32 to index
        %swap3A_1430 = arith.constant 80 : index
        %swap3A_1431 = tpu.vector_load %arg10[%swap3A_1429, %swap3A_1430] {strides = array<i32>} : memref<128x128xf32, #tpu.memory_space<vmem>>, vector<1x16xf32>,
        %swap3A_1432 = vector.shape_cast %swap3A_1431 : vector<1x16xf32> to vector<16xf32>
        %swap3A_1433 = vector.shape_cast %mul3A_1426 : vector<16xf32> to vector<1x16xf32>
        tpu.vector_store %arg10[%swap3A_1429, %swap3A_1430], %swap3A_1433 {strides = array<i32>} : memref<128x128xf32, #tpu.memory_space<vmem>>, vector<1x16xf32>,
        %add3A_1434 = arith.constant 11 : i32
        %add3A_1435 = arith.addi %multiple_of3A_93, %add3A_1434 : i32
        %get3A_1436 = arith.index_cast %add3A_1435 : i32 to index
        %get3A_1437 = arith.constant 96 : index
        %get3A_1438 = tpu.vector_load %arg10[%get3A_1436, %get3A_1437] {strides = array<i32>} : memref<128x128xf32, #tpu.memory_space<vmem>>, vector<1x16xf32>,
        %get3A_1439 = vector.shape_cast %get3A_1438 : vector<1x16xf32> to vector<16xf32>
        %mul3A_1440 = arith.mulf %get3A_1439, %gather3A_1349 : vector<16xf32>
        %add3A_1441 = arith.constant 11 : i32
        %add3A_1442 = arith.addi %multiple_of3A_93, %add3A_1441 : i32
        %swap3A_1443 = arith.index_cast %add3A_1442 : i32 to index
        %swap3A_1444 = arith.constant 96 : index
        %swap3A_1445 = tpu.vector_load %arg10[%swap3A_1443, %swap3A_1444] {strides = array<i32>} : memref<128x128xf32, #tpu.memory_space<vmem>>, vector<1x16xf32>,
        %swap3A_1446 = vector.shape_cast %swap3A_1445 : vector<1x16xf32> to vector<16xf32>
        %swap3A_1447 = vector.shape_cast %mul3A_1440 : vector<16xf32> to vector<1x16xf32>
        tpu.vector_store %arg10[%swap3A_1443, %swap3A_1444], %swap3A_1447 {strides = array<i32>} : memref<128x128xf32, #tpu.memory_space<vmem>>, vector<1x16xf32>,
        %add3A_1448 = arith.constant 11 : i32
        %add3A_1449 = arith.addi %multiple_of3A_93, %add3A_1448 : i32
        %get3A_1450 = arith.index_cast %add3A_1449 : i32 to index
        %get3A_1451 = arith.constant 112 : index
        %get3A_1452 = tpu.vector_load %arg10[%get3A_1450, %get3A_1451] {strides = array<i32>} : memref<128x128xf32, #tpu.memory_space<vmem>>, vector<1x16xf32>,
        %get3A_1453 = vector.shape_cast %get3A_1452 : vector<1x16xf32> to vector<16xf32>
        %mul3A_1454 = arith.mulf %get3A_1453, %gather3A_1349 : vector<16xf32>
        %add3A_1455 = arith.constant 11 : i32
        %add3A_1456 = arith.addi %multiple_of3A_93, %add3A_1455 : i32
        %swap3A_1457 = arith.index_cast %add3A_1456 : i32 to index
        %swap3A_1458 = arith.constant 112 : index
        %swap3A_1459 = tpu.vector_load %arg10[%swap3A_1457, %swap3A_1458] {strides = array<i32>} : memref<128x128xf32, #tpu.memory_space<vmem>>, vector<1x16xf32>,
        %swap3A_1460 = vector.shape_cast %swap3A_1459 : vector<1x16xf32> to vector<16xf32>
        %swap3A_1461 = vector.shape_cast %mul3A_1454 : vector<16xf32> to vector<1x16xf32>
        tpu.vector_store %arg10[%swap3A_1457, %swap3A_1458], %swap3A_1461 {strides = array<i32>} : memref<128x128xf32, #tpu.memory_space<vmem>>, vector<1x16xf32>,
        %gather3A_1462 = vector.shape_cast %broadcast_in_dim3A_47 : vector<16x1xi32> to vector<16xi32>
        %gather3A_1463 = tpu.dynamic_gather %get3A_95[%gather3A_1462] in [0] : vector<16xf32>, vector<16xi32> -> vector<16xf32>
        %add3A_1464 = arith.constant 12 : i32
        %add3A_1465 = arith.addi %multiple_of3A_93, %add3A_1464 : i32
        %get3A_1466 = arith.index_cast %add3A_1465 : i32 to index
        %get3A_1467 = arith.constant 0 : index
        %get3A_1468 = tpu.vector_load %arg10[%get3A_1466, %get3A_1467] {strides = array<i32>} : memref<128x128xf32, #tpu.memory_space<vmem>>, vector<1x16xf32>,
        %get3A_1469 = vector.shape_cast %get3A_1468 : vector<1x16xf32> to vector<16xf32>
        %mul3A_1470 = arith.mulf %get3A_1469, %gather3A_1463 : vector<16xf32>
        %add3A_1471 = arith.constant 12 : i32
        %add3A_1472 = arith.addi %multiple_of3A_93, %add3A_1471 : i32
        %swap3A_1473 = arith.index_cast %add3A_1472 : i32 to index
        %swap3A_1474 = arith.constant 0 : index
        %swap3A_1475 = tpu.vector_load %arg10[%swap3A_1473, %swap3A_1474] {strides = array<i32>} : memref<128x128xf32, #tpu.memory_space<vmem>>, vector<1x16xf32>,
        %swap3A_1476 = vector.shape_cast %swap3A_1475 : vector<1x16xf32> to vector<16xf32>
        %swap3A_1477 = vector.shape_cast %mul3A_1470 : vector<16xf32> to vector<1x16xf32>
        tpu.vector_store %arg10[%swap3A_1473, %swap3A_1474], %swap3A_1477 {strides = array<i32>} : memref<128x128xf32, #tpu.memory_space<vmem>>, vector<1x16xf32>,
        %add3A_1478 = arith.constant 12 : i32
        %add3A_1479 = arith.addi %multiple_of3A_93, %add3A_1478 : i32
        %get3A_1480 = arith.index_cast %add3A_1479 : i32 to index
        %get3A_1481 = arith.constant 16 : index
        %get3A_1482 = tpu.vector_load %arg10[%get3A_1480, %get3A_1481] {strides = array<i32>} : memref<128x128xf32, #tpu.memory_space<vmem>>, vector<1x16xf32>,
        %get3A_1483 = vector.shape_cast %get3A_1482 : vector<1x16xf32> to vector<16xf32>
        %mul3A_1484 = arith.mulf %get3A_1483, %gather3A_1463 : vector<16xf32>
        %add3A_1485 = arith.constant 12 : i32
        %add3A_1486 = arith.addi %multiple_of3A_93, %add3A_1485 : i32
        %swap3A_1487 = arith.index_cast %add3A_1486 : i32 to index
        %swap3A_1488 = arith.constant 16 : index
        %swap3A_1489 = tpu.vector_load %arg10[%swap3A_1487, %swap3A_1488] {strides = array<i32>} : memref<128x128xf32, #tpu.memory_space<vmem>>, vector<1x16xf32>,
        %swap3A_1490 = vector.shape_cast %swap3A_1489 : vector<1x16xf32> to vector<16xf32>
        %swap3A_1491 = vector.shape_cast %mul3A_1484 : vector<16xf32> to vector<1x16xf32>
        tpu.vector_store %arg10[%swap3A_1487, %swap3A_1488], %swap3A_1491 {strides = array<i32>} : memref<128x128xf32, #tpu.memory_space<vmem>>, vector<1x16xf32>,
        %add3A_1492 = arith.constant 12 : i32
        %add3A_1493 = arith.addi %multiple_of3A_93, %add3A_1492 : i32
        %get3A_1494 = arith.index_cast %add3A_1493 : i32 to index
        %get3A_1495 = arith.constant 32 : index
        %get3A_1496 = tpu.vector_load %arg10[%get3A_1494, %get3A_1495] {strides = array<i32>} : memref<128x128xf32, #tpu.memory_space<vmem>>, vector<1x16xf32>,
        %get3A_1497 = vector.shape_cast %get3A_1496 : vector<1x16xf32> to vector<16xf32>
        %mul3A_1498 = arith.mulf %get3A_1497, %gather3A_1463 : vector<16xf32>
        %add3A_1499 = arith.constant 12 : i32
        %add3A_1500 = arith.addi %multiple_of3A_93, %add3A_1499 : i32
        %swap3A_1501 = arith.index_cast %add3A_1500 : i32 to index
        %swap3A_1502 = arith.constant 32 : index
        %swap3A_1503 = tpu.vector_load %arg10[%swap3A_1501, %swap3A_1502] {strides = array<i32>} : memref<128x128xf32, #tpu.memory_space<vmem>>, vector<1x16xf32>,
        %swap3A_1504 = vector.shape_cast %swap3A_1503 : vector<1x16xf32> to vector<16xf32>
        %swap3A_1505 = vector.shape_cast %mul3A_1498 : vector<16xf32> to vector<1x16xf32>
        tpu.vector_store %arg10[%swap3A_1501, %swap3A_1502], %swap3A_1505 {strides = array<i32>} : memref<128x128xf32, #tpu.memory_space<vmem>>, vector<1x16xf32>,
        %add3A_1506 = arith.constant 12 : i32
        %add3A_1507 = arith.addi %multiple_of3A_93, %add3A_1506 : i32
        %get3A_1508 = arith.index_cast %add3A_1507 : i32 to index
        %get3A_1509 = arith.constant 48 : index
        %get3A_1510 = tpu.vector_load %arg10[%get3A_1508, %get3A_1509] {strides = array<i32>} : memref<128x128xf32, #tpu.memory_space<vmem>>, vector<1x16xf32>,
        %get3A_1511 = vector.shape_cast %get3A_1510 : vector<1x16xf32> to vector<16xf32>
        %mul3A_1512 = arith.mulf %get3A_1511, %gather3A_1463 : vector<16xf32>
        %add3A_1513 = arith.constant 12 : i32
        %add3A_1514 = arith.addi %multiple_of3A_93, %add3A_1513 : i32
        %swap3A_1515 = arith.index_cast %add3A_1514 : i32 to index
        %swap3A_1516 = arith.constant 48 : index
        %swap3A_1517 = tpu.vector_load %arg10[%swap3A_1515, %swap3A_1516] {strides = array<i32>} : memref<128x128xf32, #tpu.memory_space<vmem>>, vector<1x16xf32>,
        %swap3A_1518 = vector.shape_cast %swap3A_1517 : vector<1x16xf32> to vector<16xf32>
        %swap3A_1519 = vector.shape_cast %mul3A_1512 : vector<16xf32> to vector<1x16xf32>
        tpu.vector_store %arg10[%swap3A_1515, %swap3A_1516], %swap3A_1519 {strides = array<i32>} : memref<128x128xf32, #tpu.memory_space<vmem>>, vector<1x16xf32>,
        %add3A_1520 = arith.constant 12 : i32
        %add3A_1521 = arith.addi %multiple_of3A_93, %add3A_1520 : i32
        %get3A_1522 = arith.index_cast %add3A_1521 : i32 to index
        %get3A_1523 = arith.constant 64 : index
        %get3A_1524 = tpu.vector_load %arg10[%get3A_1522, %get3A_1523] {strides = array<i32>} : memref<128x128xf32, #tpu.memory_space<vmem>>, vector<1x16xf32>,
        %get3A_1525 = vector.shape_cast %get3A_1524 : vector<1x16xf32> to vector<16xf32>
        %mul3A_1526 = arith.mulf %get3A_1525, %gather3A_1463 : vector<16xf32>
        %add3A_1527 = arith.constant 12 : i32
        %add3A_1528 = arith.addi %multiple_of3A_93, %add3A_1527 : i32
        %swap3A_1529 = arith.index_cast %add3A_1528 : i32 to index
        %swap3A_1530 = arith.constant 64 : index
        %swap3A_1531 = tpu.vector_load %arg10[%swap3A_1529, %swap3A_1530] {strides = array<i32>} : memref<128x128xf32, #tpu.memory_space<vmem>>, vector<1x16xf32>,
        %swap3A_1532 = vector.shape_cast %swap3A_1531 : vector<1x16xf32> to vector<16xf32>
        %swap3A_1533 = vector.shape_cast %mul3A_1526 : vector<16xf32> to vector<1x16xf32>
        tpu.vector_store %arg10[%swap3A_1529, %swap3A_1530], %swap3A_1533 {strides = array<i32>} : memref<128x128xf32, #tpu.memory_space<vmem>>, vector<1x16xf32>,
        %add3A_1534 = arith.constant 12 : i32
        %add3A_1535 = arith.addi %multiple_of3A_93, %add3A_1534 : i32
        %get3A_1536 = arith.index_cast %add3A_1535 : i32 to index
        %get3A_1537 = arith.constant 80 : index
        %get3A_1538 = tpu.vector_load %arg10[%get3A_1536, %get3A_1537] {strides = array<i32>} : memref<128x128xf32, #tpu.memory_space<vmem>>, vector<1x16xf32>,
        %get3A_1539 = vector.shape_cast %get3A_1538 : vector<1x16xf32> to vector<16xf32>
        %mul3A_1540 = arith.mulf %get3A_1539, %gather3A_1463 : vector<16xf32>
        %add3A_1541 = arith.constant 12 : i32
        %add3A_1542 = arith.addi %multiple_of3A_93, %add3A_1541 : i32
        %swap3A_1543 = arith.index_cast %add3A_1542 : i32 to index
        %swap3A_1544 = arith.constant 80 : index
        %swap3A_1545 = tpu.vector_load %arg10[%swap3A_1543, %swap3A_1544] {strides = array<i32>} : memref<128x128xf32, #tpu.memory_space<vmem>>, vector<1x16xf32>,
        %swap3A_1546 = vector.shape_cast %swap3A_1545 : vector<1x16xf32> to vector<16xf32>
        %swap3A_1547 = vector.shape_cast %mul3A_1540 : vector<16xf32> to vector<1x16xf32>
        tpu.vector_store %arg10[%swap3A_1543, %swap3A_1544], %swap3A_1547 {strides = array<i32>} : memref<128x128xf32, #tpu.memory_space<vmem>>, vector<1x16xf32>,
        %add3A_1548 = arith.constant 12 : i32
        %add3A_1549 = arith.addi %multiple_of3A_93, %add3A_1548 : i32
        %get3A_1550 = arith.index_cast %add3A_1549 : i32 to index
        %get3A_1551 = arith.constant 96 : index
        %get3A_1552 = tpu.vector_load %arg10[%get3A_1550, %get3A_1551] {strides = array<i32>} : memref<128x128xf32, #tpu.memory_space<vmem>>, vector<1x16xf32>,
        %get3A_1553 = vector.shape_cast %get3A_1552 : vector<1x16xf32> to vector<16xf32>
        %mul3A_1554 = arith.mulf %get3A_1553, %gather3A_1463 : vector<16xf32>
        %add3A_1555 = arith.constant 12 : i32
        %add3A_1556 = arith.addi %multiple_of3A_93, %add3A_1555 : i32
        %swap3A_1557 = arith.index_cast %add3A_1556 : i32 to index
        %swap3A_1558 = arith.constant 96 : index
        %swap3A_1559 = tpu.vector_load %arg10[%swap3A_1557, %swap3A_1558] {strides = array<i32>} : memref<128x128xf32, #tpu.memory_space<vmem>>, vector<1x16xf32>,
        %swap3A_1560 = vector.shape_cast %swap3A_1559 : vector<1x16xf32> to vector<16xf32>
        %swap3A_1561 = vector.shape_cast %mul3A_1554 : vector<16xf32> to vector<1x16xf32>
        tpu.vector_store %arg10[%swap3A_1557, %swap3A_1558], %swap3A_1561 {strides = array<i32>} : memref<128x128xf32, #tpu.memory_space<vmem>>, vector<1x16xf32>,
        %add3A_1562 = arith.constant 12 : i32
        %add3A_1563 = arith.addi %multiple_of3A_93, %add3A_1562 : i32
        %get3A_1564 = arith.index_cast %add3A_1563 : i32 to index
        %get3A_1565 = arith.constant 112 : index
        %get3A_1566 = tpu.vector_load %arg10[%get3A_1564, %get3A_1565] {strides = array<i32>} : memref<128x128xf32, #tpu.memory_space<vmem>>, vector<1x16xf32>,
        %get3A_1567 = vector.shape_cast %get3A_1566 : vector<1x16xf32> to vector<16xf32>
        %mul3A_1568 = arith.mulf %get3A_1567, %gather3A_1463 : vector<16xf32>
        %add3A_1569 = arith.constant 12 : i32
        %add3A_1570 = arith.addi %multiple_of3A_93, %add3A_1569 : i32
        %swap3A_1571 = arith.index_cast %add3A_1570 : i32 to index
        %swap3A_1572 = arith.constant 112 : index
        %swap3A_1573 = tpu.vector_load %arg10[%swap3A_1571, %swap3A_1572] {strides = array<i32>} : memref<128x128xf32, #tpu.memory_space<vmem>>, vector<1x16xf32>,
        %swap3A_1574 = vector.shape_cast %swap3A_1573 : vector<1x16xf32> to vector<16xf32>
        %swap3A_1575 = vector.shape_cast %mul3A_1568 : vector<16xf32> to vector<1x16xf32>
        tpu.vector_store %arg10[%swap3A_1571, %swap3A_1572], %swap3A_1575 {strides = array<i32>} : memref<128x128xf32, #tpu.memory_space<vmem>>, vector<1x16xf32>,
        %gather3A_1576 = vector.shape_cast %broadcast_in_dim3A_49 : vector<16x1xi32> to vector<16xi32>
        %gather3A_1577 = tpu.dynamic_gather %get3A_95[%gather3A_1576] in [0] : vector<16xf32>, vector<16xi32> -> vector<16xf32>
        %add3A_1578 = arith.constant 13 : i32
        %add3A_1579 = arith.addi %multiple_of3A_93, %add3A_1578 : i32
        %get3A_1580 = arith.index_cast %add3A_1579 : i32 to index
        %get3A_1581 = arith.constant 0 : index
        %get3A_1582 = tpu.vector_load %arg10[%get3A_1580, %get3A_1581] {strides = array<i32>} : memref<128x128xf32, #tpu.memory_space<vmem>>, vector<1x16xf32>,
        %get3A_1583 = vector.shape_cast %get3A_1582 : vector<1x16xf32> to vector<16xf32>
        %mul3A_1584 = arith.mulf %get3A_1583, %gather3A_1577 : vector<16xf32>
        %add3A_1585 = arith.constant 13 : i32
        %add3A_1586 = arith.addi %multiple_of3A_93, %add3A_1585 : i32
        %swap3A_1587 = arith.index_cast %add3A_1586 : i32 to index
        %swap3A_1588 = arith.constant 0 : index
        %swap3A_1589 = tpu.vector_load %arg10[%swap3A_1587, %swap3A_1588] {strides = array<i32>} : memref<128x128xf32, #tpu.memory_space<vmem>>, vector<1x16xf32>,
        %swap3A_1590 = vector.shape_cast %swap3A_1589 : vector<1x16xf32> to vector<16xf32>
        %swap3A_1591 = vector.shape_cast %mul3A_1584 : vector<16xf32> to vector<1x16xf32>
        tpu.vector_store %arg10[%swap3A_1587, %swap3A_1588], %swap3A_1591 {strides = array<i32>} : memref<128x128xf32, #tpu.memory_space<vmem>>, vector<1x16xf32>,
        %add3A_1592 = arith.constant 13 : i32
        %add3A_1593 = arith.addi %multiple_of3A_93, %add3A_1592 : i32
        %get3A_1594 = arith.index_cast %add3A_1593 : i32 to index
        %get3A_1595 = arith.constant 16 : index
        %get3A_1596 = tpu.vector_load %arg10[%get3A_1594, %get3A_1595] {strides = array<i32>} : memref<128x128xf32, #tpu.memory_space<vmem>>, vector<1x16xf32>,
        %get3A_1597 = vector.shape_cast %get3A_1596 : vector<1x16xf32> to vector<16xf32>
        %mul3A_1598 = arith.mulf %get3A_1597, %gather3A_1577 : vector<16xf32>
        %add3A_1599 = arith.constant 13 : i32
        %add3A_1600 = arith.addi %multiple_of3A_93, %add3A_1599 : i32
        %swap3A_1601 = arith.index_cast %add3A_1600 : i32 to index
        %swap3A_1602 = arith.constant 16 : index
        %swap3A_1603 = tpu.vector_load %arg10[%swap3A_1601, %swap3A_1602] {strides = array<i32>} : memref<128x128xf32, #tpu.memory_space<vmem>>, vector<1x16xf32>,
        %swap3A_1604 = vector.shape_cast %swap3A_1603 : vector<1x16xf32> to vector<16xf32>
        %swap3A_1605 = vector.shape_cast %mul3A_1598 : vector<16xf32> to vector<1x16xf32>
        tpu.vector_store %arg10[%swap3A_1601, %swap3A_1602], %swap3A_1605 {strides = array<i32>} : memref<128x128xf32, #tpu.memory_space<vmem>>, vector<1x16xf32>,
        %add3A_1606 = arith.constant 13 : i32
        %add3A_1607 = arith.addi %multiple_of3A_93, %add3A_1606 : i32
        %get3A_1608 = arith.index_cast %add3A_1607 : i32 to index
        %get3A_1609 = arith.constant 32 : index
        %get3A_1610 = tpu.vector_load %arg10[%get3A_1608, %get3A_1609] {strides = array<i32>} : memref<128x128xf32, #tpu.memory_space<vmem>>, vector<1x16xf32>,
        %get3A_1611 = vector.shape_cast %get3A_1610 : vector<1x16xf32> to vector<16xf32>
        %mul3A_1612 = arith.mulf %get3A_1611, %gather3A_1577 : vector<16xf32>
        %add3A_1613 = arith.constant 13 : i32
        %add3A_1614 = arith.addi %multiple_of3A_93, %add3A_1613 : i32
        %swap3A_1615 = arith.index_cast %add3A_1614 : i32 to index
        %swap3A_1616 = arith.constant 32 : index
        %swap3A_1617 = tpu.vector_load %arg10[%swap3A_1615, %swap3A_1616] {strides = array<i32>} : memref<128x128xf32, #tpu.memory_space<vmem>>, vector<1x16xf32>,
        %swap3A_1618 = vector.shape_cast %swap3A_1617 : vector<1x16xf32> to vector<16xf32>
        %swap3A_1619 = vector.shape_cast %mul3A_1612 : vector<16xf32> to vector<1x16xf32>
        tpu.vector_store %arg10[%swap3A_1615, %swap3A_1616], %swap3A_1619 {strides = array<i32>} : memref<128x128xf32, #tpu.memory_space<vmem>>, vector<1x16xf32>,
        %add3A_1620 = arith.constant 13 : i32
        %add3A_1621 = arith.addi %multiple_of3A_93, %add3A_1620 : i32
        %get3A_1622 = arith.index_cast %add3A_1621 : i32 to index
        %get3A_1623 = arith.constant 48 : index
        %get3A_1624 = tpu.vector_load %arg10[%get3A_1622, %get3A_1623] {strides = array<i32>} : memref<128x128xf32, #tpu.memory_space<vmem>>, vector<1x16xf32>,
        %get3A_1625 = vector.shape_cast %get3A_1624 : vector<1x16xf32> to vector<16xf32>
        %mul3A_1626 = arith.mulf %get3A_1625, %gather3A_1577 : vector<16xf32>
        %add3A_1627 = arith.constant 13 : i32
        %add3A_1628 = arith.addi %multiple_of3A_93, %add3A_1627 : i32
        %swap3A_1629 = arith.index_cast %add3A_1628 : i32 to index
        %swap3A_1630 = arith.constant 48 : index
        %swap3A_1631 = tpu.vector_load %arg10[%swap3A_1629, %swap3A_1630] {strides = array<i32>} : memref<128x128xf32, #tpu.memory_space<vmem>>, vector<1x16xf32>,
        %swap3A_1632 = vector.shape_cast %swap3A_1631 : vector<1x16xf32> to vector<16xf32>
        %swap3A_1633 = vector.shape_cast %mul3A_1626 : vector<16xf32> to vector<1x16xf32>
        tpu.vector_store %arg10[%swap3A_1629, %swap3A_1630], %swap3A_1633 {strides = array<i32>} : memref<128x128xf32, #tpu.memory_space<vmem>>, vector<1x16xf32>,
        %add3A_1634 = arith.constant 13 : i32
        %add3A_1635 = arith.addi %multiple_of3A_93, %add3A_1634 : i32
        %get3A_1636 = arith.index_cast %add3A_1635 : i32 to index
        %get3A_1637 = arith.constant 64 : index
        %get3A_1638 = tpu.vector_load %arg10[%get3A_1636, %get3A_1637] {strides = array<i32>} : memref<128x128xf32, #tpu.memory_space<vmem>>, vector<1x16xf32>,
        %get3A_1639 = vector.shape_cast %get3A_1638 : vector<1x16xf32> to vector<16xf32>
        %mul3A_1640 = arith.mulf %get3A_1639, %gather3A_1577 : vector<16xf32>
        %add3A_1641 = arith.constant 13 : i32
        %add3A_1642 = arith.addi %multiple_of3A_93, %add3A_1641 : i32
        %swap3A_1643 = arith.index_cast %add3A_1642 : i32 to index
        %swap3A_1644 = arith.constant 64 : index
        %swap3A_1645 = tpu.vector_load %arg10[%swap3A_1643, %swap3A_1644] {strides = array<i32>} : memref<128x128xf32, #tpu.memory_space<vmem>>, vector<1x16xf32>,
        %swap3A_1646 = vector.shape_cast %swap3A_1645 : vector<1x16xf32> to vector<16xf32>
        %swap3A_1647 = vector.shape_cast %mul3A_1640 : vector<16xf32> to vector<1x16xf32>
        tpu.vector_store %arg10[%swap3A_1643, %swap3A_1644], %swap3A_1647 {strides = array<i32>} : memref<128x128xf32, #tpu.memory_space<vmem>>, vector<1x16xf32>,
        %add3A_1648 = arith.constant 13 : i32
        %add3A_1649 = arith.addi %multiple_of3A_93, %add3A_1648 : i32
        %get3A_1650 = arith.index_cast %add3A_1649 : i32 to index
        %get3A_1651 = arith.constant 80 : index
        %get3A_1652 = tpu.vector_load %arg10[%get3A_1650, %get3A_1651] {strides = array<i32>} : memref<128x128xf32, #tpu.memory_space<vmem>>, vector<1x16xf32>,
        %get3A_1653 = vector.shape_cast %get3A_1652 : vector<1x16xf32> to vector<16xf32>
        %mul3A_1654 = arith.mulf %get3A_1653, %gather3A_1577 : vector<16xf32>
        %add3A_1655 = arith.constant 13 : i32
        %add3A_1656 = arith.addi %multiple_of3A_93, %add3A_1655 : i32
        %swap3A_1657 = arith.index_cast %add3A_1656 : i32 to index
        %swap3A_1658 = arith.constant 80 : index
        %swap3A_1659 = tpu.vector_load %arg10[%swap3A_1657, %swap3A_1658] {strides = array<i32>} : memref<128x128xf32, #tpu.memory_space<vmem>>, vector<1x16xf32>,
        %swap3A_1660 = vector.shape_cast %swap3A_1659 : vector<1x16xf32> to vector<16xf32>
        %swap3A_1661 = vector.shape_cast %mul3A_1654 : vector<16xf32> to vector<1x16xf32>
        tpu.vector_store %arg10[%swap3A_1657, %swap3A_1658], %swap3A_1661 {strides = array<i32>} : memref<128x128xf32, #tpu.memory_space<vmem>>, vector<1x16xf32>,
        %add3A_1662 = arith.constant 13 : i32
        %add3A_1663 = arith.addi %multiple_of3A_93, %add3A_1662 : i32
        %get3A_1664 = arith.index_cast %add3A_1663 : i32 to index
        %get3A_1665 = arith.constant 96 : index
        %get3A_1666 = tpu.vector_load %arg10[%get3A_1664, %get3A_1665] {strides = array<i32>} : memref<128x128xf32, #tpu.memory_space<vmem>>, vector<1x16xf32>,
        %get3A_1667 = vector.shape_cast %get3A_1666 : vector<1x16xf32> to vector<16xf32>
        %mul3A_1668 = arith.mulf %get3A_1667, %gather3A_1577 : vector<16xf32>
        %add3A_1669 = arith.constant 13 : i32
        %add3A_1670 = arith.addi %multiple_of3A_93, %add3A_1669 : i32
        %swap3A_1671 = arith.index_cast %add3A_1670 : i32 to index
        %swap3A_1672 = arith.constant 96 : index
        %swap3A_1673 = tpu.vector_load %arg10[%swap3A_1671, %swap3A_1672] {strides = array<i32>} : memref<128x128xf32, #tpu.memory_space<vmem>>, vector<1x16xf32>,
        %swap3A_1674 = vector.shape_cast %swap3A_1673 : vector<1x16xf32> to vector<16xf32>
        %swap3A_1675 = vector.shape_cast %mul3A_1668 : vector<16xf32> to vector<1x16xf32>
        tpu.vector_store %arg10[%swap3A_1671, %swap3A_1672], %swap3A_1675 {strides = array<i32>} : memref<128x128xf32, #tpu.memory_space<vmem>>, vector<1x16xf32>,
        %add3A_1676 = arith.constant 13 : i32
        %add3A_1677 = arith.addi %multiple_of3A_93, %add3A_1676 : i32
        %get3A_1678 = arith.index_cast %add3A_1677 : i32 to index
        %get3A_1679 = arith.constant 112 : index
        %get3A_1680 = tpu.vector_load %arg10[%get3A_1678, %get3A_1679] {strides = array<i32>} : memref<128x128xf32, #tpu.memory_space<vmem>>, vector<1x16xf32>,
        %get3A_1681 = vector.shape_cast %get3A_1680 : vector<1x16xf32> to vector<16xf32>
        %mul3A_1682 = arith.mulf %get3A_1681, %gather3A_1577 : vector<16xf32>
        %add3A_1683 = arith.constant 13 : i32
        %add3A_1684 = arith.addi %multiple_of3A_93, %add3A_1683 : i32
        %swap3A_1685 = arith.index_cast %add3A_1684 : i32 to index
        %swap3A_1686 = arith.constant 112 : index
        %swap3A_1687 = tpu.vector_load %arg10[%swap3A_1685, %swap3A_1686] {strides = array<i32>} : memref<128x128xf32, #tpu.memory_space<vmem>>, vector<1x16xf32>,
        %swap3A_1688 = vector.shape_cast %swap3A_1687 : vector<1x16xf32> to vector<16xf32>
        %swap3A_1689 = vector.shape_cast %mul3A_1682 : vector<16xf32> to vector<1x16xf32>
        tpu.vector_store %arg10[%swap3A_1685, %swap3A_1686], %swap3A_1689 {strides = array<i32>} : memref<128x128xf32, #tpu.memory_space<vmem>>, vector<1x16xf32>,
        %gather3A_1690 = vector.shape_cast %broadcast_in_dim3A_51 : vector<16x1xi32> to vector<16xi32>
        %gather3A_1691 = tpu.dynamic_gather %get3A_95[%gather3A_1690] in [0] : vector<16xf32>, vector<16xi32> -> vector<16xf32>
        %add3A_1692 = arith.constant 14 : i32
        %add3A_1693 = arith.addi %multiple_of3A_93, %add3A_1692 : i32
        %get3A_1694 = arith.index_cast %add3A_1693 : i32 to index
        %get3A_1695 = arith.constant 0 : index
        %get3A_1696 = tpu.vector_load %arg10[%get3A_1694, %get3A_1695] {strides = array<i32>} : memref<128x128xf32, #tpu.memory_space<vmem>>, vector<1x16xf32>,
        %get3A_1697 = vector.shape_cast %get3A_1696 : vector<1x16xf32> to vector<16xf32>
        %mul3A_1698 = arith.mulf %get3A_1697, %gather3A_1691 : vector<16xf32>
        %add3A_1699 = arith.constant 14 : i32
        %add3A_1700 = arith.addi %multiple_of3A_93, %add3A_1699 : i32
        %swap3A_1701 = arith.index_cast %add3A_1700 : i32 to index
        %swap3A_1702 = arith.constant 0 : index
        %swap3A_1703 = tpu.vector_load %arg10[%swap3A_1701, %swap3A_1702] {strides = array<i32>} : memref<128x128xf32, #tpu.memory_space<vmem>>, vector<1x16xf32>,
        %swap3A_1704 = vector.shape_cast %swap3A_1703 : vector<1x16xf32> to vector<16xf32>
        %swap3A_1705 = vector.shape_cast %mul3A_1698 : vector<16xf32> to vector<1x16xf32>
        tpu.vector_store %arg10[%swap3A_1701, %swap3A_1702], %swap3A_1705 {strides = array<i32>} : memref<128x128xf32, #tpu.memory_space<vmem>>, vector<1x16xf32>,
        %add3A_1706 = arith.constant 14 : i32
        %add3A_1707 = arith.addi %multiple_of3A_93, %add3A_1706 : i32
        %get3A_1708 = arith.index_cast %add3A_1707 : i32 to index
        %get3A_1709 = arith.constant 16 : index
        %get3A_1710 = tpu.vector_load %arg10[%get3A_1708, %get3A_1709] {strides = array<i32>} : memref<128x128xf32, #tpu.memory_space<vmem>>, vector<1x16xf32>,
        %get3A_1711 = vector.shape_cast %get3A_1710 : vector<1x16xf32> to vector<16xf32>
        %mul3A_1712 = arith.mulf %get3A_1711, %gather3A_1691 : vector<16xf32>
        %add3A_1713 = arith.constant 14 : i32
        %add3A_1714 = arith.addi %multiple_of3A_93, %add3A_1713 : i32
        %swap3A_1715 = arith.index_cast %add3A_1714 : i32 to index
        %swap3A_1716 = arith.constant 16 : index
        %swap3A_1717 = tpu.vector_load %arg10[%swap3A_1715, %swap3A_1716] {strides = array<i32>} : memref<128x128xf32, #tpu.memory_space<vmem>>, vector<1x16xf32>,
        %swap3A_1718 = vector.shape_cast %swap3A_1717 : vector<1x16xf32> to vector<16xf32>
        %swap3A_1719 = vector.shape_cast %mul3A_1712 : vector<16xf32> to vector<1x16xf32>
        tpu.vector_store %arg10[%swap3A_1715, %swap3A_1716], %swap3A_1719 {strides = array<i32>} : memref<128x128xf32, #tpu.memory_space<vmem>>, vector<1x16xf32>,
        %add3A_1720 = arith.constant 14 : i32
        %add3A_1721 = arith.addi %multiple_of3A_93, %add3A_1720 : i32
        %get3A_1722 = arith.index_cast %add3A_1721 : i32 to index
        %get3A_1723 = arith.constant 32 : index
        %get3A_1724 = tpu.vector_load %arg10[%get3A_1722, %get3A_1723] {strides = array<i32>} : memref<128x128xf32, #tpu.memory_space<vmem>>, vector<1x16xf32>,
        %get3A_1725 = vector.shape_cast %get3A_1724 : vector<1x16xf32> to vector<16xf32>
        %mul3A_1726 = arith.mulf %get3A_1725, %gather3A_1691 : vector<16xf32>
        %add3A_1727 = arith.constant 14 : i32
        %add3A_1728 = arith.addi %multiple_of3A_93, %add3A_1727 : i32
        %swap3A_1729 = arith.index_cast %add3A_1728 : i32 to index
        %swap3A_1730 = arith.constant 32 : index
        %swap3A_1731 = tpu.vector_load %arg10[%swap3A_1729, %swap3A_1730] {strides = array<i32>} : memref<128x128xf32, #tpu.memory_space<vmem>>, vector<1x16xf32>,
        %swap3A_1732 = vector.shape_cast %swap3A_1731 : vector<1x16xf32> to vector<16xf32>
        %swap3A_1733 = vector.shape_cast %mul3A_1726 : vector<16xf32> to vector<1x16xf32>
        tpu.vector_store %arg10[%swap3A_1729, %swap3A_1730], %swap3A_1733 {strides = array<i32>} : memref<128x128xf32, #tpu.memory_space<vmem>>, vector<1x16xf32>,
        %add3A_1734 = arith.constant 14 : i32
        %add3A_1735 = arith.addi %multiple_of3A_93, %add3A_1734 : i32
        %get3A_1736 = arith.index_cast %add3A_1735 : i32 to index
        %get3A_1737 = arith.constant 48 : index
        %get3A_1738 = tpu.vector_load %arg10[%get3A_1736, %get3A_1737] {strides = array<i32>} : memref<128x128xf32, #tpu.memory_space<vmem>>, vector<1x16xf32>,
        %get3A_1739 = vector.shape_cast %get3A_1738 : vector<1x16xf32> to vector<16xf32>
        %mul3A_1740 = arith.mulf %get3A_1739, %gather3A_1691 : vector<16xf32>
        %add3A_1741 = arith.constant 14 : i32
        %add3A_1742 = arith.addi %multiple_of3A_93, %add3A_1741 : i32
        %swap3A_1743 = arith.index_cast %add3A_1742 : i32 to index
        %swap3A_1744 = arith.constant 48 : index
        %swap3A_1745 = tpu.vector_load %arg10[%swap3A_1743, %swap3A_1744] {strides = array<i32>} : memref<128x128xf32, #tpu.memory_space<vmem>>, vector<1x16xf32>,
        %swap3A_1746 = vector.shape_cast %swap3A_1745 : vector<1x16xf32> to vector<16xf32>
        %swap3A_1747 = vector.shape_cast %mul3A_1740 : vector<16xf32> to vector<1x16xf32>
        tpu.vector_store %arg10[%swap3A_1743, %swap3A_1744], %swap3A_1747 {strides = array<i32>} : memref<128x128xf32, #tpu.memory_space<vmem>>, vector<1x16xf32>,
        %add3A_1748 = arith.constant 14 : i32
        %add3A_1749 = arith.addi %multiple_of3A_93, %add3A_1748 : i32
        %get3A_1750 = arith.index_cast %add3A_1749 : i32 to index
        %get3A_1751 = arith.constant 64 : index
        %get3A_1752 = tpu.vector_load %arg10[%get3A_1750, %get3A_1751] {strides = array<i32>} : memref<128x128xf32, #tpu.memory_space<vmem>>, vector<1x16xf32>,
        %get3A_1753 = vector.shape_cast %get3A_1752 : vector<1x16xf32> to vector<16xf32>
        %mul3A_1754 = arith.mulf %get3A_1753, %gather3A_1691 : vector<16xf32>
        %add3A_1755 = arith.constant 14 : i32
        %add3A_1756 = arith.addi %multiple_of3A_93, %add3A_1755 : i32
        %swap3A_1757 = arith.index_cast %add3A_1756 : i32 to index
        %swap3A_1758 = arith.constant 64 : index
        %swap3A_1759 = tpu.vector_load %arg10[%swap3A_1757, %swap3A_1758] {strides = array<i32>} : memref<128x128xf32, #tpu.memory_space<vmem>>, vector<1x16xf32>,
        %swap3A_1760 = vector.shape_cast %swap3A_1759 : vector<1x16xf32> to vector<16xf32>
        %swap3A_1761 = vector.shape_cast %mul3A_1754 : vector<16xf32> to vector<1x16xf32>
        tpu.vector_store %arg10[%swap3A_1757, %swap3A_1758], %swap3A_1761 {strides = array<i32>} : memref<128x128xf32, #tpu.memory_space<vmem>>, vector<1x16xf32>,
        %add3A_1762 = arith.constant 14 : i32
        %add3A_1763 = arith.addi %multiple_of3A_93, %add3A_1762 : i32
        %get3A_1764 = arith.index_cast %add3A_1763 : i32 to index
        %get3A_1765 = arith.constant 80 : index
        %get3A_1766 = tpu.vector_load %arg10[%get3A_1764, %get3A_1765] {strides = array<i32>} : memref<128x128xf32, #tpu.memory_space<vmem>>, vector<1x16xf32>,
        %get3A_1767 = vector.shape_cast %get3A_1766 : vector<1x16xf32> to vector<16xf32>
        %mul3A_1768 = arith.mulf %get3A_1767, %gather3A_1691 : vector<16xf32>
        %add3A_1769 = arith.constant 14 : i32
        %add3A_1770 = arith.addi %multiple_of3A_93, %add3A_1769 : i32
        %swap3A_1771 = arith.index_cast %add3A_1770 : i32 to index
        %swap3A_1772 = arith.constant 80 : index
        %swap3A_1773 = tpu.vector_load %arg10[%swap3A_1771, %swap3A_1772] {strides = array<i32>} : memref<128x128xf32, #tpu.memory_space<vmem>>, vector<1x16xf32>,
        %swap3A_1774 = vector.shape_cast %swap3A_1773 : vector<1x16xf32> to vector<16xf32>
        %swap3A_1775 = vector.shape_cast %mul3A_1768 : vector<16xf32> to vector<1x16xf32>
        tpu.vector_store %arg10[%swap3A_1771, %swap3A_1772], %swap3A_1775 {strides = array<i32>} : memref<128x128xf32, #tpu.memory_space<vmem>>, vector<1x16xf32>,
        %add3A_1776 = arith.constant 14 : i32
        %add3A_1777 = arith.addi %multiple_of3A_93, %add3A_1776 : i32
        %get3A_1778 = arith.index_cast %add3A_1777 : i32 to index
        %get3A_1779 = arith.constant 96 : index
        %get3A_1780 = tpu.vector_load %arg10[%get3A_1778, %get3A_1779] {strides = array<i32>} : memref<128x128xf32, #tpu.memory_space<vmem>>, vector<1x16xf32>,
        %get3A_1781 = vector.shape_cast %get3A_1780 : vector<1x16xf32> to vector<16xf32>
        %mul3A_1782 = arith.mulf %get3A_1781, %gather3A_1691 : vector<16xf32>
        %add3A_1783 = arith.constant 14 : i32
        %add3A_1784 = arith.addi %multiple_of3A_93, %add3A_1783 : i32
        %swap3A_1785 = arith.index_cast %add3A_1784 : i32 to index
        %swap3A_1786 = arith.constant 96 : index
        %swap3A_1787 = tpu.vector_load %arg10[%swap3A_1785, %swap3A_1786] {strides = array<i32>} : memref<128x128xf32, #tpu.memory_space<vmem>>, vector<1x16xf32>,
        %swap3A_1788 = vector.shape_cast %swap3A_1787 : vector<1x16xf32> to vector<16xf32>
        %swap3A_1789 = vector.shape_cast %mul3A_1782 : vector<16xf32> to vector<1x16xf32>
        tpu.vector_store %arg10[%swap3A_1785, %swap3A_1786], %swap3A_1789 {strides = array<i32>} : memref<128x128xf32, #tpu.memory_space<vmem>>, vector<1x16xf32>,
        %add3A_1790 = arith.constant 14 : i32
        %add3A_1791 = arith.addi %multiple_of3A_93, %add3A_1790 : i32
        %get3A_1792 = arith.index_cast %add3A_1791 : i32 to index
        %get3A_1793 = arith.constant 112 : index
        %get3A_1794 = tpu.vector_load %arg10[%get3A_1792, %get3A_1793] {strides = array<i32>} : memref<128x128xf32, #tpu.memory_space<vmem>>, vector<1x16xf32>,
        %get3A_1795 = vector.shape_cast %get3A_1794 : vector<1x16xf32> to vector<16xf32>
        %mul3A_1796 = arith.mulf %get3A_1795, %gather3A_1691 : vector<16xf32>
        %add3A_1797 = arith.constant 14 : i32
        %add3A_1798 = arith.addi %multiple_of3A_93, %add3A_1797 : i32
        %swap3A_1799 = arith.index_cast %add3A_1798 : i32 to index
        %swap3A_1800 = arith.constant 112 : index
        %swap3A_1801 = tpu.vector_load %arg10[%swap3A_1799, %swap3A_1800] {strides = array<i32>} : memref<128x128xf32, #tpu.memory_space<vmem>>, vector<1x16xf32>,
        %swap3A_1802 = vector.shape_cast %swap3A_1801 : vector<1x16xf32> to vector<16xf32>
        %swap3A_1803 = vector.shape_cast %mul3A_1796 : vector<16xf32> to vector<1x16xf32>
        tpu.vector_store %arg10[%swap3A_1799, %swap3A_1800], %swap3A_1803 {strides = array<i32>} : memref<128x128xf32, #tpu.memory_space<vmem>>, vector<1x16xf32>,
        %gather3A_1804 = vector.shape_cast %broadcast_in_dim3A_53 : vector<16x1xi32> to vector<16xi32>
        %gather3A_1805 = tpu.dynamic_gather %get3A_95[%gather3A_1804] in [0] : vector<16xf32>, vector<16xi32> -> vector<16xf32>
        %add3A_1806 = arith.constant 15 : i32
        %add3A_1807 = arith.addi %multiple_of3A_93, %add3A_1806 : i32
        %get3A_1808 = arith.index_cast %add3A_1807 : i32 to index
        %get3A_1809 = arith.constant 0 : index
        %get3A_1810 = tpu.vector_load %arg10[%get3A_1808, %get3A_1809] {strides = array<i32>} : memref<128x128xf32, #tpu.memory_space<vmem>>, vector<1x16xf32>,
        %get3A_1811 = vector.shape_cast %get3A_1810 : vector<1x16xf32> to vector<16xf32>
        %mul3A_1812 = arith.mulf %get3A_1811, %gather3A_1805 : vector<16xf32>
        %add3A_1813 = arith.constant 15 : i32
        %add3A_1814 = arith.addi %multiple_of3A_93, %add3A_1813 : i32
        %swap3A_1815 = arith.index_cast %add3A_1814 : i32 to index
        %swap3A_1816 = arith.constant 0 : index
        %swap3A_1817 = tpu.vector_load %arg10[%swap3A_1815, %swap3A_1816] {strides = array<i32>} : memref<128x128xf32, #tpu.memory_space<vmem>>, vector<1x16xf32>,
        %swap3A_1818 = vector.shape_cast %swap3A_1817 : vector<1x16xf32> to vector<16xf32>
        %swap3A_1819 = vector.shape_cast %mul3A_1812 : vector<16xf32> to vector<1x16xf32>
        tpu.vector_store %arg10[%swap3A_1815, %swap3A_1816], %swap3A_1819 {strides = array<i32>} : memref<128x128xf32, #tpu.memory_space<vmem>>, vector<1x16xf32>,
        %add3A_1820 = arith.constant 15 : i32
        %add3A_1821 = arith.addi %multiple_of3A_93, %add3A_1820 : i32
        %get3A_1822 = arith.index_cast %add3A_1821 : i32 to index
        %get3A_1823 = arith.constant 16 : index
        %get3A_1824 = tpu.vector_load %arg10[%get3A_1822, %get3A_1823] {strides = array<i32>} : memref<128x128xf32, #tpu.memory_space<vmem>>, vector<1x16xf32>,
        %get3A_1825 = vector.shape_cast %get3A_1824 : vector<1x16xf32> to vector<16xf32>
        %mul3A_1826 = arith.mulf %get3A_1825, %gather3A_1805 : vector<16xf32>
        %add3A_1827 = arith.constant 15 : i32
        %add3A_1828 = arith.addi %multiple_of3A_93, %add3A_1827 : i32
        %swap3A_1829 = arith.index_cast %add3A_1828 : i32 to index
        %swap3A_1830 = arith.constant 16 : index
        %swap3A_1831 = tpu.vector_load %arg10[%swap3A_1829, %swap3A_1830] {strides = array<i32>} : memref<128x128xf32, #tpu.memory_space<vmem>>, vector<1x16xf32>,
        %swap3A_1832 = vector.shape_cast %swap3A_1831 : vector<1x16xf32> to vector<16xf32>
        %swap3A_1833 = vector.shape_cast %mul3A_1826 : vector<16xf32> to vector<1x16xf32>
        tpu.vector_store %arg10[%swap3A_1829, %swap3A_1830], %swap3A_1833 {strides = array<i32>} : memref<128x128xf32, #tpu.memory_space<vmem>>, vector<1x16xf32>,
        %add3A_1834 = arith.constant 15 : i32
        %add3A_1835 = arith.addi %multiple_of3A_93, %add3A_1834 : i32
        %get3A_1836 = arith.index_cast %add3A_1835 : i32 to index
        %get3A_1837 = arith.constant 32 : index
        %get3A_1838 = tpu.vector_load %arg10[%get3A_1836, %get3A_1837] {strides = array<i32>} : memref<128x128xf32, #tpu.memory_space<vmem>>, vector<1x16xf32>,
        %get3A_1839 = vector.shape_cast %get3A_1838 : vector<1x16xf32> to vector<16xf32>
        %mul3A_1840 = arith.mulf %get3A_1839, %gather3A_1805 : vector<16xf32>
        %add3A_1841 = arith.constant 15 : i32
        %add3A_1842 = arith.addi %multiple_of3A_93, %add3A_1841 : i32
        %swap3A_1843 = arith.index_cast %add3A_1842 : i32 to index
        %swap3A_1844 = arith.constant 32 : index
        %swap3A_1845 = tpu.vector_load %arg10[%swap3A_1843, %swap3A_1844] {strides = array<i32>} : memref<128x128xf32, #tpu.memory_space<vmem>>, vector<1x16xf32>,
        %swap3A_1846 = vector.shape_cast %swap3A_1845 : vector<1x16xf32> to vector<16xf32>
        %swap3A_1847 = vector.shape_cast %mul3A_1840 : vector<16xf32> to vector<1x16xf32>
        tpu.vector_store %arg10[%swap3A_1843, %swap3A_1844], %swap3A_1847 {strides = array<i32>} : memref<128x128xf32, #tpu.memory_space<vmem>>, vector<1x16xf32>,
        %add3A_1848 = arith.constant 15 : i32
        %add3A_1849 = arith.addi %multiple_of3A_93, %add3A_1848 : i32
        %get3A_1850 = arith.index_cast %add3A_1849 : i32 to index
        %get3A_1851 = arith.constant 48 : index
        %get3A_1852 = tpu.vector_load %arg10[%get3A_1850, %get3A_1851] {strides = array<i32>} : memref<128x128xf32, #tpu.memory_space<vmem>>, vector<1x16xf32>,
        %get3A_1853 = vector.shape_cast %get3A_1852 : vector<1x16xf32> to vector<16xf32>
        %mul3A_1854 = arith.mulf %get3A_1853, %gather3A_1805 : vector<16xf32>
        %add3A_1855 = arith.constant 15 : i32
        %add3A_1856 = arith.addi %multiple_of3A_93, %add3A_1855 : i32
        %swap3A_1857 = arith.index_cast %add3A_1856 : i32 to index
        %swap3A_1858 = arith.constant 48 : index
        %swap3A_1859 = tpu.vector_load %arg10[%swap3A_1857, %swap3A_1858] {strides = array<i32>} : memref<128x128xf32, #tpu.memory_space<vmem>>, vector<1x16xf32>,
        %swap3A_1860 = vector.shape_cast %swap3A_1859 : vector<1x16xf32> to vector<16xf32>
        %swap3A_1861 = vector.shape_cast %mul3A_1854 : vector<16xf32> to vector<1x16xf32>
        tpu.vector_store %arg10[%swap3A_1857, %swap3A_1858], %swap3A_1861 {strides = array<i32>} : memref<128x128xf32, #tpu.memory_space<vmem>>, vector<1x16xf32>,
        %add3A_1862 = arith.constant 15 : i32
        %add3A_1863 = arith.addi %multiple_of3A_93, %add3A_1862 : i32
        %get3A_1864 = arith.index_cast %add3A_1863 : i32 to index
        %get3A_1865 = arith.constant 64 : index
        %get3A_1866 = tpu.vector_load %arg10[%get3A_1864, %get3A_1865] {strides = array<i32>} : memref<128x128xf32, #tpu.memory_space<vmem>>, vector<1x16xf32>,
        %get3A_1867 = vector.shape_cast %get3A_1866 : vector<1x16xf32> to vector<16xf32>
        %mul3A_1868 = arith.mulf %get3A_1867, %gather3A_1805 : vector<16xf32>
        %add3A_1869 = arith.constant 15 : i32
        %add3A_1870 = arith.addi %multiple_of3A_93, %add3A_1869 : i32
        %swap3A_1871 = arith.index_cast %add3A_1870 : i32 to index
        %swap3A_1872 = arith.constant 64 : index
        %swap3A_1873 = tpu.vector_load %arg10[%swap3A_1871, %swap3A_1872] {strides = array<i32>} : memref<128x128xf32, #tpu.memory_space<vmem>>, vector<1x16xf32>,
        %swap3A_1874 = vector.shape_cast %swap3A_1873 : vector<1x16xf32> to vector<16xf32>
        %swap3A_1875 = vector.shape_cast %mul3A_1868 : vector<16xf32> to vector<1x16xf32>
        tpu.vector_store %arg10[%swap3A_1871, %swap3A_1872], %swap3A_1875 {strides = array<i32>} : memref<128x128xf32, #tpu.memory_space<vmem>>, vector<1x16xf32>,
        %add3A_1876 = arith.constant 15 : i32
        %add3A_1877 = arith.addi %multiple_of3A_93, %add3A_1876 : i32
        %get3A_1878 = arith.index_cast %add3A_1877 : i32 to index
        %get3A_1879 = arith.constant 80 : index
        %get3A_1880 = tpu.vector_load %arg10[%get3A_1878, %get3A_1879] {strides = array<i32>} : memref<128x128xf32, #tpu.memory_space<vmem>>, vector<1x16xf32>,
        %get3A_1881 = vector.shape_cast %get3A_1880 : vector<1x16xf32> to vector<16xf32>
        %mul3A_1882 = arith.mulf %get3A_1881, %gather3A_1805 : vector<16xf32>
        %add3A_1883 = arith.constant 15 : i32
        %add3A_1884 = arith.addi %multiple_of3A_93, %add3A_1883 : i32
        %swap3A_1885 = arith.index_cast %add3A_1884 : i32 to index
        %swap3A_1886 = arith.constant 80 : index
        %swap3A_1887 = tpu.vector_load %arg10[%swap3A_1885, %swap3A_1886] {strides = array<i32>} : memref<128x128xf32, #tpu.memory_space<vmem>>, vector<1x16xf32>,
        %swap3A_1888 = vector.shape_cast %swap3A_1887 : vector<1x16xf32> to vector<16xf32>
        %swap3A_1889 = vector.shape_cast %mul3A_1882 : vector<16xf32> to vector<1x16xf32>
        tpu.vector_store %arg10[%swap3A_1885, %swap3A_1886], %swap3A_1889 {strides = array<i32>} : memref<128x128xf32, #tpu.memory_space<vmem>>, vector<1x16xf32>,
        %add3A_1890 = arith.constant 15 : i32
        %add3A_1891 = arith.addi %multiple_of3A_93, %add3A_1890 : i32
        %get3A_1892 = arith.index_cast %add3A_1891 : i32 to index
        %get3A_1893 = arith.constant 96 : index
        %get3A_1894 = tpu.vector_load %arg10[%get3A_1892, %get3A_1893] {strides = array<i32>} : memref<128x128xf32, #tpu.memory_space<vmem>>, vector<1x16xf32>,
        %get3A_1895 = vector.shape_cast %get3A_1894 : vector<1x16xf32> to vector<16xf32>
        %mul3A_1896 = arith.mulf %get3A_1895, %gather3A_1805 : vector<16xf32>
        %add3A_1897 = arith.constant 15 : i32
        %add3A_1898 = arith.addi %multiple_of3A_93, %add3A_1897 : i32
        %swap3A_1899 = arith.index_cast %add3A_1898 : i32 to index
        %swap3A_1900 = arith.constant 96 : index
        %swap3A_1901 = tpu.vector_load %arg10[%swap3A_1899, %swap3A_1900] {strides = array<i32>} : memref<128x128xf32, #tpu.memory_space<vmem>>, vector<1x16xf32>,
        %swap3A_1902 = vector.shape_cast %swap3A_1901 : vector<1x16xf32> to vector<16xf32>
        %swap3A_1903 = vector.shape_cast %mul3A_1896 : vector<16xf32> to vector<1x16xf32>
        tpu.vector_store %arg10[%swap3A_1899, %swap3A_1900], %swap3A_1903 {strides = array<i32>} : memref<128x128xf32, #tpu.memory_space<vmem>>, vector<1x16xf32>,
        %add3A_1904 = arith.constant 15 : i32
        %add3A_1905 = arith.addi %multiple_of3A_93, %add3A_1904 : i32
        %get3A_1906 = arith.index_cast %add3A_1905 : i32 to index
        %get3A_1907 = arith.constant 112 : index
        %get3A_1908 = tpu.vector_load %arg10[%get3A_1906, %get3A_1907] {strides = array<i32>} : memref<128x128xf32, #tpu.memory_space<vmem>>, vector<1x16xf32>,
        %get3A_1909 = vector.shape_cast %get3A_1908 : vector<1x16xf32> to vector<16xf32>
        %mul3A_1910 = arith.mulf %get3A_1909, %gather3A_1805 : vector<16xf32>
        %add3A_1911 = arith.constant 15 : i32
        %add3A_1912 = arith.addi %multiple_of3A_93, %add3A_1911 : i32
        %swap3A_1913 = arith.index_cast %add3A_1912 : i32 to index
        %swap3A_1914 = arith.constant 112 : index
        %swap3A_1915 = tpu.vector_load %arg10[%swap3A_1913, %swap3A_1914] {strides = array<i32>} : memref<128x128xf32, #tpu.memory_space<vmem>>, vector<1x16xf32>,
        %swap3A_1916 = vector.shape_cast %swap3A_1915 : vector<1x16xf32> to vector<16xf32>
        %swap3A_1917 = vector.shape_cast %mul3A_1910 : vector<16xf32> to vector<1x16xf32>
        tpu.vector_store %arg10[%swap3A_1913, %swap3A_1914], %swap3A_1917 {strides = array<i32>} : memref<128x128xf32, #tpu.memory_space<vmem>>, vector<1x16xf32>,
        %scan3A_1918 = arith.constant 0 : i32
        scf.yield %scan3A_1918 : i32
      }
      %scan3A_87 = arith.constant 8 : i32
      "tpu.region"() ({
        %run_scoped3A = tpu.sem_alloc : memref<!tpu.dma_semaphore, #tpu.memory_space<semaphore_mem>>
        %dma_start3A_89 = arith.constant 0 : i32
        %dma_start3A_90 = arith.constant 0 : i32
        %dma_start3A_91 = tpu.memref_slice %arg12[%dma_start3A_89, %dma_start3A_90] : memref<10240x128xf32, #tpu.memory_space<vmem_shared>> -> memref<10240x128xf32, #tpu.memory_space<vmem_shared>>
        tpu.enqueue_indirect_dma source(%arg10 : memref<128x128xf32, #tpu.memory_space<vmem>>) target(%dma_start3A_91 : memref<10240x128xf32, #tpu.memory_space<vmem_shared>>) offsets(%arg8 : memref<128xi32, #tpu.memory_space<vmem>>) semaphore(%run_scoped3A : memref<!tpu.dma_semaphore, #tpu.memory_space<semaphore_mem>>) {add = true}
        %dma_wait3A_92 = arith.constant 0 : i32
        %dma_wait3A_93 = arith.constant 0 : i32
        %dma_wait3A_94 = tpu.memref_slice %arg12[%dma_wait3A_92, %dma_wait3A_93] : memref<10240x128xf32, #tpu.memory_space<vmem_shared>> -> memref<10240x128xf32, #tpu.memory_space<vmem_shared>>
        tpu.wait_indirect_dma semaphore(%run_scoped3A : memref<!tpu.dma_semaphore, #tpu.memory_space<semaphore_mem>>) src(%arg10 : memref<128x128xf32, #tpu.memory_space<vmem>>) dst(%dma_wait3A_94 : memref<10240x128xf32, #tpu.memory_space<vmem_shared>>)
        tpu.yield
      }) : () -> ()
      %scan3A_88 = arith.constant 0 : i32
      scf.yield %scan3A_88 : i32
    }
    %scan3A_60 = arith.constant 80 : i32
    %barrier3A_61 = arith.constant 0 : index
    tpu.barrier barrier_id(%barrier3A_61)
    %add3A_62 = arith.constant 0 : i32
    %add3A_63 = arith.addi %mul3A_9, %add3A_62 : i32
    "tpu.region"() ({
      %run_scoped3A = tpu.sem_alloc : memref<!tpu.dma_semaphore, #tpu.memory_space<semaphore_mem>>
      %dma_start3A = arith.constant 0 : i32
      %dma_start3A_72 = tpu.memref_slice %arg12[%add3A_63, %dma_start3A] : memref<10240x128xf32, #tpu.memory_space<vmem_shared>> -> memref<128x128xf32, #tpu.memory_space<vmem_shared>>
      %dma_start3A_73 = arith.constant 0 : i32
      %dma_start3A_74 = tpu.memref_slice %arg12[%add3A_63, %dma_start3A_73] : memref<10240x128xf32, #tpu.memory_space<vmem_shared>> -> memref<128x128xf32, #tpu.memory_space<vmem_shared>>
      tpu.enqueue_dma source(%dma_start3A_74 : memref<128x128xf32, #tpu.memory_space<vmem_shared>>) target(%arg11 : memref<128x128xf32, #tpu.memory_space<vmem>>) target_semaphore(%run_scoped3A : memref<!tpu.dma_semaphore, #tpu.memory_space<semaphore_mem>>)
      %dma_wait3A = arith.constant 0 : i32
      %dma_wait3A_75 = tpu.memref_slice %arg12[%add3A_63, %dma_wait3A] : memref<10240x128xf32, #tpu.memory_space<vmem_shared>> -> memref<128x128xf32, #tpu.memory_space<vmem_shared>>
      %dma_wait3A_76 = arith.constant 0 : i32
      %dma_wait3A_77 = tpu.memref_slice %arg12[%add3A_63, %dma_wait3A_76] : memref<10240x128xf32, #tpu.memory_space<vmem_shared>> -> memref<128x128xf32, #tpu.memory_space<vmem_shared>>
      tpu.wait_dma2 semaphore(%run_scoped3A : memref<!tpu.dma_semaphore, #tpu.memory_space<semaphore_mem>>) src(%dma_wait3A_77 : memref<128x128xf32, #tpu.memory_space<vmem_shared>>) dst(%arg11 : memref<128x128xf32, #tpu.memory_space<vmem>>)
      tpu.yield
    }) : () -> ()
    "tpu.region"() ({
      %run_scoped3A = tpu.sem_alloc : memref<!tpu.dma_semaphore, #tpu.memory_space<semaphore_mem>>
      %dma_start3A = arith.constant 0 : i32
      %dma_start3A_72 = tpu.memref_slice %arg6[%arg0, %add3A_63, %dma_start3A] : memref<2x10240x128xf32, #tpu.memory_space<hbm>> -> memref<1x128x128xf32, #tpu.memory_space<hbm>>
      %dma_start3A_73 = tpu.memref_squeeze %dma_start3A_72 : memref<1x128x128xf32, #tpu.memory_space<hbm>> -> memref<128x128xf32, #tpu.memory_space<hbm>>
      %dma_start3A_74 = arith.constant 0 : i32
      %dma_start3A_75 = tpu.memref_slice %arg6[%arg0, %add3A_63, %dma_start3A_74] : memref<2x10240x128xf32, #tpu.memory_space<hbm>> -> memref<1x128x128xf32, #tpu.memory_space<hbm>>
      %dma_start3A_76 = tpu.memref_squeeze %dma_start3A_75 : memref<1x128x128xf32, #tpu.memory_space<hbm>> -> memref<128x128xf32, #tpu.memory_space<hbm>>
      tpu.enqueue_dma source(%arg11 : memref<128x128xf32, #tpu.memory_space<vmem>>) target(%dma_start3A_76 : memref<128x128xf32, #tpu.memory_space<hbm>>) target_semaphore(%run_scoped3A : memref<!tpu.dma_semaphore, #tpu.memory_space<semaphore_mem>>)
      %dma_wait3A = arith.constant 0 : i32
      %dma_wait3A_77 = tpu.memref_slice %arg6[%arg0, %add3A_63, %dma_wait3A] : memref<2x10240x128xf32, #tpu.memory_space<hbm>> -> memref<1x128x128xf32, #tpu.memory_space<hbm>>
      %dma_wait3A_78 = tpu.memref_squeeze %dma_wait3A_77 : memref<1x128x128xf32, #tpu.memory_space<hbm>> -> memref<128x128xf32, #tpu.memory_space<hbm>>
      %dma_wait3A_79 = arith.constant 0 : i32
      %dma_wait3A_80 = tpu.memref_slice %arg6[%arg0, %add3A_63, %dma_wait3A_79] : memref<2x10240x128xf32, #tpu.memory_space<hbm>> -> memref<1x128x128xf32, #tpu.memory_space<hbm>>
      %dma_wait3A_81 = tpu.memref_squeeze %dma_wait3A_80 : memref<1x128x128xf32, #tpu.memory_space<hbm>> -> memref<128x128xf32, #tpu.memory_space<hbm>>
      tpu.wait_dma2 semaphore(%run_scoped3A : memref<!tpu.dma_semaphore, #tpu.memory_space<semaphore_mem>>) src(%arg11 : memref<128x128xf32, #tpu.memory_space<vmem>>) dst(%dma_wait3A_81 : memref<128x128xf32, #tpu.memory_space<hbm>>)
      tpu.yield
    }) : () -> ()
    %add3A_64 = arith.constant 128 : i32
    %add3A_65 = arith.addi %mul3A_9, %add3A_64 : i32
    "tpu.region"() ({
      %run_scoped3A = tpu.sem_alloc : memref<!tpu.dma_semaphore, #tpu.memory_space<semaphore_mem>>
      %dma_start3A = arith.constant 0 : i32
      %dma_start3A_72 = tpu.memref_slice %arg12[%add3A_65, %dma_start3A] : memref<10240x128xf32, #tpu.memory_space<vmem_shared>> -> memref<128x128xf32, #tpu.memory_space<vmem_shared>>
      %dma_start3A_73 = arith.constant 0 : i32
      %dma_start3A_74 = tpu.memref_slice %arg12[%add3A_65, %dma_start3A_73] : memref<10240x128xf32, #tpu.memory_space<vmem_shared>> -> memref<128x128xf32, #tpu.memory_space<vmem_shared>>
      tpu.enqueue_dma source(%dma_start3A_74 : memref<128x128xf32, #tpu.memory_space<vmem_shared>>) target(%arg11 : memref<128x128xf32, #tpu.memory_space<vmem>>) target_semaphore(%run_scoped3A : memref<!tpu.dma_semaphore, #tpu.memory_space<semaphore_mem>>)
      %dma_wait3A = arith.constant 0 : i32
      %dma_wait3A_75 = tpu.memref_slice %arg12[%add3A_65, %dma_wait3A] : memref<10240x128xf32, #tpu.memory_space<vmem_shared>> -> memref<128x128xf32, #tpu.memory_space<vmem_shared>>
      %dma_wait3A_76 = arith.constant 0 : i32
      %dma_wait3A_77 = tpu.memref_slice %arg12[%add3A_65, %dma_wait3A_76] : memref<10240x128xf32, #tpu.memory_space<vmem_shared>> -> memref<128x128xf32, #tpu.memory_space<vmem_shared>>
      tpu.wait_dma2 semaphore(%run_scoped3A : memref<!tpu.dma_semaphore, #tpu.memory_space<semaphore_mem>>) src(%dma_wait3A_77 : memref<128x128xf32, #tpu.memory_space<vmem_shared>>) dst(%arg11 : memref<128x128xf32, #tpu.memory_space<vmem>>)
      tpu.yield
    }) : () -> ()
    "tpu.region"() ({
      %run_scoped3A = tpu.sem_alloc : memref<!tpu.dma_semaphore, #tpu.memory_space<semaphore_mem>>
      %dma_start3A = arith.constant 0 : i32
      %dma_start3A_72 = tpu.memref_slice %arg6[%arg0, %add3A_65, %dma_start3A] : memref<2x10240x128xf32, #tpu.memory_space<hbm>> -> memref<1x128x128xf32, #tpu.memory_space<hbm>>
      %dma_start3A_73 = tpu.memref_squeeze %dma_start3A_72 : memref<1x128x128xf32, #tpu.memory_space<hbm>> -> memref<128x128xf32, #tpu.memory_space<hbm>>
      %dma_start3A_74 = arith.constant 0 : i32
      %dma_start3A_75 = tpu.memref_slice %arg6[%arg0, %add3A_65, %dma_start3A_74] : memref<2x10240x128xf32, #tpu.memory_space<hbm>> -> memref<1x128x128xf32, #tpu.memory_space<hbm>>
      %dma_start3A_76 = tpu.memref_squeeze %dma_start3A_75 : memref<1x128x128xf32, #tpu.memory_space<hbm>> -> memref<128x128xf32, #tpu.memory_space<hbm>>
      tpu.enqueue_dma source(%arg11 : memref<128x128xf32, #tpu.memory_space<vmem>>) target(%dma_start3A_76 : memref<128x128xf32, #tpu.memory_space<hbm>>) target_semaphore(%run_scoped3A : memref<!tpu.dma_semaphore, #tpu.memory_space<semaphore_mem>>)
      %dma_wait3A = arith.constant 0 : i32
      %dma_wait3A_77 = tpu.memref_slice %arg6[%arg0, %add3A_65, %dma_wait3A] : memref<2x10240x128xf32, #tpu.memory_space<hbm>> -> memref<1x128x128xf32, #tpu.memory_space<hbm>>
      %dma_wait3A_78 = tpu.memref_squeeze %dma_wait3A_77 : memref<1x128x128xf32, #tpu.memory_space<hbm>> -> memref<128x128xf32, #tpu.memory_space<hbm>>
      %dma_wait3A_79 = arith.constant 0 : i32
      %dma_wait3A_80 = tpu.memref_slice %arg6[%arg0, %add3A_65, %dma_wait3A_79] : memref<2x10240x128xf32, #tpu.memory_space<hbm>> -> memref<1x128x128xf32, #tpu.memory_space<hbm>>
      %dma_wait3A_81 = tpu.memref_squeeze %dma_wait3A_80 : memref<1x128x128xf32, #tpu.memory_space<hbm>> -> memref<128x128xf32, #tpu.memory_space<hbm>>
      tpu.wait_dma2 semaphore(%run_scoped3A : memref<!tpu.dma_semaphore, #tpu.memory_space<semaphore_mem>>) src(%arg11 : memref<128x128xf32, #tpu.memory_space<vmem>>) dst(%dma_wait3A_81 : memref<128x128xf32, #tpu.memory_space<hbm>>)
      tpu.yield
    }) : () -> ()
    %add3A_66 = arith.constant 256 : i32
    %add3A_67 = arith.addi %mul3A_9, %add3A_66 : i32
    "tpu.region"() ({
      %run_scoped3A = tpu.sem_alloc : memref<!tpu.dma_semaphore, #tpu.memory_space<semaphore_mem>>
      %dma_start3A = arith.constant 0 : i32
      %dma_start3A_72 = tpu.memref_slice %arg12[%add3A_67, %dma_start3A] : memref<10240x128xf32, #tpu.memory_space<vmem_shared>> -> memref<128x128xf32, #tpu.memory_space<vmem_shared>>
      %dma_start3A_73 = arith.constant 0 : i32
      %dma_start3A_74 = tpu.memref_slice %arg12[%add3A_67, %dma_start3A_73] : memref<10240x128xf32, #tpu.memory_space<vmem_shared>> -> memref<128x128xf32, #tpu.memory_space<vmem_shared>>
      tpu.enqueue_dma source(%dma_start3A_74 : memref<128x128xf32, #tpu.memory_space<vmem_shared>>) target(%arg11 : memref<128x128xf32, #tpu.memory_space<vmem>>) target_semaphore(%run_scoped3A : memref<!tpu.dma_semaphore, #tpu.memory_space<semaphore_mem>>)
      %dma_wait3A = arith.constant 0 : i32
      %dma_wait3A_75 = tpu.memref_slice %arg12[%add3A_67, %dma_wait3A] : memref<10240x128xf32, #tpu.memory_space<vmem_shared>> -> memref<128x128xf32, #tpu.memory_space<vmem_shared>>
      %dma_wait3A_76 = arith.constant 0 : i32
      %dma_wait3A_77 = tpu.memref_slice %arg12[%add3A_67, %dma_wait3A_76] : memref<10240x128xf32, #tpu.memory_space<vmem_shared>> -> memref<128x128xf32, #tpu.memory_space<vmem_shared>>
      tpu.wait_dma2 semaphore(%run_scoped3A : memref<!tpu.dma_semaphore, #tpu.memory_space<semaphore_mem>>) src(%dma_wait3A_77 : memref<128x128xf32, #tpu.memory_space<vmem_shared>>) dst(%arg11 : memref<128x128xf32, #tpu.memory_space<vmem>>)
      tpu.yield
    }) : () -> ()
    "tpu.region"() ({
      %run_scoped3A = tpu.sem_alloc : memref<!tpu.dma_semaphore, #tpu.memory_space<semaphore_mem>>
      %dma_start3A = arith.constant 0 : i32
      %dma_start3A_72 = tpu.memref_slice %arg6[%arg0, %add3A_67, %dma_start3A] : memref<2x10240x128xf32, #tpu.memory_space<hbm>> -> memref<1x128x128xf32, #tpu.memory_space<hbm>>
      %dma_start3A_73 = tpu.memref_squeeze %dma_start3A_72 : memref<1x128x128xf32, #tpu.memory_space<hbm>> -> memref<128x128xf32, #tpu.memory_space<hbm>>
      %dma_start3A_74 = arith.constant 0 : i32
      %dma_start3A_75 = tpu.memref_slice %arg6[%arg0, %add3A_67, %dma_start3A_74] : memref<2x10240x128xf32, #tpu.memory_space<hbm>> -> memref<1x128x128xf32, #tpu.memory_space<hbm>>
      %dma_start3A_76 = tpu.memref_squeeze %dma_start3A_75 : memref<1x128x128xf32, #tpu.memory_space<hbm>> -> memref<128x128xf32, #tpu.memory_space<hbm>>
      tpu.enqueue_dma source(%arg11 : memref<128x128xf32, #tpu.memory_space<vmem>>) target(%dma_start3A_76 : memref<128x128xf32, #tpu.memory_space<hbm>>) target_semaphore(%run_scoped3A : memref<!tpu.dma_semaphore, #tpu.memory_space<semaphore_mem>>)
      %dma_wait3A = arith.constant 0 : i32
      %dma_wait3A_77 = tpu.memref_slice %arg6[%arg0, %add3A_67, %dma_wait3A] : memref<2x10240x128xf32, #tpu.memory_space<hbm>> -> memref<1x128x128xf32, #tpu.memory_space<hbm>>
      %dma_wait3A_78 = tpu.memref_squeeze %dma_wait3A_77 : memref<1x128x128xf32, #tpu.memory_space<hbm>> -> memref<128x128xf32, #tpu.memory_space<hbm>>
      %dma_wait3A_79 = arith.constant 0 : i32
      %dma_wait3A_80 = tpu.memref_slice %arg6[%arg0, %add3A_67, %dma_wait3A_79] : memref<2x10240x128xf32, #tpu.memory_space<hbm>> -> memref<1x128x128xf32, #tpu.memory_space<hbm>>
      %dma_wait3A_81 = tpu.memref_squeeze %dma_wait3A_80 : memref<1x128x128xf32, #tpu.memory_space<hbm>> -> memref<128x128xf32, #tpu.memory_space<hbm>>
      tpu.wait_dma2 semaphore(%run_scoped3A : memref<!tpu.dma_semaphore, #tpu.memory_space<semaphore_mem>>) src(%arg11 : memref<128x128xf32, #tpu.memory_space<vmem>>) dst(%dma_wait3A_81 : memref<128x128xf32, #tpu.memory_space<hbm>>)
      tpu.yield
    }) : () -> ()
    %add3A_68 = arith.constant 384 : i32
    %add3A_69 = arith.addi %mul3A_9, %add3A_68 : i32
    "tpu.region"() ({
      %run_scoped3A = tpu.sem_alloc : memref<!tpu.dma_semaphore, #tpu.memory_space<semaphore_mem>>
      %dma_start3A = arith.constant 0 : i32
      %dma_start3A_72 = tpu.memref_slice %arg12[%add3A_69, %dma_start3A] : memref<10240x128xf32, #tpu.memory_space<vmem_shared>> -> memref<128x128xf32, #tpu.memory_space<vmem_shared>>
      %dma_start3A_73 = arith.constant 0 : i32
      %dma_start3A_74 = tpu.memref_slice %arg12[%add3A_69, %dma_start3A_73] : memref<10240x128xf32, #tpu.memory_space<vmem_shared>> -> memref<128x128xf32, #tpu.memory_space<vmem_shared>>
      tpu.enqueue_dma source(%dma_start3A_74 : memref<128x128xf32, #tpu.memory_space<vmem_shared>>) target(%arg11 : memref<128x128xf32, #tpu.memory_space<vmem>>) target_semaphore(%run_scoped3A : memref<!tpu.dma_semaphore, #tpu.memory_space<semaphore_mem>>)
      %dma_wait3A = arith.constant 0 : i32
      %dma_wait3A_75 = tpu.memref_slice %arg12[%add3A_69, %dma_wait3A] : memref<10240x128xf32, #tpu.memory_space<vmem_shared>> -> memref<128x128xf32, #tpu.memory_space<vmem_shared>>
      %dma_wait3A_76 = arith.constant 0 : i32
      %dma_wait3A_77 = tpu.memref_slice %arg12[%add3A_69, %dma_wait3A_76] : memref<10240x128xf32, #tpu.memory_space<vmem_shared>> -> memref<128x128xf32, #tpu.memory_space<vmem_shared>>
      tpu.wait_dma2 semaphore(%run_scoped3A : memref<!tpu.dma_semaphore, #tpu.memory_space<semaphore_mem>>) src(%dma_wait3A_77 : memref<128x128xf32, #tpu.memory_space<vmem_shared>>) dst(%arg11 : memref<128x128xf32, #tpu.memory_space<vmem>>)
      tpu.yield
    }) : () -> ()
    "tpu.region"() ({
      %run_scoped3A = tpu.sem_alloc : memref<!tpu.dma_semaphore, #tpu.memory_space<semaphore_mem>>
      %dma_start3A = arith.constant 0 : i32
      %dma_start3A_72 = tpu.memref_slice %arg6[%arg0, %add3A_69, %dma_start3A] : memref<2x10240x128xf32, #tpu.memory_space<hbm>> -> memref<1x128x128xf32, #tpu.memory_space<hbm>>
      %dma_start3A_73 = tpu.memref_squeeze %dma_start3A_72 : memref<1x128x128xf32, #tpu.memory_space<hbm>> -> memref<128x128xf32, #tpu.memory_space<hbm>>
      %dma_start3A_74 = arith.constant 0 : i32
      %dma_start3A_75 = tpu.memref_slice %arg6[%arg0, %add3A_69, %dma_start3A_74] : memref<2x10240x128xf32, #tpu.memory_space<hbm>> -> memref<1x128x128xf32, #tpu.memory_space<hbm>>
      %dma_start3A_76 = tpu.memref_squeeze %dma_start3A_75 : memref<1x128x128xf32, #tpu.memory_space<hbm>> -> memref<128x128xf32, #tpu.memory_space<hbm>>
      tpu.enqueue_dma source(%arg11 : memref<128x128xf32, #tpu.memory_space<vmem>>) target(%dma_start3A_76 : memref<128x128xf32, #tpu.memory_space<hbm>>) target_semaphore(%run_scoped3A : memref<!tpu.dma_semaphore, #tpu.memory_space<semaphore_mem>>)
      %dma_wait3A = arith.constant 0 : i32
      %dma_wait3A_77 = tpu.memref_slice %arg6[%arg0, %add3A_69, %dma_wait3A] : memref<2x10240x128xf32, #tpu.memory_space<hbm>> -> memref<1x128x128xf32, #tpu.memory_space<hbm>>
      %dma_wait3A_78 = tpu.memref_squeeze %dma_wait3A_77 : memref<1x128x128xf32, #tpu.memory_space<hbm>> -> memref<128x128xf32, #tpu.memory_space<hbm>>
      %dma_wait3A_79 = arith.constant 0 : i32
      %dma_wait3A_80 = tpu.memref_slice %arg6[%arg0, %add3A_69, %dma_wait3A_79] : memref<2x10240x128xf32, #tpu.memory_space<hbm>> -> memref<1x128x128xf32, #tpu.memory_space<hbm>>
      %dma_wait3A_81 = tpu.memref_squeeze %dma_wait3A_80 : memref<1x128x128xf32, #tpu.memory_space<hbm>> -> memref<128x128xf32, #tpu.memory_space<hbm>>
      tpu.wait_dma2 semaphore(%run_scoped3A : memref<!tpu.dma_semaphore, #tpu.memory_space<semaphore_mem>>) src(%arg11 : memref<128x128xf32, #tpu.memory_space<vmem>>) dst(%dma_wait3A_81 : memref<128x128xf32, #tpu.memory_space<hbm>>)
      tpu.yield
    }) : () -> ()
    %add3A_70 = arith.constant 512 : i32
    %add3A_71 = arith.addi %mul3A_9, %add3A_70 : i32
    "tpu.region"() ({
      %run_scoped3A = tpu.sem_alloc : memref<!tpu.dma_semaphore, #tpu.memory_space<semaphore_mem>>
      %dma_start3A = arith.constant 0 : i32
      %dma_start3A_72 = tpu.memref_slice %arg12[%add3A_71, %dma_start3A] : memref<10240x128xf32, #tpu.memory_space<vmem_shared>> -> memref<128x128xf32, #tpu.memory_space<vmem_shared>>
      %dma_start3A_73 = arith.constant 0 : i32
      %dma_start3A_74 = tpu.memref_slice %arg12[%add3A_71, %dma_start3A_73] : memref<10240x128xf32, #tpu.memory_space<vmem_shared>> -> memref<128x128xf32, #tpu.memory_space<vmem_shared>>
      tpu.enqueue_dma source(%dma_start3A_74 : memref<128x128xf32, #tpu.memory_space<vmem_shared>>) target(%arg11 : memref<128x128xf32, #tpu.memory_space<vmem>>) target_semaphore(%run_scoped3A : memref<!tpu.dma_semaphore, #tpu.memory_space<semaphore_mem>>)
      %dma_wait3A = arith.constant 0 : i32
      %dma_wait3A_75 = tpu.memref_slice %arg12[%add3A_71, %dma_wait3A] : memref<10240x128xf32, #tpu.memory_space<vmem_shared>> -> memref<128x128xf32, #tpu.memory_space<vmem_shared>>
      %dma_wait3A_76 = arith.constant 0 : i32
      %dma_wait3A_77 = tpu.memref_slice %arg12[%add3A_71, %dma_wait3A_76] : memref<10240x128xf32, #tpu.memory_space<vmem_shared>> -> memref<128x128xf32, #tpu.memory_space<vmem_shared>>
      tpu.wait_dma2 semaphore(%run_scoped3A : memref<!tpu.dma_semaphore, #tpu.memory_space<semaphore_mem>>) src(%dma_wait3A_77 : memref<128x128xf32, #tpu.memory_space<vmem_shared>>) dst(%arg11 : memref<128x128xf32, #tpu.memory_space<vmem>>)
      tpu.yield
    }) : () -> ()
    "tpu.region"() ({
      %run_scoped3A = tpu.sem_alloc : memref<!tpu.dma_semaphore, #tpu.memory_space<semaphore_mem>>
      %dma_start3A = arith.constant 0 : i32
      %dma_start3A_72 = tpu.memref_slice %arg6[%arg0, %add3A_71, %dma_start3A] : memref<2x10240x128xf32, #tpu.memory_space<hbm>> -> memref<1x128x128xf32, #tpu.memory_space<hbm>>
      %dma_start3A_73 = tpu.memref_squeeze %dma_start3A_72 : memref<1x128x128xf32, #tpu.memory_space<hbm>> -> memref<128x128xf32, #tpu.memory_space<hbm>>
      %dma_start3A_74 = arith.constant 0 : i32
      %dma_start3A_75 = tpu.memref_slice %arg6[%arg0, %add3A_71, %dma_start3A_74] : memref<2x10240x128xf32, #tpu.memory_space<hbm>> -> memref<1x128x128xf32, #tpu.memory_space<hbm>>
      %dma_start3A_76 = tpu.memref_squeeze %dma_start3A_75 : memref<1x128x128xf32, #tpu.memory_space<hbm>> -> memref<128x128xf32, #tpu.memory_space<hbm>>
      tpu.enqueue_dma source(%arg11 : memref<128x128xf32, #tpu.memory_space<vmem>>) target(%dma_start3A_76 : memref<128x128xf32, #tpu.memory_space<hbm>>) target_semaphore(%run_scoped3A : memref<!tpu.dma_semaphore, #tpu.memory_space<semaphore_mem>>)
      %dma_wait3A = arith.constant 0 : i32
      %dma_wait3A_77 = tpu.memref_slice %arg6[%arg0, %add3A_71, %dma_wait3A] : memref<2x10240x128xf32, #tpu.memory_space<hbm>> -> memref<1x128x128xf32, #tpu.memory_space<hbm>>
      %dma_wait3A_78 = tpu.memref_squeeze %dma_wait3A_77 : memref<1x128x128xf32, #tpu.memory_space<hbm>> -> memref<128x128xf32, #tpu.memory_space<hbm>>
      %dma_wait3A_79 = arith.constant 0 : i32
      %dma_wait3A_80 = tpu.memref_slice %arg6[%arg0, %add3A_71, %dma_wait3A_79] : memref<2x10240x128xf32, #tpu.memory_space<hbm>> -> memref<1x128x128xf32, #tpu.memory_space<hbm>>
      %dma_wait3A_81 = tpu.memref_squeeze %dma_wait3A_80 : memref<1x128x128xf32, #tpu.memory_space<hbm>> -> memref<128x128xf32, #tpu.memory_space<hbm>>
      tpu.wait_dma2 semaphore(%run_scoped3A : memref<!tpu.dma_semaphore, #tpu.memory_space<semaphore_mem>>) src(%arg11 : memref<128x128xf32, #tpu.memory_space<vmem>>) dst(%dma_wait3A_81 : memref<128x128xf32, #tpu.memory_space<hbm>>)
      tpu.yield
    }) : () -> ()
    return
  }
}

module attributes {stable_mosaic.version = 14 : i64} {
  func.func @_tc_body(%arg0: i32, %arg1: memref<2x1000x128xf32, #tpu.memory_space<vmem>>, %arg2: memref<128x128xf32, #tpu.memory_space<vmem>>, %arg3: memref<1x128xf32, #tpu.memory_space<vmem>>, %arg4: memref<1000x128xf32, #tpu.memory_space<vmem>>) attributes {dimension_semantics = [#tpu.dimension_semantics<arbitrary>], iteration_bounds = array<i64: 10>, scalar_prefetch = 0 : i64, scratch_operands = 0 : i64, tpu.core_type = #tpu.core_type<tc>, window_params = [{transform_indices = @transform_0, window_bounds = array<i64: 2, 1000, 128>}, {pipeline_mode = #tpu.pipeline_mode<synchronous>, transform_indices = @transform_1, window_bounds = array<i64: 128, 128>}, {pipeline_mode = #tpu.pipeline_mode<synchronous>, transform_indices = @transform_2, window_bounds = array<i64: 1, 128>}, {transform_indices = @transform_3, window_bounds = array<i64: 1000, 128>}]} {
    %get3A = arith.constant 0 : index
    %get3A_0 = arith.constant 0 : index
    %get3A_1 = arith.constant 0 : index
    %get3A_2 = vector.load %arg1[%get3A, %get3A_0, %get3A_1] : memref<2x1000x128xf32, #tpu.memory_space<vmem>>, vector<1x1000x128xf32>
    %get3A_3 = vector.shape_cast %get3A_2 : vector<1x1000x128xf32> to vector<1000x128xf32>
    %get3A_4 = arith.constant 1 : index
    %get3A_5 = arith.constant 0 : index
    %get3A_6 = arith.constant 0 : index
    %get3A_7 = vector.load %arg1[%get3A_4, %get3A_5, %get3A_6] : memref<2x1000x128xf32, #tpu.memory_space<vmem>>, vector<1x1000x128xf32>
    %get3A_8 = vector.shape_cast %get3A_7 : vector<1x1000x128xf32> to vector<1000x128xf32>
    %add3A = arith.addf %get3A_3, %get3A_8 : vector<1000x128xf32>
    %get3A_9 = arith.constant 0 : index
    %get3A_10 = arith.constant 0 : index
    %get3A_11 = vector.load %arg2[%get3A_9, %get3A_10] : memref<128x128xf32, #tpu.memory_space<vmem>>, vector<128x128xf32>
    %dot_general3A = arith.constant dense<0.000000e+00> : vector<1000x128xf32>
    %dot_general3A_12 = tpu.matmul %add3A, %get3A_11, %dot_general3A {dimension_numbers = #tpu.dot_dimension_numbers<[1], [0], [0], [1], [0, 0, 1, 1], [], []>, transpose_lhs_hint = false} : vector<1000x128xf32>, vector<128x128xf32>, vector<1000x128xf32> -> vector<1000x128xf32>
    %get3A_13 = arith.constant 0 : index
    %get3A_14 = arith.constant 0 : index
    %get3A_15 = vector.load %arg3[%get3A_13, %get3A_14] : memref<1x128xf32, #tpu.memory_space<vmem>>, vector<1x128xf32>
    %add3A_16 = vector.broadcast %get3A_15 : vector<1x128xf32> to vector<1000x128xf32>
    %add3A_17 = arith.addf %dot_general3A_12, %add3A_16 : vector<1000x128xf32>
    %swap3A = arith.constant 0 : index
    %swap3A_18 = arith.constant 0 : index
    %swap3A_19 = vector.load %arg4[%swap3A, %swap3A_18] : memref<1000x128xf32, #tpu.memory_space<vmem>>, vector<1000x128xf32>
    tpu.vector_store %arg4[%swap3A, %swap3A_18], %add3A_17 {strides = array<i32>} : memref<1000x128xf32, #tpu.memory_space<vmem>>, vector<1000x128xf32>,
    return
  }
  func.func @transform_0(%arg0: i32) -> (i32, i32, i32) {
    %c0_i32 = arith.constant 0 : i32
    %c0_i32_0 = arith.constant 0 : i32
    %c0_i32_1 = arith.constant 0 : i32
    return %c0_i32, %arg0, %c0_i32_0 : i32, i32, i32
  }
  func.func @transform_1(%arg0: i32) -> (i32, i32) {
    %c0_i32 = arith.constant 0 : i32
    %c0_i32_0 = arith.constant 0 : i32
    %c0_i32_1 = arith.constant 0 : i32
    return %c0_i32, %c0_i32_0 : i32, i32
  }
  func.func @transform_2(%arg0: i32) -> (i32, i32) {
    %c0_i32 = arith.constant 0 : i32
    %c0_i32_0 = arith.constant 0 : i32
    %c0_i32_1 = arith.constant 0 : i32
    return %c0_i32, %c0_i32_0 : i32, i32
  }
  func.func @transform_3(%arg0: i32) -> (i32, i32) {
    %c0_i32 = arith.constant 0 : i32
    %c0_i32_0 = arith.constant 0 : i32
    return %arg0, %c0_i32 : i32, i32
  }
}

</mosaic_0001>

<sc_bundles>
// kernel: kernel.4.cloned.1.call-start
scs
__scs_entry_jumppad:
0x0: {  	(pc) =	sbr.rel $0x88, $3  }
0x1: {  	(tag) =	ssettag $0x0;
	lr =	simm.s32 $0x1  }
0x2: {  	[smem:$0x3F9C] =	sst lr;
	_ =	strace $0xD0000000  }
0x3: {  	_ = 	snop  }
0x4: {  	_ = 	snop  }
0x5: {  	_ = 	snop  }
0x6: {  	_ = 	snop  }
0x7: {  	_ = 	snop  }
__scs_overlays_trampoline_lowered:
0x8: {  	[smem:$0x3FAB] =	sst s0  }
0x9: {  	[smem:$0x3FAC] =	sst s1  }
0xa: {  	[smem:$0x3FAD] =	sst s2  }
0xb: {  	[smem:$0x3FAE] =	sst s3  }
0xc: {  	[smem:$0x3FAF] =	sst s4  }
0xd: {  	[smem:$0x3FB0] =	sst s5  }
0xe: {  	[smem:$0x3FB1] =	sst s6  }
0xf: {  	[smem:$0x3FB2] =	sst s7  }
0x10: {  	[smem:$0x3FB3] =	sst s8  }
0x11: {  	[smem:$0x3FB4] =	sst s9;
	s0 =	simm.s32 @!p0 $0x0  }
0x12: {  	s1 =	sld [smem:$0x3F9A];
	s0 =	simm.s32 @p0 $0x1  }
0x13: {  	[smem:$0x3FB5] =	sst s0;
	s0 =	simm.s32 @!p1 $0x0  }
0x14: {  	s2 =	sld [smem:$0x3F99];
	s0 =	simm.s32 @p1 $0x1  }
0x15: {  	[smem:$0x3FB6] =	sst s0;
	s0 =	simm.s32 @!p2 $0x0  }
0x16: {  	s3 =	sld [smem:$0x3FDB];
	s0 =	simm.s32 @p2 $0x1  }
0x17: {  	s4 =	simm.s32 $0x1BF5;
	[smem:$0x3FB8] =	sst s0  }
0x18: {  	s0 =	sld [smem:$0x3F9B];
	_ =	swait.ge [sflag:s4], $0x0  }
0x19: {  	s7 =	sld [smem:$0x3F9C]  }
0x1a: {  	s8 =	sadd.s32 $0xFFFFE003, lr  }
0x1b: {  	s9 =	sadd.s32 $0xFFFFFEF7, lr;
	s5 =	simm.s32 $0xFFFFFFFF;
	p2 =	slt.u32 s8, $0xFFFFF086  }
0x1c: {  	p1 =	slt.u32 s9, $0xF7A;
	s5 =	simm.s32 @!p2 $0x0  }
0x1d: {  	s5 =	simm.s32 @p1 $0x1;
	p0 =	seq.s32 s7, s2  }
0x1e: {  	s7 =	smul.u32 @!p0 $0xF7A, s2;
	p2 =	seq.s32 @!p0 s5, $0x0  }
0x1f: {  	s9 =	smul.u32 $0xF7A, s1;
	s8 =	simm.s32 @!p0 $0x1BF5;
	p2 =	por !p2, p0  }
0x20: {  	[sflag:s8] =	ssyncset.s32 @!p0 $0xFFFFF086;
	s6 =	sadd.s32 @!p0 s3, s7;
	s7 =	simm.s32 @!p0 $0x108  }
0x21: {  	s3 =	sadd.s32 s3, s9;
	s6 =	sadd.s32 @!p0 $0x88, s6;
	s7 =	simm.s32 @p2 $0x1082  }
0x22: {  	[simem:s7], [sflag:s8] =	dma.local @!p0 [hbm:s6], $0xF7A  }
0x23: {  	s9 =	sor.u32 $0xD0000000, s2;
	s6 =	simm.s32 $0x108;
	_ =	swait.ge @!p0 [sflag:s8], $0x0  }
0x24: {  	s3 =	sadd.s32 $0x88, s3;
	s6 =	simm.s32 @!p1 $0x1082;
	[sflag:s4] =	ssyncset.s32 $0xFFFFF086  }
0x25: {  	[simem:s6], [sflag:s4] =	dma.local [hbm:s3], $0xF7A  }
0x26: {  	[smem:$0x3F9C] =	sst s1;
	(tag) =	ssettag s2;
	_ =	strace s9  }
0x27: {  	s1 =	sld [smem:$0x3FAC]  }
0x28: {  	s2 =	sld [smem:$0x3FAD]  }
0x29: {  	s4 =	sld [smem:$0x3FAF]  }
0x2a: {  	p0 =	seq.s32 s5, $0x0;
	s5 =	sld [smem:$0x3FB0]  }
0x2b: {  	s6 =	sld [smem:$0x3FB1]  }
0x2c: {  	s7 =	sld [smem:$0x3FB2]  }
0x2d: {  	s3 =	simm.s32 $0x108;
	s8 =	sld [smem:$0x3FB3]  }
0x2e: {  	s3 =	simm.s32 @!p0 $0x1082;
	s9 =	sld [smem:$0x3FB4]  }
0x2f: {  	lr =	sadd.s32 s0, s3;
	s0 =	sld [smem:$0x3FAB]  }
0x30: {  	s3 =	sld [smem:$0x3FAE]  }
0x31: {  	[smem:$0x3FB7] =	sst s10  }
0x32: {  	s10 =	sld [smem:$0x3FB5];
	_ =	sdelay $0x3  }
0x33: {  	p0 =	seq.s32 s10, $0x1;
	s10 =	sld [smem:$0x3FB7];
	_ =	sdelay $0x3  }
0x34: {  	[smem:$0x3FB7] =	sst s10  }
0x35: {  	s10 =	sld [smem:$0x3FB6];
	_ =	sdelay $0x3  }
0x36: {  	p1 =	seq.s32 s10, $0x1;
	s10 =	sld [smem:$0x3FB7];
	_ =	sdelay $0x3  }
0x37: {  	[smem:$0x3FB7] =	sst s10  }
0x38: {  	s10 =	sld [smem:$0x3FB8]  }
0x39: {  	_ = 	snop;
	(pc) =	sbr.ind lr, $3  }
0x3a: {  	_ = 	snop  }
0x3b: {  	_ = 	snop  }
0x3c: {  	p2 =	seq.s32 s10, $0x1;
	s10 =	sld [smem:$0x3FB7]  }
0x3d: {  	_ =	shalt  }
0x3e: {  	_ =	shalt  }
0x3f: {  	_ =	shalt  }
0x40: {  	_ =	shalt  }
0x41: {  	_ =	shalt  }
0x42: {  	_ =	shalt  }
0x43: {  	_ =	shalt  }
0x44: {  	_ =	shalt  }
0x45: {  	_ =	shalt  }
0x46: {  	_ =	shalt  }
0x47: {  	_ =	shalt  }
0x48: {  	_ =	shalt  }
0x49: {  	_ =	shalt  }
0x4a: {  	_ =	shalt  }
0x4b: {  	_ =	shalt  }
0x4c: {  	_ =	shalt  }
0x4d: {  	_ =	shalt  }
0x4e: {  	_ =	shalt  }
0x4f: {  	_ =	shalt  }
0x50: {  	_ =	shalt  }
0x51: {  	_ =	shalt  }
0x52: {  	_ =	shalt  }
0x53: {  	_ =	shalt  }
0x54: {  	_ =	shalt  }
0x55: {  	_ =	shalt  }
0x56: {  	_ =	shalt  }
0x57: {  	_ =	shalt  }
0x58: {  	_ =	shalt  }
0x59: {  	_ =	shalt  }
0x5a: {  	_ =	shalt  }
0x5b: {  	_ =	shalt  }
0x5c: {  	_ =	shalt  }
0x5d: {  	_ =	shalt  }
0x5e: {  	_ =	shalt  }
0x5f: {  	_ =	shalt  }
0x60: {  	_ =	shalt  }
0x61: {  	_ =	shalt  }
0x62: {  	_ =	shalt  }
0x63: {  	_ =	shalt  }
0x64: {  	_ =	shalt  }
0x65: {  	_ =	shalt  }
0x66: {  	_ =	shalt  }
0x67: {  	_ =	shalt  }
0x68: {  	_ =	shalt  }
0x69: {  	_ =	shalt  }
0x6a: {  	_ =	shalt  }
0x6b: {  	_ =	shalt  }
0x6c: {  	_ =	shalt  }
0x6d: {  	_ =	shalt  }
0x6e: {  	_ =	shalt  }
0x6f: {  	_ =	shalt  }
0x70: {  	_ =	shalt  }
0x71: {  	_ =	shalt  }
0x72: {  	_ =	shalt  }
0x73: {  	_ =	shalt  }
0x74: {  	_ =	shalt  }
0x75: {  	_ =	shalt  }
0x76: {  	_ =	shalt  }
0x77: {  	_ =	shalt  }
0x78: {  	_ =	shalt  }
0x79: {  	_ =	shalt  }
0x7a: {  	_ =	shalt  }
0x7b: {  	_ =	shalt  }
0x7c: {  	_ =	shalt  }
0x7d: {  	_ =	shalt  }
0x7e: {  	_ =	shalt  }
0x7f: {  	_ =	shalt  }
0x80: {  	_ =	shalt  }
0x81: {  	_ =	shalt  }
0x82: {  	_ =	shalt  }
0x83: {  	_ =	shalt  }
0x84: {  	_ =	shalt  }
0x85: {  	_ =	shalt  }
0x86: {  	_ =	shalt  }
0x87: {  	_ =	shalt  }
.Lfunc_end0:
.L_simem_size_0:
called_computation_lowered:
.L_overlay_start_0:
0x88: {  	s2 =	sld [smem:$0x3FD9]  }
0x89: {  	s3 =	sld [smem:$0x3FFE];
	_ =	sdelay $0x1  }
0x8a: {  	s1 =	srdreg.scid  }
0x8b: {  	s0 =	sand.u32 $0x1, s1  }
0x8c: {  	s17 =	sshll.u32 s0, $0xA;
	s2 =	sadd.s32 s3, s2  }
0x8d: {  	s2 =	sadd.s32 s2, s17  }
0x8e: {  	[smem:$0x3FC3] =	sst s2  }
0x8f: {  	_ = 	snop  }
0x90: {  	s2 =	sld [smem:$0x3FC9]  }
0x91: {  	s18 =	sld [smem:$0x3FD0];
	(tm) =	ssettm $0x1  }
0x92: {  	s4 =	sld [smem:$0x3FFB];
	_ =	sdelay $0x3  }
0x93: {  	_ =	strace s4  }
0x94: {  	s4 =	sld [smem:$0x3FFC];
	_ =	sdelay $0x3  }
0x95: {  	_ =	strace s4  }
0x96: {  	s4 =	sld [smem:$0x3FFD];
	_ =	sdelay $0x3  }
0x97: {  	_ =	strace s4  }
0x98: {  	_ =	strace $0x8FFFFFFF  }
0x99: {  	s19 =	sld [smem:$0x3FDB];
	_ =	sdelay $0x1  }
0x9a: {  	s5 =	simm.s32 $_scs_section_size  }
0x9b: {  	s6 =	simm.s32 $_size__tile_overlayer_lowered;
	s7 =	simm.s32 $_tile_overlayer_lowered  }
0x9c: {  	s22 =	simm.s32 $0x1BFF;
	s21 =	sshll.u32 s7, $0x1;
	s4 =	sadd.s32 s5, s19  }
0x9d: {  	s8 =	simm.s32 $0x0;
	s20 =	sshll.u32 s6, $0x1;
	s6 =	sadd.s32 s21, s4  }
0x9e: {  	[timem:s8], [sflag:s22] =	dma.local [hbm:s6], s20  }
0x9f: {  	_ =	swait.ge [sflag:s22], s20  }
0xa0: {  	s5 =	ssub.s32 $0x0, s20;
	[sflag:s22] =	ssyncset.done $0x0  }
0xa1: {  	[sflag:s22] =	ssyncadd.s32 s5;
	_ =	sdelay $0x1  }
0xa2: {  	s23 =	simm.s32 $0x1B8B  }
0xa3: {  	_ =	swait.ge [sflag:s23], $0x1  }
0xa4: {  	[sflag:s23] =	ssyncset.done $0x0  }
0xa5: {  	s25 =	simm.s32 $0x1B8E;
	s24 =	sld [smem:$0x3FFE];
	[sflag:s23] =	ssyncadd.s32 $0xFFFFFFFF  }
0xa6: {  	s26 =	simm.s32 $execute0_lowered;
	[smem:$0x3FD2] =	sst s25  }
0xa7: {  	s6 =	sshll.u32 s26, $0x1;
	_ =	strace $0x80000046;
	[dreg:$0x1] =	wrdreg $0xFFFFFFFF  }
0xa8: {  	s28 =	simm.s32 $_size_execute0_lowered;
	s4 =	sadd.s32 s4, s6;
	[dreg:$0x0] =	wrdreg $0x0  }
0xa9: {  	s6 =	sshll.u32 s28, $0x1;
	[dreg:$0x2] =	wrdreg s4  }
0xaa: {  	[dreg:$0x3] =	wrdreg s6  }
0xab: {  	[dreg:$0x4] =	wrdreg $0xC0  }
0xac: {  	_ =	task [dreg:s8], $0x5FFFF  }
0xad: {  	[dreg:$0x1] =	wrdreg $0xFFFFFFFF  }
0xae: {  	[dreg:$0x0] =	wrdreg $0x60  }
0xaf: {  	[dreg:$0x2] =	wrdreg s2  }
0xb0: {  	[dreg:$0x3] =	wrdreg s18  }
0xb1: {  	[dreg:$0x4] =	wrdreg s24  }
0xb2: {  	[dreg:$0x5] =	wrdreg $0x81800  }
0xb3: {  	[dreg:$0x6] =	wrdreg $0x9  }
0xb4: {  	_ =	task.clear_ibuf [dreg:s8], $0x7FFFF;
	_ =	strace $0x90000046  }
0xb5: {  	s29 =	simm.s32 $0x9;
	_ =	strace $0x80000048  }
0xb6: {  	_ =	swait.ge [sflag:s29], $0x1  }
0xb7: {  	[sflag:s29] =	ssyncadd.s32 $0xFFFFFFFF  }
0xb8: {  	_ =	strace $0x90000048  }
0xb9: {  	_ =	sfence  }
0xba: {  	s30 =	sld [smem:$0x0];
	_ =	sdelay $0x2  }
0xbb: {  	s31 =	sshll.u32 s1, $0xD;
	s1 =	sshrl.u32 s1, $0x2  }
0xbc: {  	s3 =	sand.u32 $0x4000, s31;
	s1 =	sadd.s32 s1, s30  }
0xbd: {  	s0 =	sor.u32 s3, s0;
	s1 =	sshll.u32 s1, $0x11  }
0xbe: {  	s0 =	sor.u32 s1, s0  }
0xbf: {  	s0 =	sadd.s32 $0x8F2B, s0  }
0xc0: {  	[sflag:s0] =	ssyncadd.remote.s32 $0x1  }
0xc1: {  	_ =	sfence.sel $0xFFFF  }
0xc2: {  	[dreg:$0x0] =	wrdreg $0xFFFFFFFF;
	(pc) =	sbr.abs _section_cstart, $3  }
0xc3: {  	[dreg:$0x1] =	wrdreg $0xFFFFFFFF  }
0xc4: {  	_ =	task.clear_ibuf [dreg:s8], $0x2FFFF;
	_ =	strace $0x9FFFFFFF  }
0xc5: {  	(tm) =	ssettm $0x7FFFFFFF  }
tec
execute0_lowered:
.L_overlay_start_1:
0x0: {  	(tag) =	ssettag $0x1  }
0x1: {  	s1 =	rddreg [dreg:$0x0]  }
0x2: {  	s2 =	rddreg [dreg:$0x1]  }
0x3: {  	s8 =	rddreg [dreg:$0x2]  }
0x4: {  	s3 =	rddreg [dreg:$0x3]  }
0x5: {  	s0 =	rddreg [dreg:$0x4]  }
0x6: {  	s5 =	simm.s32 $0x0;
	s6 =	srdreg.scid;
	s4 =	stileid.u32  }
0x7: {  	s23 =	simm.s32 $0x100;
	s24 =	simm.s32 $0x180;
	s25 =	simm.s32 $0x1  }
0x8: {  	s26 =	simm.s32 $0x0;
	[smem:$0x7FF] =	sst s5;
	s9 =	sand.u32 $0x1, s6  }
0x9: {  	s6 =	sadd.s32 $0x400, s8;
	s11 =	smul.u32 $0x50000, s4;
	s7 =	sadd.s32 $0xA400, s8  }
0xa: {  	s18 =	sadd.s32 $0x14400, s8;
	s13 =	smul.u32 $0x14000, s4;
	_ =	strace $0x80000047  }
0xb: {  	s10 =	ssub.s32 $0x2, s9;
	s12 =	sshll.u32 s9, $0x4;
	s17 =	smul.u32 $0x140000, s9  }
0xc: {  	s30 =	sshrl.u32 s10, $0x1;
	s11 =	sshrl.u32 s11, $0x2;
	s14 =	sor.u32 s4, s12  }
0xd: {  	s15 =	sadd.s32 $0x4000, s13;
	s16 =	sadd.s32 $0x8000, s13;
	s20 =	sadd.s32 $0xC000, s13  }
0xe: {  	s21 =	sadd.s32 $0x10000, s13;
	s19 =	ssub.s32 s10, s30;
	s8 =	sadd.s32 s11, s3  }
0xf: {  	s9 =	sadd.s32 s15, s3;
	s10 =	sadd.s32 s16, s3;
	s11 =	sadd.s32 s20, s3  }
0x10: {  	s13 =	sadd.s32 s13, s17;
	s12 =	sadd.s32 s21, s3;
	s15 =	sadd.s32 s17, s15  }
0x11: {  	v0 =	vimm.f32 $0.0e+00;
	v1 =	vimm.s32 $0x0;
	s16 =	sadd.s32 s17, s16;
	s20 =	sadd.s32 s17, s20;
	s21 =	sadd.s32 s17, s21  }
0x12: {  	v2 =	vimm.s32 $0x1;
	v3 =	vimm.s32 $0x2;
	v4 =	vimm.s32 $0x3;
	s22 =	sshrl.u32 s13, $0x3;
	s13 =	smul.u32 $0x50, s14;
	s15 =	sshrl.u32 s15, $0x3  }
0x13: {  	v5 =	vimm.s32 $0x4;
	v6 =	vimm.s32 $0x5;
	v7 =	vimm.s32 $0x6;
	s16 =	sshrl.u32 s16, $0x3;
	s20 =	sshrl.u32 s20, $0x3;
	s31 =	sshrl.u32 s21, $0x3  }
0x14: {  	v8 =	vimm.s32 $0x7;
	v9 =	vimm.s32 $0x8;
	v10 =	vimm.s32 $0x9;
	s19 =	smax.u32 s19, $0x1;
	s21 =	simm.s32 $0x2;
	s14 =	sadd.s32 s18, s22  }
0x15: {  	v11 =	vimm.s32 $0xA;
	v12 =	vimm.s32 $0xB;
	v13 =	vimm.s32 $0xC;
	s15 =	sadd.s32 s18, s15;
	s16 =	sadd.s32 s18, s16;
	s17 =	sadd.s32 s18, s20  }
0x16: {  	v14 =	vimm.s32 $0xD;
	v15 =	vimm.s32 $0xE;
	v16 =	vimm.s32 $0xF;
	s18 =	sadd.s32 s18, s31;
	s20 =	simm.s32 $0x4180;
	s22 =	simm.s32 $0x80  }
.LBB2_1:
0x17: {  	s28 =	simm.s32 $0x0;
	s29 =	simm.s32 $0x200  }
.LBB2_2:
0x18: {  	p0 =	sne.s32 s29, $0xFE00;
	[tilespmem:s28+$0x41F0] =	vst v0  }
0x19: {  	[tilespmem:s28+$0x4180] =	vst v0  }
0x1a: {  	[tilespmem:s28+$0x4190] =	vst v0  }
.Ltmp0:
0x1b: {  	[tilespmem:s28+$0x41A0] =	vst v0;
	(pc) =	sbr.rel @p0 .LBB2_2-.Ltmp0, $4  }
0x1c: {  	[tilespmem:s28+$0x41B0] =	vst v0  }
0x1d: {  	[tilespmem:s28+$0x41C0] =	vst v0  }
0x1e: {  	[tilespmem:s28+$0x41D0] =	vst v0  }
0x1f: {  	[tilespmem:s28+$0x41E0] =	vst v0;
	s28 =	sshra.s32 s29, $0x2;
	s29 =	sadd.s32 $0x200, s29  }
0x20: {  	[tilespmem:s28+$0x41F0] =	vst v0  }
0x21: {  	[tilespmem:s28+$0x4180] =	vst v0  }
0x22: {  	[tilespmem:s28+$0x4190] =	vst v0  }
0x23: {  	[tilespmem:s28+$0x41A0] =	vst v0  }
0x24: {  	[tilespmem:s28+$0x41B0] =	vst v0  }
0x25: {  	[tilespmem:s28+$0x41C0] =	vst v0  }
0x26: {  	[tilespmem:s28+$0x41D0] =	vst v0  }
0x27: {  	[tilespmem:s28+$0x41E0] =	vst v0  }
0x28: {  	[spmem:s8] =	stream.linear.scatter [tilespmem:s20], [sflag:$0x2], $0x4000, $0x38;
	[tilespmem:$0x1C180] =	vst v63  }
0x29: {  	_ =	swait.ge [sflag:s21], $0x4000  }
0x2a: {  	[sflag:s21] =	ssyncset.done $0x0  }
0x2b: {  	[sflag:s21] =	ssyncadd.s32 $0xFFFFC000  }
0x2c: {  	[spmem:s9] =	stream.linear.scatter [tilespmem:s20], [sflag:$0x2], $0x4000, $0x38;
	[tilespmem:$0x1C180] =	vst v63  }
0x2d: {  	_ =	swait.ge [sflag:s21], $0x4000  }
0x2e: {  	[sflag:s21] =	ssyncset.done $0x0  }
0x2f: {  	[sflag:s21] =	ssyncadd.s32 $0xFFFFC000  }
0x30: {  	[spmem:s10] =	stream.linear.scatter [tilespmem:s20], [sflag:$0x2], $0x4000, $0x38;
	[tilespmem:$0x1C180] =	vst v63  }
0x31: {  	_ =	swait.ge [sflag:s21], $0x4000  }
0x32: {  	[sflag:s21] =	ssyncset.done $0x0  }
0x33: {  	[sflag:s21] =	ssyncadd.s32 $0xFFFFC000  }
0x34: {  	[spmem:s11] =	stream.linear.scatter [tilespmem:s20], [sflag:$0x2], $0x4000, $0x38;
	[tilespmem:$0x1C180] =	vst v63  }
0x35: {  	_ =	swait.ge [sflag:s21], $0x4000  }
0x36: {  	[sflag:s21] =	ssyncset.done $0x0  }
0x37: {  	[sflag:s21] =	ssyncadd.s32 $0xFFFFC000  }
0x38: {  	[spmem:s12] =	stream.linear.scatter [tilespmem:s20], [sflag:$0x2], $0x4000, $0x38;
	[tilespmem:$0x1C180] =	vst v63  }
0x39: {  	_ =	swait.ge [sflag:s21], $0x4000  }
0x3a: {  	[sflag:s21] =	ssyncset.done $0x0  }
0x3b: {  	[sflag:s21] =	ssyncadd.s32 $0xFFFFC000  }
0x3c: {  	s28 =	simm.s32 $0x0;
	s29 =	simm.s32 $0x0;
	[bflag:$0x0] =	sbarrier.arrive $0xFFFF  }
.LBB2_4:
0x3d: {  	s30 =	sadd.s32 s13, s29  }
0x3e: {  	s30 =	sshll.u32 s30, $0x4  }
0x3f: {  	s31 =	sadd.s32 s2, s30  }
0x40: {  	[tilespmem:s28], [sflag:$0x2] =	stream.linear.gather [hbm4b:s31+s28], $0x80, $0x38;
	[tilespmem:$0x1C180] =	vst v63  }
0x41: {  	_ =	swait.ge [sflag:s21], $0x80  }
0x42: {  	[sflag:s21] =	ssyncset.done $0x0  }
0x43: {  	s31 =	sadd.s32 s6, s30;
	[sflag:s21] =	ssyncadd.s32 $0xFFFFFF80  }
0x44: {  	[tilespmem:s22], [sflag:$0x2] =	stream.linear.gather [hbm4b:s31+s28], $0x80, $0x38;
	[tilespmem:$0x1C180] =	vst v63  }
0x45: {  	_ =	swait.ge [sflag:s21], $0x80  }
0x46: {  	[sflag:s21] =	ssyncset.done $0x0  }
0x47: {  	s30 =	sadd.s32 s7, s30;
	[sflag:s21] =	ssyncadd.s32 $0xFFFFFF80  }
0x48: {  	[tilespmem:s23], [sflag:$0x2] =	stream.linear.gather [hbm4b:s30+s28], $0x80, $0x38;
	[tilespmem:$0x1C180] =	vst v63  }
0x49: {  	_ =	swait.ge [sflag:s21], $0x80  }
0x4a: {  	[sflag:s21] =	ssyncset.done $0x0  }
0x4b: {  	[sflag:s21] =	ssyncadd.s32 $0xFFFFFF80  }
0x4c: {  	[tilespmem:s24], [sflag:$0x1] =	stream.indirect.gather [hbm4b:s1+s22], $0x80, s28, s22, $0xb8;
	[tilespmem:$0x1C180] =	vst v63  }
0x4d: {  	_ =	swait.ge [sflag:s25], $0x4000  }
0x4e: {  	[sflag:s25] =	ssyncset.done $0x0  }
0x4f: {  	s30 =	simm.s32 $0x0;
	[sflag:s25] =	ssyncadd.s32 $0xFFFFC000  }
.LBB2_5:
0x50: {  	s31 =	sshll.u32 s30, $0x4  }
0x51: {  	s31 =	sand.u32 $0x3FFFFFF0, s31  }
0x52: {  	v17 =	vld [tilespmem:s31+$0x100];
	s31 =	sshll.u32 s30, $0xB  }
0x53: {  	s31 =	sand.u32 $0x3FFFF800, s31  }
0x54: {  	v18 =	vld [tilespmem:s31+$0x180]  }
0x55: {  	v19 =	vld [tilespmem:s31+$0x190]  }
0x56: {  	v20 =	vld [tilespmem:s31+$0x1A0]  }
0x57: {  	v22 =	vld [tilespmem:s31+$0x1B0];
	v21 =	vperm.xlane v17, v1  }
0x58: {  	v23 =	vld [tilespmem:s31+$0x1C0]  }
0x59: {  	v24 =	vld [tilespmem:s31+$0x1D0];
	v18 =	vmul.f32 v18, v21  }
0x5a: {  	v25 =	vld [tilespmem:s31+$0x1E0];
	v19 =	vmul.f32 v19, v21  }
0x5b: {  	v38 =	vld [tilespmem:s31+$0x1F0];
	[tilespmem:s31+$0x180] =	vst v18;
	v18 =	vmul.f32 v20, v21  }
0x5c: {  	v39 =	vld [tilespmem:s31+$0x200];
	[tilespmem:s31+$0x190] =	vst v19;
	v19 =	vmul.f32 v22, v21  }
0x5d: {  	v40 =	vld [tilespmem:s31+$0x210];
	[tilespmem:s31+$0x1A0] =	vst v18;
	v18 =	vmul.f32 v23, v21  }
0x5e: {  	v41 =	vld [tilespmem:s31+$0x220];
	[tilespmem:s31+$0x1B0] =	vst v19;
	v19 =	vmul.f32 v24, v21  }
0x5f: {  	v26 =	vld [tilespmem:s31+$0x230];
	v42 =	vperm.xlane v17, v2;
	[tilespmem:s31+$0x1C0] =	vst v18;
	v18 =	vmul.f32 v25, v21  }
0x60: {  	v43 =	vld [tilespmem:s31+$0x240];
	[tilespmem:s31+$0x1D0] =	vst v19;
	v19 =	vmul.f32 v38, v21  }
0x61: {  	v44 =	vld [tilespmem:s31+$0x250];
	[tilespmem:s31+$0x1E0] =	vst v18;
	v18 =	vmul.f32 v39, v42  }
0x62: {  	v45 =	vld [tilespmem:s31+$0x260];
	[tilespmem:s31+$0x1F0] =	vst v19;
	v19 =	vmul.f32 v40, v42  }
0x63: {  	v46 =	vld [tilespmem:s31+$0x270];
	[tilespmem:s31+$0x200] =	vst v18;
	v18 =	vmul.f32 v41, v42  }
0x64: {  	v47 =	vld [tilespmem:s31+$0x280];
	[tilespmem:s31+$0x210] =	vst v19;
	v19 =	vmul.f32 v26, v42  }
0x65: {  	v48 =	vld [tilespmem:s31+$0x290];
	[tilespmem:s31+$0x220] =	vst v18;
	v18 =	vmul.f32 v43, v42  }
0x66: {  	v49 =	vld [tilespmem:s31+$0x2A0];
	[tilespmem:s31+$0x230] =	vst v19;
	v19 =	vmul.f32 v44, v42  }
0x67: {  	v51 =	vld [tilespmem:s31+$0x2B0];
	v50 =	vperm.xlane v17, v3;
	[tilespmem:s31+$0x240] =	vst v18;
	v18 =	vmul.f32 v45, v42  }
0x68: {  	v52 =	vld [tilespmem:s31+$0x2C0];
	[tilespmem:s31+$0x250] =	vst v19;
	v19 =	vmul.f32 v46, v42  }
0x69: {  	v53 =	vld [tilespmem:s31+$0x2D0];
	[tilespmem:s31+$0x260] =	vst v18;
	v18 =	vmul.f32 v47, v50  }
0x6a: {  	v54 =	vld [tilespmem:s31+$0x2E0];
	[tilespmem:s31+$0x270] =	vst v19;
	v19 =	vmul.f32 v48, v50  }
0x6b: {  	v55 =	vld [tilespmem:s31+$0x2F0];
	[tilespmem:s31+$0x280] =	vst v18;
	v18 =	vmul.f32 v49, v50  }
0x6c: {  	v56 =	vld [tilespmem:s31+$0x300];
	[tilespmem:s31+$0x290] =	vst v19;
	v19 =	vmul.f32 v51, v50  }
0x6d: {  	v57 =	vld [tilespmem:s31+$0x310];
	[tilespmem:s31+$0x2A0] =	vst v18;
	v18 =	vmul.f32 v52, v50  }
0x6e: {  	v58 =	vld [tilespmem:s31+$0x320];
	[tilespmem:s31+$0x2B0] =	vst v19;
	v19 =	vmul.f32 v53, v50  }
0x6f: {  	v60 =	vld [tilespmem:s31+$0x330];
	v59 =	vperm.xlane v17, v4;
	[tilespmem:s31+$0x2C0] =	vst v18;
	v18 =	vmul.f32 v54, v50  }
0x70: {  	v61 =	vld [tilespmem:s31+$0x340];
	[tilespmem:s31+$0x2D0] =	vst v19;
	v19 =	vmul.f32 v55, v50  }
0x71: {  	v62 =	vld [tilespmem:s31+$0x350];
	[tilespmem:s31+$0x2E0] =	vst v18;
	v18 =	vmul.f32 v56, v59  }
0x72: {  	v63 =	vld [tilespmem:s31+$0x360];
	[tilespmem:s31+$0x2F0] =	vst v19;
	v19 =	vmul.f32 v57, v59  }
0x73: {  	v28 =	vld [tilespmem:s31+$0x370];
	[tilespmem:s31+$0x300] =	vst v18;
	v18 =	vmul.f32 v58, v59  }
0x74: {  	v29 =	vld [tilespmem:s31+$0x380];
	[tilespmem:s31+$0x310] =	vst v19;
	v19 =	vmul.f32 v60, v59  }
0x75: {  	v30 =	vld [tilespmem:s31+$0x390];
	[tilespmem:s31+$0x320] =	vst v18;
	v18 =	vmul.f32 v61, v59  }
0x76: {  	v31 =	vld [tilespmem:s31+$0x3A0];
	[tilespmem:s31+$0x330] =	vst v19;
	v19 =	vmul.f32 v62, v59  }
0x77: {  	v33 =	vld [tilespmem:s31+$0x3B0];
	v32 =	vperm.xlane v17, v5;
	[tilespmem:s31+$0x340] =	vst v18;
	v18 =	vmul.f32 v63, v59  }
0x78: {  	v34 =	vld [tilespmem:s31+$0x3C0];
	[tilespmem:s31+$0x350] =	vst v19;
	v19 =	vmul.f32 v28, v59  }
0x79: {  	v35 =	vld [tilespmem:s31+$0x3D0];
	[tilespmem:s31+$0x360] =	vst v18;
	v18 =	vmul.f32 v29, v32  }
0x7a: {  	v36 =	vld [tilespmem:s31+$0x3E0];
	[tilespmem:s31+$0x370] =	vst v19;
	v19 =	vmul.f32 v30, v32  }
0x7b: {  	v37 =	vld [tilespmem:s31+$0x3F0];
	[tilespmem:s31+$0x380] =	vst v18;
	v18 =	vmul.f32 v31, v32  }
0x7c: {  	v38 =	vld [tilespmem:s31+$0x400];
	[tilespmem:s31+$0x390] =	vst v19;
	v19 =	vmul.f32 v33, v32  }
0x7d: {  	v39 =	vld [tilespmem:s31+$0x410];
	[tilespmem:s31+$0x3A0] =	vst v18;
	v18 =	vmul.f32 v34, v32  }
0x7e: {  	v40 =	vld [tilespmem:s31+$0x420];
	[tilespmem:s31+$0x3B0] =	vst v19;
	v19 =	vmul.f32 v35, v32  }
0x7f: {  	v41 =	vperm.xlane v17, v6;
	v42 =	vld [tilespmem:s31+$0x430];
	[tilespmem:s31+$0x3C0] =	vst v18;
	v18 =	vmul.f32 v36, v32  }
0x80: {  	v43 =	vld [tilespmem:s31+$0x440];
	[tilespmem:s31+$0x3D0] =	vst v19;
	v19 =	vmul.f32 v37, v32  }
0x81: {  	v44 =	vld [tilespmem:s31+$0x450];
	[tilespmem:s31+$0x3E0] =	vst v18;
	v18 =	vmul.f32 v38, v41  }
0x82: {  	v45 =	vld [tilespmem:s31+$0x460];
	[tilespmem:s31+$0x3F0] =	vst v19;
	v19 =	vmul.f32 v39, v41  }
0x83: {  	v46 =	vld [tilespmem:s31+$0x470];
	[tilespmem:s31+$0x400] =	vst v18;
	v18 =	vmul.f32 v40, v41  }
0x84: {  	v47 =	vld [tilespmem:s31+$0x480];
	[tilespmem:s31+$0x410] =	vst v19;
	v19 =	vmul.f32 v42, v41  }
0x85: {  	v48 =	vld [tilespmem:s31+$0x490];
	[tilespmem:s31+$0x420] =	vst v18;
	v18 =	vmul.f32 v43, v41  }
0x86: {  	v49 =	vld [tilespmem:s31+$0x4A0];
	[tilespmem:s31+$0x430] =	vst v19;
	v19 =	vmul.f32 v44, v41  }
0x87: {  	v51 =	vld [tilespmem:s31+$0x4B0];
	v50 =	vperm.xlane v17, v7;
	[tilespmem:s31+$0x440] =	vst v18;
	v18 =	vmul.f32 v45, v41  }
0x88: {  	v52 =	vld [tilespmem:s31+$0x4C0];
	[tilespmem:s31+$0x450] =	vst v19;
	v19 =	vmul.f32 v46, v41  }
0x89: {  	v53 =	vld [tilespmem:s31+$0x4D0];
	[tilespmem:s31+$0x460] =	vst v18;
	v18 =	vmul.f32 v47, v50  }
0x8a: {  	v54 =	vld [tilespmem:s31+$0x4E0];
	[tilespmem:s31+$0x470] =	vst v19;
	v19 =	vmul.f32 v48, v50  }
0x8b: {  	v55 =	vld [tilespmem:s31+$0x4F0];
	[tilespmem:s31+$0x480] =	vst v18;
	v18 =	vmul.f32 v49, v50  }
0x8c: {  	v56 =	vld [tilespmem:s31+$0x500];
	[tilespmem:s31+$0x490] =	vst v19;
	v19 =	vmul.f32 v51, v50  }
0x8d: {  	v57 =	vld [tilespmem:s31+$0x510];
	[tilespmem:s31+$0x4A0] =	vst v18;
	v18 =	vmul.f32 v52, v50  }
0x8e: {  	v58 =	vld [tilespmem:s31+$0x520];
	[tilespmem:s31+$0x4B0] =	vst v19;
	v19 =	vmul.f32 v53, v50  }
0x8f: {  	v60 =	vld [tilespmem:s31+$0x530];
	v59 =	vperm.xlane v17, v8;
	[tilespmem:s31+$0x4C0] =	vst v18;
	v18 =	vmul.f32 v54, v50  }
0x90: {  	v61 =	vld [tilespmem:s31+$0x540];
	[tilespmem:s31+$0x4D0] =	vst v19;
	v19 =	vmul.f32 v55, v50  }
0x91: {  	v62 =	vld [tilespmem:s31+$0x550];
	[tilespmem:s31+$0x4E0] =	vst v18;
	v18 =	vmul.f32 v56, v59  }
0x92: {  	v63 =	vld [tilespmem:s31+$0x560];
	[tilespmem:s31+$0x4F0] =	vst v19;
	v19 =	vmul.f32 v57, v59  }
0x93: {  	v28 =	vld [tilespmem:s31+$0x570];
	[tilespmem:s31+$0x500] =	vst v18;
	v18 =	vmul.f32 v58, v59  }
0x94: {  	v29 =	vld [tilespmem:s31+$0x580];
	[tilespmem:s31+$0x510] =	vst v19;
	v19 =	vmul.f32 v60, v59  }
0x95: {  	v30 =	vld [tilespmem:s31+$0x590];
	[tilespmem:s31+$0x520] =	vst v18;
	v18 =	vmul.f32 v61, v59  }
0x96: {  	v31 =	vld [tilespmem:s31+$0x5A0];
	[tilespmem:s31+$0x530] =	vst v19;
	v19 =	vmul.f32 v62, v59  }
0x97: {  	v33 =	vld [tilespmem:s31+$0x5B0];
	v32 =	vperm.xlane v17, v9;
	[tilespmem:s31+$0x540] =	vst v18;
	v18 =	vmul.f32 v63, v59  }
0x98: {  	v34 =	vld [tilespmem:s31+$0x5C0];
	[tilespmem:s31+$0x550] =	vst v19;
	v19 =	vmul.f32 v28, v59  }
0x99: {  	v35 =	vld [tilespmem:s31+$0x5D0];
	[tilespmem:s31+$0x560] =	vst v18;
	v18 =	vmul.f32 v29, v32  }
0x9a: {  	v36 =	vld [tilespmem:s31+$0x5E0];
	[tilespmem:s31+$0x570] =	vst v19;
	v19 =	vmul.f32 v30, v32  }
0x9b: {  	v37 =	vld [tilespmem:s31+$0x5F0];
	[tilespmem:s31+$0x580] =	vst v18;
	v18 =	vmul.f32 v31, v32  }
0x9c: {  	v38 =	vld [tilespmem:s31+$0x600];
	[tilespmem:s31+$0x590] =	vst v19;
	v19 =	vmul.f32 v33, v32  }
0x9d: {  	v39 =	vld [tilespmem:s31+$0x610];
	[tilespmem:s31+$0x5A0] =	vst v18;
	v18 =	vmul.f32 v34, v32  }
0x9e: {  	v40 =	vld [tilespmem:s31+$0x620];
	[tilespmem:s31+$0x5B0] =	vst v19;
	v19 =	vmul.f32 v35, v32  }
0x9f: {  	v42 =	vld [tilespmem:s31+$0x630];
	v41 =	vperm.xlane v17, v10;
	[tilespmem:s31+$0x5C0] =	vst v18;
	v18 =	vmul.f32 v36, v32  }
0xa0: {  	v43 =	vld [tilespmem:s31+$0x640];
	[tilespmem:s31+$0x5D0] =	vst v19;
	v19 =	vmul.f32 v37, v32  }
0xa1: {  	v44 =	vld [tilespmem:s31+$0x650];
	[tilespmem:s31+$0x5E0] =	vst v18;
	v18 =	vmul.f32 v38, v41  }
0xa2: {  	v45 =	vld [tilespmem:s31+$0x660];
	[tilespmem:s31+$0x5F0] =	vst v19;
	v19 =	vmul.f32 v39, v41  }
0xa3: {  	v46 =	vld [tilespmem:s31+$0x670];
	[tilespmem:s31+$0x600] =	vst v18;
	v18 =	vmul.f32 v40, v41  }
0xa4: {  	v47 =	vld [tilespmem:s31+$0x680];
	[tilespmem:s31+$0x610] =	vst v19;
	v19 =	vmul.f32 v42, v41  }
0xa5: {  	v48 =	vld [tilespmem:s31+$0x690];
	[tilespmem:s31+$0x620] =	vst v18;
	v18 =	vmul.f32 v43, v41  }
0xa6: {  	v49 =	vld [tilespmem:s31+$0x6A0];
	[tilespmem:s31+$0x630] =	vst v19;
	v19 =	vmul.f32 v44, v41  }
0xa7: {  	v51 =	vld [tilespmem:s31+$0x6B0];
	v50 =	vperm.xlane v17, v11;
	[tilespmem:s31+$0x640] =	vst v18;
	v18 =	vmul.f32 v45, v41  }
0xa8: {  	v52 =	vld [tilespmem:s31+$0x6C0];
	[tilespmem:s31+$0x650] =	vst v19;
	v19 =	vmul.f32 v46, v41  }
0xa9: {  	v53 =	vld [tilespmem:s31+$0x6D0];
	[tilespmem:s31+$0x660] =	vst v18;
	v18 =	vmul.f32 v47, v50  }
0xaa: {  	v54 =	vld [tilespmem:s31+$0x6E0];
	[tilespmem:s31+$0x670] =	vst v19;
	v19 =	vmul.f32 v48, v50  }
0xab: {  	v55 =	vld [tilespmem:s31+$0x6F0];
	[tilespmem:s31+$0x680] =	vst v18;
	v18 =	vmul.f32 v49, v50  }
0xac: {  	v56 =	vld [tilespmem:s31+$0x700];
	[tilespmem:s31+$0x690] =	vst v19;
	v19 =	vmul.f32 v51, v50  }
0xad: {  	v57 =	vld [tilespmem:s31+$0x710];
	[tilespmem:s31+$0x6A0] =	vst v18;
	v18 =	vmul.f32 v52, v50  }
0xae: {  	v58 =	vld [tilespmem:s31+$0x720];
	[tilespmem:s31+$0x6B0] =	vst v19;
	v19 =	vmul.f32 v53, v50  }
0xaf: {  	v60 =	vld [tilespmem:s31+$0x730];
	v59 =	vperm.xlane v17, v12;
	[tilespmem:s31+$0x6C0] =	vst v18;
	v18 =	vmul.f32 v54, v50  }
0xb0: {  	v61 =	vld [tilespmem:s31+$0x740];
	[tilespmem:s31+$0x6D0] =	vst v19;
	v19 =	vmul.f32 v55, v50  }
0xb1: {  	v62 =	vld [tilespmem:s31+$0x750];
	[tilespmem:s31+$0x6E0] =	vst v18;
	v18 =	vmul.f32 v56, v59  }
0xb2: {  	v63 =	vld [tilespmem:s31+$0x760];
	[tilespmem:s31+$0x6F0] =	vst v19;
	v19 =	vmul.f32 v57, v59  }
0xb3: {  	v28 =	vld [tilespmem:s31+$0x770];
	[tilespmem:s31+$0x700] =	vst v18;
	v18 =	vmul.f32 v58, v59  }
0xb4: {  	v29 =	vld [tilespmem:s31+$0x780];
	[tilespmem:s31+$0x710] =	vst v19;
	v19 =	vmul.f32 v60, v59  }
0xb5: {  	v30 =	vld [tilespmem:s31+$0x790];
	[tilespmem:s31+$0x720] =	vst v18;
	v18 =	vmul.f32 v61, v59  }
0xb6: {  	v31 =	vld [tilespmem:s31+$0x7A0];
	[tilespmem:s31+$0x730] =	vst v19;
	v19 =	vmul.f32 v62, v59  }
0xb7: {  	v33 =	vld [tilespmem:s31+$0x7B0];
	v32 =	vperm.xlane v17, v13;
	[tilespmem:s31+$0x740] =	vst v18;
	v18 =	vmul.f32 v63, v59  }
0xb8: {  	v34 =	vld [tilespmem:s31+$0x7C0];
	[tilespmem:s31+$0x750] =	vst v19;
	v19 =	vmul.f32 v28, v59  }
0xb9: {  	v35 =	vld [tilespmem:s31+$0x7D0];
	[tilespmem:s31+$0x760] =	vst v18;
	v18 =	vmul.f32 v29, v32  }
0xba: {  	v36 =	vld [tilespmem:s31+$0x7E0];
	[tilespmem:s31+$0x770] =	vst v19;
	v19 =	vmul.f32 v30, v32  }
0xbb: {  	v37 =	vld [tilespmem:s31+$0x7F0];
	[tilespmem:s31+$0x780] =	vst v18;
	v18 =	vmul.f32 v31, v32  }
0xbc: {  	v38 =	vld [tilespmem:s31+$0x800];
	[tilespmem:s31+$0x790] =	vst v19;
	v19 =	vmul.f32 v33, v32  }
0xbd: {  	v39 =	vld [tilespmem:s31+$0x810];
	[tilespmem:s31+$0x7A0] =	vst v18;
	v18 =	vmul.f32 v34, v32  }
0xbe: {  	v40 =	vld [tilespmem:s31+$0x820];
	[tilespmem:s31+$0x7B0] =	vst v19;
	v19 =	vmul.f32 v35, v32  }
0xbf: {  	v42 =	vld [tilespmem:s31+$0x830];
	v41 =	vperm.xlane v17, v14;
	[tilespmem:s31+$0x7C0] =	vst v18;
	v18 =	vmul.f32 v36, v32  }
0xc0: {  	v43 =	vld [tilespmem:s31+$0x840];
	[tilespmem:s31+$0x7D0] =	vst v19;
	v19 =	vmul.f32 v37, v32  }
0xc1: {  	v44 =	vld [tilespmem:s31+$0x850];
	[tilespmem:s31+$0x7E0] =	vst v18;
	v18 =	vmul.f32 v38, v41  }
0xc2: {  	v45 =	vld [tilespmem:s31+$0x860];
	[tilespmem:s31+$0x7F0] =	vst v19;
	v19 =	vmul.f32 v39, v41  }
0xc3: {  	v46 =	vld [tilespmem:s31+$0x870];
	[tilespmem:s31+$0x800] =	vst v18;
	v18 =	vmul.f32 v40, v41  }
0xc4: {  	v47 =	vld [tilespmem:s31+$0x880];
	[tilespmem:s31+$0x810] =	vst v19;
	v19 =	vmul.f32 v42, v41  }
0xc5: {  	v48 =	vld [tilespmem:s31+$0x890];
	[tilespmem:s31+$0x820] =	vst v18;
	v18 =	vmul.f32 v43, v41  }
0xc6: {  	v49 =	vld [tilespmem:s31+$0x8A0];
	[tilespmem:s31+$0x830] =	vst v19;
	v19 =	vmul.f32 v44, v41  }
0xc7: {  	v51 =	vld [tilespmem:s31+$0x8B0];
	v50 =	vperm.xlane v17, v15;
	[tilespmem:s31+$0x840] =	vst v18;
	v18 =	vmul.f32 v45, v41  }
0xc8: {  	v52 =	vld [tilespmem:s31+$0x8C0];
	[tilespmem:s31+$0x850] =	vst v19;
	v19 =	vmul.f32 v46, v41  }
0xc9: {  	v53 =	vld [tilespmem:s31+$0x8D0];
	[tilespmem:s31+$0x860] =	vst v18;
	v18 =	vmul.f32 v47, v50  }
0xca: {  	v54 =	vld [tilespmem:s31+$0x8E0];
	[tilespmem:s31+$0x870] =	vst v19;
	v19 =	vmul.f32 v48, v50  }
0xcb: {  	v55 =	vld [tilespmem:s31+$0x8F0];
	[tilespmem:s31+$0x880] =	vst v18;
	v18 =	vmul.f32 v49, v50  }
0xcc: {  	v56 =	vld [tilespmem:s31+$0x900];
	[tilespmem:s31+$0x890] =	vst v19;
	v19 =	vmul.f32 v51, v50  }
0xcd: {  	v57 =	vld [tilespmem:s31+$0x910];
	[tilespmem:s31+$0x8A0] =	vst v18;
	v18 =	vmul.f32 v52, v50  }
0xce: {  	v58 =	vld [tilespmem:s31+$0x920];
	[tilespmem:s31+$0x8B0] =	vst v19;
	v19 =	vmul.f32 v53, v50  }
0xcf: {  	v17 =	vperm.xlane v17, v16;
	v59 =	vld [tilespmem:s31+$0x930];
	[tilespmem:s31+$0x8C0] =	vst v18;
	v18 =	vmul.f32 v54, v50  }
0xd0: {  	v60 =	vld [tilespmem:s31+$0x940];
	[tilespmem:s31+$0x8D0] =	vst v19;
	v19 =	vmul.f32 v55, v50  }
0xd1: {  	v61 =	vld [tilespmem:s31+$0x950];
	[tilespmem:s31+$0x8E0] =	vst v18;
	v18 =	vmul.f32 v56, v17  }
0xd2: {  	v62 =	vld [tilespmem:s31+$0x960];
	[tilespmem:s31+$0x8F0] =	vst v19;
	v19 =	vmul.f32 v57, v17  }
0xd3: {  	v63 =	vld [tilespmem:s31+$0x970];
	[tilespmem:s31+$0x900] =	vst v18;
	v18 =	vmul.f32 v58, v17  }
0xd4: {  	[tilespmem:s31+$0x910] =	vst v19;
	v19 =	vmul.f32 v59, v17  }
0xd5: {  	p0 =	sne.s32 s30, $0x7;
	[tilespmem:s31+$0x920] =	vst v18;
	v18 =	vmul.f32 v60, v17  }
.Ltmp1:
0xd6: {  	[tilespmem:s31+$0x930] =	vst v19;
	v19 =	vmul.f32 v61, v17;
	(pc) =	sbr.rel @p0 .LBB2_5-.Ltmp1, $4  }
0xd7: {  	[tilespmem:s31+$0x940] =	vst v18;
	v18 =	vmul.f32 v62, v17  }
0xd8: {  	[tilespmem:s31+$0x950] =	vst v19;
	v17 =	vmul.f32 v63, v17  }
0xd9: {  	[tilespmem:s31+$0x960] =	vst v18  }
0xda: {  	s30 =	sadd.s32 $0x1, s30;
	[tilespmem:s31+$0x970] =	vst v17  }
0xdb: {  	s29 =	sadd.s32 $0x1, s29  }
0xdc: {  	p0 =	sne.s32 s29, $0x50  }
.Ltmp2:
0xdd: {  	_ = 	snop;
	(pc) =	sbr.rel @p0 .LBB2_4-.Ltmp2, $4  }
0xde: {  	[spmem:s3] =	stream.indirect.scatter.add.f32 [tilespmem:s24], [sflag:$0x2], $0x80, s22, s22, $0xb8;
	[tilespmem:$0x1C180] =	vst v63  }
0xdf: {  	_ =	swait.ge [sflag:s21], $0x4000  }
0xe0: {  	[sflag:s21] =	ssyncset.done $0x0  }
0xe1: {  	[sflag:s21] =	ssyncadd.s32 $0xFFFFC000  }
0xe2: {  	[bflag:$0x0] =	sbarrier.arrive $0xFFFF  }
0xe3: {  	[tilespmem:s20], [sflag:$0x2] =	stream.linear.gather [spmem:s8], $0x4000, $0x38;
	[tilespmem:$0x1C180] =	vst v63  }
0xe4: {  	_ =	swait.ge [sflag:s21], $0x4000  }
0xe5: {  	[sflag:s21] =	ssyncset.done $0x0  }
0xe6: {  	[sflag:s21] =	ssyncadd.s32 $0xFFFFC000  }
0xe7: {  	[hbm4b:s14+s5] =	stream.linear.scatter [tilespmem:s20], [sflag:$0x2], $0x4000, $0x38;
	[tilespmem:$0x1C180] =	vst v63  }
0xe8: {  	_ =	swait.ge [sflag:s21], $0x4000  }
0xe9: {  	[sflag:s21] =	ssyncset.done $0x0  }
0xea: {  	[sflag:s21] =	ssyncadd.s32 $0xFFFFC000  }
0xeb: {  	[tilespmem:s20], [sflag:$0x2] =	stream.linear.gather [spmem:s9], $0x4000, $0x38;
	[tilespmem:$0x1C180] =	vst v63  }
0xec: {  	_ =	swait.ge [sflag:s21], $0x4000  }
0xed: {  	[sflag:s21] =	ssyncset.done $0x0  }
0xee: {  	[sflag:s21] =	ssyncadd.s32 $0xFFFFC000  }
0xef: {  	[hbm4b:s15+s5] =	stream.linear.scatter [tilespmem:s20], [sflag:$0x2], $0x4000, $0x38;
	[tilespmem:$0x1C180] =	vst v63  }
0xf0: {  	_ =	swait.ge [sflag:s21], $0x4000  }
0xf1: {  	[sflag:s21] =	ssyncset.done $0x0  }
0xf2: {  	[sflag:s21] =	ssyncadd.s32 $0xFFFFC000  }
0xf3: {  	[tilespmem:s20], [sflag:$0x2] =	stream.linear.gather [spmem:s10], $0x4000, $0x38;
	[tilespmem:$0x1C180] =	vst v63  }
0xf4: {  	_ =	swait.ge [sflag:s21], $0x4000  }
0xf5: {  	[sflag:s21] =	ssyncset.done $0x0  }
0xf6: {  	[sflag:s21] =	ssyncadd.s32 $0xFFFFC000  }
0xf7: {  	[hbm4b:s16+s5] =	stream.linear.scatter [tilespmem:s20], [sflag:$0x2], $0x4000, $0x38;
	[tilespmem:$0x1C180] =	vst v63  }
0xf8: {  	_ =	swait.ge [sflag:s21], $0x4000  }
0xf9: {  	[sflag:s21] =	ssyncset.done $0x0  }
0xfa: {  	[sflag:s21] =	ssyncadd.s32 $0xFFFFC000  }
0xfb: {  	[tilespmem:s20], [sflag:$0x2] =	stream.linear.gather [spmem:s11], $0x4000, $0x38;
	[tilespmem:$0x1C180] =	vst v63  }
0xfc: {  	_ =	swait.ge [sflag:s21], $0x4000  }
0xfd: {  	[sflag:s21] =	ssyncset.done $0x0  }
0xfe: {  	[sflag:s21] =	ssyncadd.s32 $0xFFFFC000  }
0xff: {  	[hbm4b:s17+s5] =	stream.linear.scatter [tilespmem:s20], [sflag:$0x2], $0x4000, $0x38;
	[tilespmem:$0x1C180] =	vst v63  }
0x100: {  	_ =	swait.ge [sflag:s21], $0x4000  }
0x101: {  	[sflag:s21] =	ssyncset.done $0x0  }
0x102: {  	[sflag:s21] =	ssyncadd.s32 $0xFFFFC000  }
0x103: {  	[tilespmem:s20], [sflag:$0x2] =	stream.linear.gather [spmem:s12], $0x4000, $0x38;
	[tilespmem:$0x1C180] =	vst v63  }
0x104: {  	s26 =	sadd.s32 $0x1, s26;
	_ =	swait.ge [sflag:s21], $0x4000  }
0x105: {  	p0 =	sne.s32 s26, s19;
	[sflag:s21] =	ssyncset.done $0x0  }
.Ltmp3:
0x106: {  	[sflag:s21] =	ssyncadd.s32 $0xFFFFC000;
	(pc) =	sbr.rel @p0 .LBB2_1-.Ltmp3, $4  }
0x107: {  	[hbm4b:s18+s5] =	stream.linear.scatter [tilespmem:s20], [sflag:$0x2], $0x4000, $0x38;
	[tilespmem:$0x1C180] =	vst v63  }
0x108: {  	_ =	swait.ge [sflag:s21], $0x4000  }
0x109: {  	[sflag:s21] =	ssyncset.done $0x0  }
0x10a: {  	[sflag:s21] =	ssyncadd.s32 $0xFFFFC000  }
0x10b: {  	_ =	sfence.sel $0x180000  }
0x10c: {  	[bflag:$0x0] =	sbarrier.arrive $0xFFFF  }
0x10d: {  	p0 =	sne.s32 s4, $0x0;
	_ =	strace $0x90000047  }
0x10e: {  	s0 =	sadd.s32 @!p0 $0x100000, s0;
	[bflag:$0x2] =	sbarrier.arrive $0xFFFF  }
0x10f: {  	[sflag:s0] =	ssyncadd.tile.s32 @!p0 $0x1;
	_ =	shalt  }
.Lfunc_end2:
_tile_overlayer_lowered:
.L_overlay_start_2:
0x110: {  	(tag) =	ssettag $0x2  }
0x111: {  	s0 =	rddreg [dreg:$0x0];
	s2 =	stileid.u32  }
0x112: {  	s1 =	rddreg [dreg:$0x1];
	p0 =	sne.s32 s2, $0x0  }
0x113: {  	s3 =	rddreg [dreg:$0x2];
	[bflag:$0x3] =	sbarrier.arrive $0xFFFF;
	s2 =	simm.s32 @!p0 $0x1C02  }
0x114: {  	[timem:s3], [sflag:s2] =	dma.local @!p0 [hbm:s0], s1  }
0x115: {  	s0 =	simm.s32 @!p0 $0x2  }
0x116: {  	_ =	swait.ge @!p0 [sflag:s0], s1  }
0x117: {  	s1 =	ssub.s32 @!p0 $0x0, s1;
	[sflag:s0] =	ssyncset.done @!p0 $0x0  }
0x118: {  	[sflag:s0] =	ssyncadd.s32 @!p0 s1  }
0x119: {  	[bflag:$0x3] =	sbarrier.arrive $0xFFFF  }
0x11a: {  	_ =	shalt  }

</sc_bundles>
